<compile_context>
chip_gen: v7x
topology: tpu7x:2x2x1
jax: 0.10.2.dev20260603
libtpu: 0.0.44.dev20260713+nightly
codegen_flags: <defaults>
</compile_context>

<pallas_src>
import functools

import jax
import jax.numpy as jnp
from jax import lax
from jax.experimental import pallas as pl
from jax.experimental.pallas import tpu as pltpu
from jax.experimental.pallas import tpu_sc as plsc

NUM_CORES = 2
NUM_SUBCORES = 16
LANES = 16
NW = NUM_CORES * NUM_SUBCORES

B, S, E, K = 4, 4096, 64, 8
ROWS = B * S
RPW = ROWS // NW
GROUPS = RPW // LANES
WFLAT = B * S * K
WPW = WFLAT // NW
TILE_REPS = 4


def _sc_body(logits_hbm, w_hbm, hist_hbm, outw_hbm, buf, hist_v, wbuf, sem_l, sem_w):
    wid = lax.axis_index("s") * NUM_CORES + lax.axis_index("c")

    logits_cp = pltpu.async_copy(
        logits_hbm.at[pl.ds(wid * RPW, RPW)], buf, sem_l)

    pltpu.async_copy(w_hbm.at[pl.ds(wid * WPW, WPW)], wbuf, sem_w).wait()
    b = wid // (NW // B)
    r0 = (wid % (NW // B)) * WPW
    for j in range(TILE_REPS):
        pltpu.sync_copy(
            wbuf, outw_hbm.at[pl.ds(b * (TILE_REPS * S * K) + j * (S * K) + r0, WPW)])

    zeros16 = jnp.zeros((LANES,), jnp.int32)
    for j in range(E // LANES):
        hist_v[pl.ds(j * LANES, LANES)] = zeros16

    logits_cp.wait()

    lanes = lax.iota(jnp.int32, LANES)
    neg_inf = jnp.full((LANES,), -jnp.inf, jnp.float32)
    fours = jnp.full((LANES,), TILE_REPS, jnp.int32)

    def group_body(g, carry):
        rows = g * jnp.int32(LANES) + lanes

        def round_body(r, carry):
            best = jnp.full((LANES,), -jnp.inf, jnp.float32)
            bidx = jnp.zeros((LANES,), jnp.int32)
            for e in range(E):
                v = plsc.load_gather(buf, [rows, jnp.full((LANES,), e, jnp.int32)])
                better = v > best
                best = jnp.where(better, v, best)
                bidx = jnp.where(better, jnp.full((LANES,), e, jnp.int32), bidx)
            plsc.store_scatter(buf, [rows, bidx], neg_inf)
            plsc.addupdate_scatter(hist_v, [bidx], fours)
            return carry

        return lax.fori_loop(jnp.int32(0), jnp.int32(K), round_body, carry)

    lax.fori_loop(jnp.int32(0), jnp.int32(GROUPS), group_body, jnp.int32(0))

    pltpu.sync_copy(hist_v, hist_hbm.at[pl.ds(wid * E, E)])


@functools.partial(jax.jit, static_argnums=())
def _sc_call(logits2d, w_flat):
    fn = pl.kernel(
        _sc_body,
        out_type=[
            jax.ShapeDtypeStruct((NW * E,), jnp.int32),
            jax.ShapeDtypeStruct((B * TILE_REPS * S * K,), jnp.float32),
        ],
        mesh=plsc.VectorSubcoreMesh(core_axis_name="c", subcore_axis_name="s"),
        compiler_params=pltpu.CompilerParams(needs_layout_passes=False),
        scratch_types=[
            pltpu.VMEM((RPW, E), jnp.float32),
            pltpu.VMEM((E,), jnp.int32),
            pltpu.VMEM((WPW,), jnp.float32),
            pltpu.SemaphoreType.DMA,
            pltpu.SemaphoreType.DMA,
        ],
    )
    return fn(logits2d, w_flat)


def kernel(router_weights, router_logits, mask, local_load_logits, layer_idx,
           num_experts_per_tok):
    logits2d = router_logits.astype(jnp.float32).reshape(ROWS, E)
    w_flat = router_weights.astype(jnp.float32).reshape(WFLAT)

    hist_flat, outw = _sc_call(logits2d, w_flat)

    counts = jnp.sum(hist_flat.reshape(NW, E), axis=0, dtype=jnp.int64)
    lll = local_load_logits.at[layer_idx].set(counts)
    tokens_per_expert = lll[:1]
    selected_router_weights = outw.reshape(B, TILE_REPS * S, K)
    return tokens_per_expert, lll, selected_router_weights

# --- scband reference (transcript-rebuilt; emitter-appended) ---
"""Pipeline reference for scband-aux-loss-context-15058155340361 (READ-ONLY COPY).

The authoritative reference and input builder live on the scoring server;
editing this copy changes nothing except your own understanding.
"""

import jax, jax.numpy as jnp
import numpy as np
jax.config.update('jax_enable_x64', True)

NUM_LAYERS = 32
N_ROUTED_EXPERTS = 64
B, S, K = 4, 4096, 8


def setup_inputs(seed: int = 0) -> dict:
    key = jax.random.key(seed)
    k1, k2 = jax.random.split(key)
    router_weights = jax.random.uniform(k1, (B, S, K), dtype=jnp.float32)
    router_logits = jax.random.normal(k2, (B, S, N_ROUTED_EXPERTS), dtype=jnp.float32)
    mask = jnp.ones((B, S), dtype=jnp.int32)
    local_load_logits = jnp.zeros((NUM_LAYERS, N_ROUTED_EXPERTS), dtype=jnp.int64)
    return {
        'router_weights': router_weights,
        'router_logits': router_logits,
        'mask': mask,
        'local_load_logits': local_load_logits,
        'layer_idx': 0,
        'num_experts_per_tok': K,
    }


def _select_nonpad(tensor, mask, dim=1):
    # torch.nonzero(mask, as_tuple=True)[1]: column indices of nonzero entries
    n = int(np.prod(mask.shape))
    indices = jnp.nonzero(mask, size=n)[1]
    selected = jnp.take(tensor, indices, axis=dim).astype(jnp.float32)
    return selected, indices


def reference(router_weights, router_logits, mask, local_load_logits, layer_idx, num_experts_per_tok):
    n_routed_experts = local_load_logits.shape[1]
    # AuxLossContext.accumulate (balancing_ctx=None, z_ctx=None path)
    selected_router_weights, _ = _select_nonpad(router_weights, mask, dim=1)
    selected_router_logits, _ = _select_nonpad(router_logits, mask, dim=1)
    k_static = router_weights.shape[2]
    _, selected_experts = jax.lax.top_k(selected_router_logits, k_static)
    # torch.histc(selected_experts, bins=E, min=0, max=E) over integer expert ids
    tokens_per_expert_logits = jnp.bincount(
        selected_experts.reshape(-1), length=n_routed_experts
    ).astype(jnp.int64)
    tokens_per_expert_logits = tokens_per_expert_logits * (num_experts_per_tok // num_experts_per_tok)
    local_load_logits = local_load_logits.at[layer_idx].set(tokens_per_expert_logits)
    # _cal_tokens_per_expert with active_layers = layer_idx + 1, no dist
    active_layers = 1
    tokens_per_expert = local_load_logits[:active_layers]
    return tokens_per_expert, local_load_logits, selected_router_weights


if False:  # reference __main__ guard neutralized (emitter)
    out = reference(**setup_inputs())
    for o in out:
        print(o.shape, o.dtype)

if __name__ == "__main__":
    import jax
    _d = setup_inputs()
    print(jax.jit(kernel)(*tuple(_d.values())))

</pallas_src>

<mosaic_0001>
#map = affine_map<(d0, d1) -> (0, 0)>
#map1 = affine_map<(d0, d1) -> (0)>
module attributes {stable_mosaic.version = 14 : i64} {
  func.func @_sc_body(%arg0: i32, %arg1: i32, %arg2: memref<16384x64xf32, #tpu.memory_space<hbm>>, %arg3: memref<131072xf32, #tpu.memory_space<hbm>>, %arg4: memref<2048xi32, #tpu.memory_space<hbm>>, %arg5: memref<524288xf32, #tpu.memory_space<hbm>>, %arg6: memref<512x64xf32, #tpu.memory_space<vmem>>, %arg7: memref<64xi32, #tpu.memory_space<vmem>>, %arg8: memref<4096xf32, #tpu.memory_space<vmem>>, %arg9: memref<!tpu.dma_semaphore, #tpu.memory_space<semaphore_mem>>, %arg10: memref<!tpu.dma_semaphore, #tpu.memory_space<semaphore_mem>>) attributes {dimension_semantics = [#tpu.dimension_semantics<core_parallel>, #tpu.dimension_semantics<subcore_parallel>], iteration_bounds = array<i64: 2, 16>, scalar_prefetch = 0 : i64, scratch_operands = 5 : i64, tpu.core_type = #tpu.core_type<sc_vector_subcore>, window_params = [{transform_indices = #map}, {transform_indices = #map1}, {transform_indices = #map1}, {transform_indices = #map1}]} {
    %mul3A = arith.constant 2 : i32
    %mul3A_0 = arith.muli %arg1, %mul3A : i32
    %add3A = arith.addi %mul3A_0, %arg0 : i32
    %mul3A_1 = arith.constant 512 : i32
    %mul3A_2 = arith.muli %add3A, %mul3A_1 : i32
    %dma_start3A = arith.constant 0 : i32
    %dma_start3A_3 = tpu.memref_slice %arg2[%mul3A_2, %dma_start3A] : memref<16384x64xf32, #tpu.memory_space<hbm>> -> memref<512x64xf32, #tpu.memory_space<hbm>>
    %dma_start3A_4 = arith.constant 0 : i32
    %dma_start3A_5 = tpu.memref_slice %arg2[%mul3A_2, %dma_start3A_4] : memref<16384x64xf32, #tpu.memory_space<hbm>> -> memref<512x64xf32, #tpu.memory_space<hbm>>
    tpu.enqueue_dma source(%dma_start3A_5 : memref<512x64xf32, #tpu.memory_space<hbm>>) target(%arg6 : memref<512x64xf32, #tpu.memory_space<vmem>>) target_semaphore(%arg9 : memref<!tpu.dma_semaphore, #tpu.memory_space<semaphore_mem>>)
    %mul3A_6 = arith.constant 4096 : i32
    %mul3A_7 = arith.muli %add3A, %mul3A_6 : i32
    %dma_start3A_8 = tpu.memref_slice %arg3[%mul3A_7] : memref<131072xf32, #tpu.memory_space<hbm>> -> memref<4096xf32, #tpu.memory_space<hbm>>
    %dma_start3A_9 = tpu.memref_slice %arg3[%mul3A_7] : memref<131072xf32, #tpu.memory_space<hbm>> -> memref<4096xf32, #tpu.memory_space<hbm>>
    tpu.enqueue_dma source(%dma_start3A_9 : memref<4096xf32, #tpu.memory_space<hbm>>) target(%arg8 : memref<4096xf32, #tpu.memory_space<vmem>>) target_semaphore(%arg10 : memref<!tpu.dma_semaphore, #tpu.memory_space<semaphore_mem>>)
    %dma_wait3A = tpu.memref_slice %arg3[%mul3A_7] : memref<131072xf32, #tpu.memory_space<hbm>> -> memref<4096xf32, #tpu.memory_space<hbm>>
    %dma_wait3A_10 = tpu.memref_slice %arg3[%mul3A_7] : memref<131072xf32, #tpu.memory_space<hbm>> -> memref<4096xf32, #tpu.memory_space<hbm>>
    tpu.wait_dma2 semaphore(%arg10 : memref<!tpu.dma_semaphore, #tpu.memory_space<semaphore_mem>>) src(%dma_wait3A_10 : memref<4096xf32, #tpu.memory_space<hbm>>) dst(%arg8 : memref<4096xf32, #tpu.memory_space<vmem>>)
    %jit3A = arith.constant 8 : i64
    %convert_element_type3A = arith.trunci %jit3A : i64 to i32
    %div3A = arith.divsi %add3A, %convert_element_type3A : i32
    %sign3A = arith.constant 0 : i32
    %sign3A_11 = arith.cmpi sgt, %add3A, %sign3A : i32
    %sign3A_12 = arith.extui %sign3A_11 : i1 to i32
    %sign3A_13 = arith.constant 0 : i32
    %sign3A_14 = arith.cmpi slt, %add3A, %sign3A_13 : i32
    %sign3A_15 = arith.extui %sign3A_14 : i1 to i32
    %sign3A_16 = arith.subi %sign3A_12, %sign3A_15 : i32
    %sign3A_17 = arith.constant 0 : i32
    %sign3A_18 = arith.cmpi sgt, %convert_element_type3A, %sign3A_17 : i32
    %sign3A_19 = arith.extui %sign3A_18 : i1 to i32
    %sign3A_20 = arith.constant 0 : i32
    %sign3A_21 = arith.cmpi slt, %convert_element_type3A, %sign3A_20 : i32
    %sign3A_22 = arith.extui %sign3A_21 : i1 to i32
    %sign3A_23 = arith.subi %sign3A_19, %sign3A_22 : i32
    %ne3A = arith.cmpi ne, %sign3A_16, %sign3A_23 : i32
    %rem3A = arith.remsi %add3A, %convert_element_type3A : i32
    %ne3A_24 = arith.constant 0 : i32
    %ne3A_25 = arith.cmpi ne, %rem3A, %ne3A_24 : i32
    %and3A = arith.andi %ne3A, %ne3A_25 : i1
    %sub3A = arith.constant 1 : i32
    %sub3A_26 = arith.subi %div3A, %sub3A : i32
    %select_n3A = arith.select %and3A, %sub3A_26, %div3A : i32
    %jit3A_27 = arith.constant 8 : i64
    %convert_element_type3A_28 = arith.trunci %jit3A_27 : i64 to i32
    %eq3A = arith.constant 0 : i32
    %eq3A_29 = arith.cmpi eq, %convert_element_type3A_28, %eq3A : i32
    %jit3A_30 = arith.constant 1 : i32
    %select_n3A_31 = arith.select %eq3A_29, %jit3A_30, %convert_element_type3A_28 : i32
    %rem3A_32 = arith.remsi %add3A, %select_n3A_31 : i32
    %ne3A_33 = arith.constant 0 : i32
    %ne3A_34 = arith.cmpi ne, %rem3A_32, %ne3A_33 : i32
    %lt3A = arith.constant 0 : i32
    %lt3A_35 = arith.cmpi slt, %rem3A_32, %lt3A : i32
    %lt3A_36 = arith.constant 0 : i32
    %lt3A_37 = arith.cmpi slt, %select_n3A_31, %lt3A_36 : i32
    %ne3A_38 = arith.xori %lt3A_35, %lt3A_37 : i1
    %and3A_39 = arith.andi %ne3A_38, %ne3A_34 : i1
    %add3A_40 = arith.addi %rem3A_32, %select_n3A_31 : i32
    %select_n3A_41 = arith.select %and3A_39, %add3A_40, %rem3A_32 : i32
    %mul3A_42 = arith.constant 4096 : i32
    %mul3A_43 = arith.muli %select_n3A_41, %mul3A_42 : i32
    %mul3A_44 = arith.constant 131072 : i32
    %mul3A_45 = arith.muli %select_n3A, %mul3A_44 : i32
    %add3A_46 = arith.constant 0 : i32
    %add3A_47 = arith.addi %mul3A_45, %add3A_46 : i32
    %add3A_48 = arith.addi %add3A_47, %mul3A_43 : i32
    "tpu.region"() ({
      %run_scoped3A = tpu.sem_alloc : memref<!tpu.dma_semaphore, #tpu.memory_space<semaphore_mem>>
      %dma_start3A_92 = tpu.memref_slice %arg5[%add3A_48] : memref<524288xf32, #tpu.memory_space<hbm>> -> memref<4096xf32, #tpu.memory_space<hbm>>
      %dma_start3A_93 = tpu.memref_slice %arg5[%add3A_48] : memref<524288xf32, #tpu.memory_space<hbm>> -> memref<4096xf32, #tpu.memory_space<hbm>>
      tpu.enqueue_dma source(%arg8 : memref<4096xf32, #tpu.memory_space<vmem>>) target(%dma_start3A_93 : memref<4096xf32, #tpu.memory_space<hbm>>) target_semaphore(%run_scoped3A : memref<!tpu.dma_semaphore, #tpu.memory_space<semaphore_mem>>)
      %dma_wait3A_94 = tpu.memref_slice %arg5[%add3A_48] : memref<524288xf32, #tpu.memory_space<hbm>> -> memref<4096xf32, #tpu.memory_space<hbm>>
      %dma_wait3A_95 = tpu.memref_slice %arg5[%add3A_48] : memref<524288xf32, #tpu.memory_space<hbm>> -> memref<4096xf32, #tpu.memory_space<hbm>>
      tpu.wait_dma2 semaphore(%run_scoped3A : memref<!tpu.dma_semaphore, #tpu.memory_space<semaphore_mem>>) src(%arg8 : memref<4096xf32, #tpu.memory_space<vmem>>) dst(%dma_wait3A_95 : memref<4096xf32, #tpu.memory_space<hbm>>)
      tpu.yield
    }) : () -> ()
    %mul3A_49 = arith.constant 131072 : i32
    %mul3A_50 = arith.muli %select_n3A, %mul3A_49 : i32
    %add3A_51 = arith.constant 32768 : i32
    %add3A_52 = arith.addi %mul3A_50, %add3A_51 : i32
    %add3A_53 = arith.addi %add3A_52, %mul3A_43 : i32
    "tpu.region"() ({
      %run_scoped3A = tpu.sem_alloc : memref<!tpu.dma_semaphore, #tpu.memory_space<semaphore_mem>>
      %dma_start3A_92 = tpu.memref_slice %arg5[%add3A_53] : memref<524288xf32, #tpu.memory_space<hbm>> -> memref<4096xf32, #tpu.memory_space<hbm>>
      %dma_start3A_93 = tpu.memref_slice %arg5[%add3A_53] : memref<524288xf32, #tpu.memory_space<hbm>> -> memref<4096xf32, #tpu.memory_space<hbm>>
      tpu.enqueue_dma source(%arg8 : memref<4096xf32, #tpu.memory_space<vmem>>) target(%dma_start3A_93 : memref<4096xf32, #tpu.memory_space<hbm>>) target_semaphore(%run_scoped3A : memref<!tpu.dma_semaphore, #tpu.memory_space<semaphore_mem>>)
      %dma_wait3A_94 = tpu.memref_slice %arg5[%add3A_53] : memref<524288xf32, #tpu.memory_space<hbm>> -> memref<4096xf32, #tpu.memory_space<hbm>>
      %dma_wait3A_95 = tpu.memref_slice %arg5[%add3A_53] : memref<524288xf32, #tpu.memory_space<hbm>> -> memref<4096xf32, #tpu.memory_space<hbm>>
      tpu.wait_dma2 semaphore(%run_scoped3A : memref<!tpu.dma_semaphore, #tpu.memory_space<semaphore_mem>>) src(%arg8 : memref<4096xf32, #tpu.memory_space<vmem>>) dst(%dma_wait3A_95 : memref<4096xf32, #tpu.memory_space<hbm>>)
      tpu.yield
    }) : () -> ()
    %mul3A_54 = arith.constant 131072 : i32
    %mul3A_55 = arith.muli %select_n3A, %mul3A_54 : i32
    %add3A_56 = arith.constant 65536 : i32
    %add3A_57 = arith.addi %mul3A_55, %add3A_56 : i32
    %add3A_58 = arith.addi %add3A_57, %mul3A_43 : i32
    "tpu.region"() ({
      %run_scoped3A = tpu.sem_alloc : memref<!tpu.dma_semaphore, #tpu.memory_space<semaphore_mem>>
      %dma_start3A_92 = tpu.memref_slice %arg5[%add3A_58] : memref<524288xf32, #tpu.memory_space<hbm>> -> memref<4096xf32, #tpu.memory_space<hbm>>
      %dma_start3A_93 = tpu.memref_slice %arg5[%add3A_58] : memref<524288xf32, #tpu.memory_space<hbm>> -> memref<4096xf32, #tpu.memory_space<hbm>>
      tpu.enqueue_dma source(%arg8 : memref<4096xf32, #tpu.memory_space<vmem>>) target(%dma_start3A_93 : memref<4096xf32, #tpu.memory_space<hbm>>) target_semaphore(%run_scoped3A : memref<!tpu.dma_semaphore, #tpu.memory_space<semaphore_mem>>)
      %dma_wait3A_94 = tpu.memref_slice %arg5[%add3A_58] : memref<524288xf32, #tpu.memory_space<hbm>> -> memref<4096xf32, #tpu.memory_space<hbm>>
      %dma_wait3A_95 = tpu.memref_slice %arg5[%add3A_58] : memref<524288xf32, #tpu.memory_space<hbm>> -> memref<4096xf32, #tpu.memory_space<hbm>>
      tpu.wait_dma2 semaphore(%run_scoped3A : memref<!tpu.dma_semaphore, #tpu.memory_space<semaphore_mem>>) src(%arg8 : memref<4096xf32, #tpu.memory_space<vmem>>) dst(%dma_wait3A_95 : memref<4096xf32, #tpu.memory_space<hbm>>)
      tpu.yield
    }) : () -> ()
    %mul3A_59 = arith.constant 131072 : i32
    %mul3A_60 = arith.muli %select_n3A, %mul3A_59 : i32
    %add3A_61 = arith.constant 98304 : i32
    %add3A_62 = arith.addi %mul3A_60, %add3A_61 : i32
    %add3A_63 = arith.addi %add3A_62, %mul3A_43 : i32
    "tpu.region"() ({
      %run_scoped3A = tpu.sem_alloc : memref<!tpu.dma_semaphore, #tpu.memory_space<semaphore_mem>>
      %dma_start3A_92 = tpu.memref_slice %arg5[%add3A_63] : memref<524288xf32, #tpu.memory_space<hbm>> -> memref<4096xf32, #tpu.memory_space<hbm>>
      %dma_start3A_93 = tpu.memref_slice %arg5[%add3A_63] : memref<524288xf32, #tpu.memory_space<hbm>> -> memref<4096xf32, #tpu.memory_space<hbm>>
      tpu.enqueue_dma source(%arg8 : memref<4096xf32, #tpu.memory_space<vmem>>) target(%dma_start3A_93 : memref<4096xf32, #tpu.memory_space<hbm>>) target_semaphore(%run_scoped3A : memref<!tpu.dma_semaphore, #tpu.memory_space<semaphore_mem>>)
      %dma_wait3A_94 = tpu.memref_slice %arg5[%add3A_63] : memref<524288xf32, #tpu.memory_space<hbm>> -> memref<4096xf32, #tpu.memory_space<hbm>>
      %dma_wait3A_95 = tpu.memref_slice %arg5[%add3A_63] : memref<524288xf32, #tpu.memory_space<hbm>> -> memref<4096xf32, #tpu.memory_space<hbm>>
      tpu.wait_dma2 semaphore(%run_scoped3A : memref<!tpu.dma_semaphore, #tpu.memory_space<semaphore_mem>>) src(%arg8 : memref<4096xf32, #tpu.memory_space<vmem>>) dst(%dma_wait3A_95 : memref<4096xf32, #tpu.memory_space<hbm>>)
      tpu.yield
    }) : () -> ()
    %broadcast_in_dim3A = arith.constant 0 : i32
    %broadcast_in_dim3A_64 = vector.broadcast %broadcast_in_dim3A : i32 to vector<16xi32>
    %swap3A = arith.constant 0 : index
    %swap3A_65 = tpu.vector_load %arg7[%swap3A] {strides = array<i32>} : memref<64xi32, #tpu.memory_space<vmem>>, vector<16xi32>,
    tpu.vector_store %arg7[%swap3A], %broadcast_in_dim3A_64 {strides = array<i32>} : memref<64xi32, #tpu.memory_space<vmem>>, vector<16xi32>,
    %swap3A_66 = arith.constant 16 : index
    %swap3A_67 = tpu.vector_load %arg7[%swap3A_66] {strides = array<i32>} : memref<64xi32, #tpu.memory_space<vmem>>, vector<16xi32>,
    tpu.vector_store %arg7[%swap3A_66], %broadcast_in_dim3A_64 {strides = array<i32>} : memref<64xi32, #tpu.memory_space<vmem>>, vector<16xi32>,
    %swap3A_68 = arith.constant 32 : index
    %swap3A_69 = tpu.vector_load %arg7[%swap3A_68] {strides = array<i32>} : memref<64xi32, #tpu.memory_space<vmem>>, vector<16xi32>,
    tpu.vector_store %arg7[%swap3A_68], %broadcast_in_dim3A_64 {strides = array<i32>} : memref<64xi32, #tpu.memory_space<vmem>>, vector<16xi32>,
    %swap3A_70 = arith.constant 48 : index
    %swap3A_71 = tpu.vector_load %arg7[%swap3A_70] {strides = array<i32>} : memref<64xi32, #tpu.memory_space<vmem>>, vector<16xi32>,
    tpu.vector_store %arg7[%swap3A_70], %broadcast_in_dim3A_64 {strides = array<i32>} : memref<64xi32, #tpu.memory_space<vmem>>, vector<16xi32>,
    %dma_wait3A_72 = arith.constant 0 : i32
    %dma_wait3A_73 = tpu.memref_slice %arg2[%mul3A_2, %dma_wait3A_72] : memref<16384x64xf32, #tpu.memory_space<hbm>> -> memref<512x64xf32, #tpu.memory_space<hbm>>
    %dma_wait3A_74 = arith.constant 0 : i32
    %dma_wait3A_75 = tpu.memref_slice %arg2[%mul3A_2, %dma_wait3A_74] : memref<16384x64xf32, #tpu.memory_space<hbm>> -> memref<512x64xf32, #tpu.memory_space<hbm>>
    tpu.wait_dma2 semaphore(%arg9 : memref<!tpu.dma_semaphore, #tpu.memory_space<semaphore_mem>>) src(%dma_wait3A_75 : memref<512x64xf32, #tpu.memory_space<hbm>>) dst(%arg6 : memref<512x64xf32, #tpu.memory_space<vmem>>)
    %iota3A = tpu.iota {dimensions = array<i32: 0>} : vector<16xi32>
    %broadcast_in_dim3A_76 = arith.constant 0xFF800000 : f32
    %broadcast_in_dim3A_77 = vector.broadcast %broadcast_in_dim3A_76 : f32 to vector<16xf32>
    %broadcast_in_dim3A_78 = arith.constant 4 : i32
    %broadcast_in_dim3A_79 = vector.broadcast %broadcast_in_dim3A_78 : i32 to vector<16xi32>
    %while3A = arith.constant 0 : i32
    %while3A_80 = arith.constant 0 : i32
    %while3A_81 = arith.constant 32 : i32
    %while3A_82 = arith.subi %while3A_81, %while3A_80 : i32
    %while3A_83 = arith.addi %while3A_80, %while3A_82 : i32
    %while3A_84 = arith.constant 1 : i32
    %while3A_85 = arith.divsi %while3A_82, %while3A_84 : i32
    %while3A_86 = arith.muli %while3A_85, %while3A_84 : i32
    %while3A_87 = arith.addi %while3A_80, %while3A_86 : i32
    %while3A_88 = arith.constant 1 : i32
    scf.for %while3A_92 = %while3A_80 to %while3A_87 step %while3A_88  : i32 {
      %mul3A_93 = arith.constant 16 : i32
      %mul3A_94 = arith.muli %while3A_92, %mul3A_93 : i32
      %add3A_95 = vector.broadcast %mul3A_94 : i32 to vector<16xi32>
      %add3A_96 = arith.addi %add3A_95, %iota3A : vector<16xi32>
      %while3A_97 = arith.constant 0 : i32
      %while3A_98 = arith.constant 8 : i32
      %while3A_99 = arith.subi %while3A_98, %while3A_97 : i32
      %while3A_100 = arith.addi %while3A_97, %while3A_99 : i32
      %while3A_101 = arith.constant 1 : i32
      %while3A_102 = arith.divsi %while3A_99, %while3A_101 : i32
      %while3A_103 = arith.muli %while3A_102, %while3A_101 : i32
      %while3A_104 = arith.addi %while3A_97, %while3A_103 : i32
      %while3A_105 = arith.constant 1 : i32
      scf.for %while3A_107 = %while3A_97 to %while3A_104 step %while3A_105  : i32 {
        %broadcast_in_dim3A_108 = arith.constant 0xFF800000 : f32
        %broadcast_in_dim3A_109 = vector.broadcast %broadcast_in_dim3A_108 : f32 to vector<16xf32>
        %broadcast_in_dim3A_110 = arith.constant 0 : i32
        %broadcast_in_dim3A_111 = vector.broadcast %broadcast_in_dim3A_110 : i32 to vector<16xi32>
        %broadcast_in_dim3A_112 = arith.constant 0 : i32
        %broadcast_in_dim3A_113 = vector.broadcast %broadcast_in_dim3A_112 : i32 to vector<16xi32>
        %gather3A = tpu.vector_load_idx %arg6[%add3A_96, %broadcast_in_dim3A_113] : memref<512x64xf32, #tpu.memory_space<vmem>>[vector<16xi32>, vector<16xi32>], vector<16xf32>,
        %gt3A = arith.cmpf ogt, %gather3A, %broadcast_in_dim3A_109 : vector<16xf32>
        %select_n3A_114 = arith.select %gt3A, %gather3A, %broadcast_in_dim3A_109 : vector<16xi1>, vector<16xf32>
        %broadcast_in_dim3A_115 = arith.constant 0 : i32
        %broadcast_in_dim3A_116 = vector.broadcast %broadcast_in_dim3A_115 : i32 to vector<16xi32>
        %select_n3A_117 = arith.select %gt3A, %broadcast_in_dim3A_116, %broadcast_in_dim3A_111 : vector<16xi1>, vector<16xi32>
        %broadcast_in_dim3A_118 = arith.constant 1 : i32
        %broadcast_in_dim3A_119 = vector.broadcast %broadcast_in_dim3A_118 : i32 to vector<16xi32>
        %gather3A_120 = tpu.vector_load_idx %arg6[%add3A_96, %broadcast_in_dim3A_119] : memref<512x64xf32, #tpu.memory_space<vmem>>[vector<16xi32>, vector<16xi32>], vector<16xf32>,
        %gt3A_121 = arith.cmpf ogt, %gather3A_120, %select_n3A_114 : vector<16xf32>
        %select_n3A_122 = arith.select %gt3A_121, %gather3A_120, %select_n3A_114 : vector<16xi1>, vector<16xf32>
        %broadcast_in_dim3A_123 = arith.constant 1 : i32
        %broadcast_in_dim3A_124 = vector.broadcast %broadcast_in_dim3A_123 : i32 to vector<16xi32>
        %select_n3A_125 = arith.select %gt3A_121, %broadcast_in_dim3A_124, %select_n3A_117 : vector<16xi1>, vector<16xi32>
        %broadcast_in_dim3A_126 = arith.constant 2 : i32
        %broadcast_in_dim3A_127 = vector.broadcast %broadcast_in_dim3A_126 : i32 to vector<16xi32>
        %gather3A_128 = tpu.vector_load_idx %arg6[%add3A_96, %broadcast_in_dim3A_127] : memref<512x64xf32, #tpu.memory_space<vmem>>[vector<16xi32>, vector<16xi32>], vector<16xf32>,
        %gt3A_129 = arith.cmpf ogt, %gather3A_128, %select_n3A_122 : vector<16xf32>
        %select_n3A_130 = arith.select %gt3A_129, %gather3A_128, %select_n3A_122 : vector<16xi1>, vector<16xf32>
        %broadcast_in_dim3A_131 = arith.constant 2 : i32
        %broadcast_in_dim3A_132 = vector.broadcast %broadcast_in_dim3A_131 : i32 to vector<16xi32>
        %select_n3A_133 = arith.select %gt3A_129, %broadcast_in_dim3A_132, %select_n3A_125 : vector<16xi1>, vector<16xi32>
        %broadcast_in_dim3A_134 = arith.constant 3 : i32
        %broadcast_in_dim3A_135 = vector.broadcast %broadcast_in_dim3A_134 : i32 to vector<16xi32>
        %gather3A_136 = tpu.vector_load_idx %arg6[%add3A_96, %broadcast_in_dim3A_135] : memref<512x64xf32, #tpu.memory_space<vmem>>[vector<16xi32>, vector<16xi32>], vector<16xf32>,
        %gt3A_137 = arith.cmpf ogt, %gather3A_136, %select_n3A_130 : vector<16xf32>
        %select_n3A_138 = arith.select %gt3A_137, %gather3A_136, %select_n3A_130 : vector<16xi1>, vector<16xf32>
        %broadcast_in_dim3A_139 = arith.constant 3 : i32
        %broadcast_in_dim3A_140 = vector.broadcast %broadcast_in_dim3A_139 : i32 to vector<16xi32>
        %select_n3A_141 = arith.select %gt3A_137, %broadcast_in_dim3A_140, %select_n3A_133 : vector<16xi1>, vector<16xi32>
        %broadcast_in_dim3A_142 = arith.constant 4 : i32
        %broadcast_in_dim3A_143 = vector.broadcast %broadcast_in_dim3A_142 : i32 to vector<16xi32>
        %gather3A_144 = tpu.vector_load_idx %arg6[%add3A_96, %broadcast_in_dim3A_143] : memref<512x64xf32, #tpu.memory_space<vmem>>[vector<16xi32>, vector<16xi32>], vector<16xf32>,
        %gt3A_145 = arith.cmpf ogt, %gather3A_144, %select_n3A_138 : vector<16xf32>
        %select_n3A_146 = arith.select %gt3A_145, %gather3A_144, %select_n3A_138 : vector<16xi1>, vector<16xf32>
        %broadcast_in_dim3A_147 = arith.constant 4 : i32
        %broadcast_in_dim3A_148 = vector.broadcast %broadcast_in_dim3A_147 : i32 to vector<16xi32>
        %select_n3A_149 = arith.select %gt3A_145, %broadcast_in_dim3A_148, %select_n3A_141 : vector<16xi1>, vector<16xi32>
        %broadcast_in_dim3A_150 = arith.constant 5 : i32
        %broadcast_in_dim3A_151 = vector.broadcast %broadcast_in_dim3A_150 : i32 to vector<16xi32>
        %gather3A_152 = tpu.vector_load_idx %arg6[%add3A_96, %broadcast_in_dim3A_151] : memref<512x64xf32, #tpu.memory_space<vmem>>[vector<16xi32>, vector<16xi32>], vector<16xf32>,
        %gt3A_153 = arith.cmpf ogt, %gather3A_152, %select_n3A_146 : vector<16xf32>
        %select_n3A_154 = arith.select %gt3A_153, %gather3A_152, %select_n3A_146 : vector<16xi1>, vector<16xf32>
        %broadcast_in_dim3A_155 = arith.constant 5 : i32
        %broadcast_in_dim3A_156 = vector.broadcast %broadcast_in_dim3A_155 : i32 to vector<16xi32>
        %select_n3A_157 = arith.select %gt3A_153, %broadcast_in_dim3A_156, %select_n3A_149 : vector<16xi1>, vector<16xi32>
        %broadcast_in_dim3A_158 = arith.constant 6 : i32
        %broadcast_in_dim3A_159 = vector.broadcast %broadcast_in_dim3A_158 : i32 to vector<16xi32>
        %gather3A_160 = tpu.vector_load_idx %arg6[%add3A_96, %broadcast_in_dim3A_159] : memref<512x64xf32, #tpu.memory_space<vmem>>[vector<16xi32>, vector<16xi32>], vector<16xf32>,
        %gt3A_161 = arith.cmpf ogt, %gather3A_160, %select_n3A_154 : vector<16xf32>
        %select_n3A_162 = arith.select %gt3A_161, %gather3A_160, %select_n3A_154 : vector<16xi1>, vector<16xf32>
        %broadcast_in_dim3A_163 = arith.constant 6 : i32
        %broadcast_in_dim3A_164 = vector.broadcast %broadcast_in_dim3A_163 : i32 to vector<16xi32>
        %select_n3A_165 = arith.select %gt3A_161, %broadcast_in_dim3A_164, %select_n3A_157 : vector<16xi1>, vector<16xi32>
        %broadcast_in_dim3A_166 = arith.constant 7 : i32
        %broadcast_in_dim3A_167 = vector.broadcast %broadcast_in_dim3A_166 : i32 to vector<16xi32>
        %gather3A_168 = tpu.vector_load_idx %arg6[%add3A_96, %broadcast_in_dim3A_167] : memref<512x64xf32, #tpu.memory_space<vmem>>[vector<16xi32>, vector<16xi32>], vector<16xf32>,
        %gt3A_169 = arith.cmpf ogt, %gather3A_168, %select_n3A_162 : vector<16xf32>
        %select_n3A_170 = arith.select %gt3A_169, %gather3A_168, %select_n3A_162 : vector<16xi1>, vector<16xf32>
        %broadcast_in_dim3A_171 = arith.constant 7 : i32
        %broadcast_in_dim3A_172 = vector.broadcast %broadcast_in_dim3A_171 : i32 to vector<16xi32>
        %select_n3A_173 = arith.select %gt3A_169, %broadcast_in_dim3A_172, %select_n3A_165 : vector<16xi1>, vector<16xi32>
        %broadcast_in_dim3A_174 = arith.constant 8 : i32
        %broadcast_in_dim3A_175 = vector.broadcast %broadcast_in_dim3A_174 : i32 to vector<16xi32>
        %gather3A_176 = tpu.vector_load_idx %arg6[%add3A_96, %broadcast_in_dim3A_175] : memref<512x64xf32, #tpu.memory_space<vmem>>[vector<16xi32>, vector<16xi32>], vector<16xf32>,
        %gt3A_177 = arith.cmpf ogt, %gather3A_176, %select_n3A_170 : vector<16xf32>
        %select_n3A_178 = arith.select %gt3A_177, %gather3A_176, %select_n3A_170 : vector<16xi1>, vector<16xf32>
        %broadcast_in_dim3A_179 = arith.constant 8 : i32
        %broadcast_in_dim3A_180 = vector.broadcast %broadcast_in_dim3A_179 : i32 to vector<16xi32>
        %select_n3A_181 = arith.select %gt3A_177, %broadcast_in_dim3A_180, %select_n3A_173 : vector<16xi1>, vector<16xi32>
        %broadcast_in_dim3A_182 = arith.constant 9 : i32
        %broadcast_in_dim3A_183 = vector.broadcast %broadcast_in_dim3A_182 : i32 to vector<16xi32>
        %gather3A_184 = tpu.vector_load_idx %arg6[%add3A_96, %broadcast_in_dim3A_183] : memref<512x64xf32, #tpu.memory_space<vmem>>[vector<16xi32>, vector<16xi32>], vector<16xf32>,
        %gt3A_185 = arith.cmpf ogt, %gather3A_184, %select_n3A_178 : vector<16xf32>
        %select_n3A_186 = arith.select %gt3A_185, %gather3A_184, %select_n3A_178 : vector<16xi1>, vector<16xf32>
        %broadcast_in_dim3A_187 = arith.constant 9 : i32
        %broadcast_in_dim3A_188 = vector.broadcast %broadcast_in_dim3A_187 : i32 to vector<16xi32>
        %select_n3A_189 = arith.select %gt3A_185, %broadcast_in_dim3A_188, %select_n3A_181 : vector<16xi1>, vector<16xi32>
        %broadcast_in_dim3A_190 = arith.constant 10 : i32
        %broadcast_in_dim3A_191 = vector.broadcast %broadcast_in_dim3A_190 : i32 to vector<16xi32>
        %gather3A_192 = tpu.vector_load_idx %arg6[%add3A_96, %broadcast_in_dim3A_191] : memref<512x64xf32, #tpu.memory_space<vmem>>[vector<16xi32>, vector<16xi32>], vector<16xf32>,
        %gt3A_193 = arith.cmpf ogt, %gather3A_192, %select_n3A_186 : vector<16xf32>
        %select_n3A_194 = arith.select %gt3A_193, %gather3A_192, %select_n3A_186 : vector<16xi1>, vector<16xf32>
        %broadcast_in_dim3A_195 = arith.constant 10 : i32
        %broadcast_in_dim3A_196 = vector.broadcast %broadcast_in_dim3A_195 : i32 to vector<16xi32>
        %select_n3A_197 = arith.select %gt3A_193, %broadcast_in_dim3A_196, %select_n3A_189 : vector<16xi1>, vector<16xi32>
        %broadcast_in_dim3A_198 = arith.constant 11 : i32
        %broadcast_in_dim3A_199 = vector.broadcast %broadcast_in_dim3A_198 : i32 to vector<16xi32>
        %gather3A_200 = tpu.vector_load_idx %arg6[%add3A_96, %broadcast_in_dim3A_199] : memref<512x64xf32, #tpu.memory_space<vmem>>[vector<16xi32>, vector<16xi32>], vector<16xf32>,
        %gt3A_201 = arith.cmpf ogt, %gather3A_200, %select_n3A_194 : vector<16xf32>
        %select_n3A_202 = arith.select %gt3A_201, %gather3A_200, %select_n3A_194 : vector<16xi1>, vector<16xf32>
        %broadcast_in_dim3A_203 = arith.constant 11 : i32
        %broadcast_in_dim3A_204 = vector.broadcast %broadcast_in_dim3A_203 : i32 to vector<16xi32>
        %select_n3A_205 = arith.select %gt3A_201, %broadcast_in_dim3A_204, %select_n3A_197 : vector<16xi1>, vector<16xi32>
        %broadcast_in_dim3A_206 = arith.constant 12 : i32
        %broadcast_in_dim3A_207 = vector.broadcast %broadcast_in_dim3A_206 : i32 to vector<16xi32>
        %gather3A_208 = tpu.vector_load_idx %arg6[%add3A_96, %broadcast_in_dim3A_207] : memref<512x64xf32, #tpu.memory_space<vmem>>[vector<16xi32>, vector<16xi32>], vector<16xf32>,
        %gt3A_209 = arith.cmpf ogt, %gather3A_208, %select_n3A_202 : vector<16xf32>
        %select_n3A_210 = arith.select %gt3A_209, %gather3A_208, %select_n3A_202 : vector<16xi1>, vector<16xf32>
        %broadcast_in_dim3A_211 = arith.constant 12 : i32
        %broadcast_in_dim3A_212 = vector.broadcast %broadcast_in_dim3A_211 : i32 to vector<16xi32>
        %select_n3A_213 = arith.select %gt3A_209, %broadcast_in_dim3A_212, %select_n3A_205 : vector<16xi1>, vector<16xi32>
        %broadcast_in_dim3A_214 = arith.constant 13 : i32
        %broadcast_in_dim3A_215 = vector.broadcast %broadcast_in_dim3A_214 : i32 to vector<16xi32>
        %gather3A_216 = tpu.vector_load_idx %arg6[%add3A_96, %broadcast_in_dim3A_215] : memref<512x64xf32, #tpu.memory_space<vmem>>[vector<16xi32>, vector<16xi32>], vector<16xf32>,
        %gt3A_217 = arith.cmpf ogt, %gather3A_216, %select_n3A_210 : vector<16xf32>
        %select_n3A_218 = arith.select %gt3A_217, %gather3A_216, %select_n3A_210 : vector<16xi1>, vector<16xf32>
        %broadcast_in_dim3A_219 = arith.constant 13 : i32
        %broadcast_in_dim3A_220 = vector.broadcast %broadcast_in_dim3A_219 : i32 to vector<16xi32>
        %select_n3A_221 = arith.select %gt3A_217, %broadcast_in_dim3A_220, %select_n3A_213 : vector<16xi1>, vector<16xi32>
        %broadcast_in_dim3A_222 = arith.constant 14 : i32
        %broadcast_in_dim3A_223 = vector.broadcast %broadcast_in_dim3A_222 : i32 to vector<16xi32>
        %gather3A_224 = tpu.vector_load_idx %arg6[%add3A_96, %broadcast_in_dim3A_223] : memref<512x64xf32, #tpu.memory_space<vmem>>[vector<16xi32>, vector<16xi32>], vector<16xf32>,
        %gt3A_225 = arith.cmpf ogt, %gather3A_224, %select_n3A_218 : vector<16xf32>
        %select_n3A_226 = arith.select %gt3A_225, %gather3A_224, %select_n3A_218 : vector<16xi1>, vector<16xf32>
        %broadcast_in_dim3A_227 = arith.constant 14 : i32
        %broadcast_in_dim3A_228 = vector.broadcast %broadcast_in_dim3A_227 : i32 to vector<16xi32>
        %select_n3A_229 = arith.select %gt3A_225, %broadcast_in_dim3A_228, %select_n3A_221 : vector<16xi1>, vector<16xi32>
        %broadcast_in_dim3A_230 = arith.constant 15 : i32
        %broadcast_in_dim3A_231 = vector.broadcast %broadcast_in_dim3A_230 : i32 to vector<16xi32>
        %gather3A_232 = tpu.vector_load_idx %arg6[%add3A_96, %broadcast_in_dim3A_231] : memref<512x64xf32, #tpu.memory_space<vmem>>[vector<16xi32>, vector<16xi32>], vector<16xf32>,
        %gt3A_233 = arith.cmpf ogt, %gather3A_232, %select_n3A_226 : vector<16xf32>
        %select_n3A_234 = arith.select %gt3A_233, %gather3A_232, %select_n3A_226 : vector<16xi1>, vector<16xf32>
        %broadcast_in_dim3A_235 = arith.constant 15 : i32
        %broadcast_in_dim3A_236 = vector.broadcast %broadcast_in_dim3A_235 : i32 to vector<16xi32>
        %select_n3A_237 = arith.select %gt3A_233, %broadcast_in_dim3A_236, %select_n3A_229 : vector<16xi1>, vector<16xi32>
        %broadcast_in_dim3A_238 = arith.constant 16 : i32
        %broadcast_in_dim3A_239 = vector.broadcast %broadcast_in_dim3A_238 : i32 to vector<16xi32>
        %gather3A_240 = tpu.vector_load_idx %arg6[%add3A_96, %broadcast_in_dim3A_239] : memref<512x64xf32, #tpu.memory_space<vmem>>[vector<16xi32>, vector<16xi32>], vector<16xf32>,
        %gt3A_241 = arith.cmpf ogt, %gather3A_240, %select_n3A_234 : vector<16xf32>
        %select_n3A_242 = arith.select %gt3A_241, %gather3A_240, %select_n3A_234 : vector<16xi1>, vector<16xf32>
        %broadcast_in_dim3A_243 = arith.constant 16 : i32
        %broadcast_in_dim3A_244 = vector.broadcast %broadcast_in_dim3A_243 : i32 to vector<16xi32>
        %select_n3A_245 = arith.select %gt3A_241, %broadcast_in_dim3A_244, %select_n3A_237 : vector<16xi1>, vector<16xi32>
        %broadcast_in_dim3A_246 = arith.constant 17 : i32
        %broadcast_in_dim3A_247 = vector.broadcast %broadcast_in_dim3A_246 : i32 to vector<16xi32>
        %gather3A_248 = tpu.vector_load_idx %arg6[%add3A_96, %broadcast_in_dim3A_247] : memref<512x64xf32, #tpu.memory_space<vmem>>[vector<16xi32>, vector<16xi32>], vector<16xf32>,
        %gt3A_249 = arith.cmpf ogt, %gather3A_248, %select_n3A_242 : vector<16xf32>
        %select_n3A_250 = arith.select %gt3A_249, %gather3A_248, %select_n3A_242 : vector<16xi1>, vector<16xf32>
        %broadcast_in_dim3A_251 = arith.constant 17 : i32
        %broadcast_in_dim3A_252 = vector.broadcast %broadcast_in_dim3A_251 : i32 to vector<16xi32>
        %select_n3A_253 = arith.select %gt3A_249, %broadcast_in_dim3A_252, %select_n3A_245 : vector<16xi1>, vector<16xi32>
        %broadcast_in_dim3A_254 = arith.constant 18 : i32
        %broadcast_in_dim3A_255 = vector.broadcast %broadcast_in_dim3A_254 : i32 to vector<16xi32>
        %gather3A_256 = tpu.vector_load_idx %arg6[%add3A_96, %broadcast_in_dim3A_255] : memref<512x64xf32, #tpu.memory_space<vmem>>[vector<16xi32>, vector<16xi32>], vector<16xf32>,
        %gt3A_257 = arith.cmpf ogt, %gather3A_256, %select_n3A_250 : vector<16xf32>
        %select_n3A_258 = arith.select %gt3A_257, %gather3A_256, %select_n3A_250 : vector<16xi1>, vector<16xf32>
        %broadcast_in_dim3A_259 = arith.constant 18 : i32
        %broadcast_in_dim3A_260 = vector.broadcast %broadcast_in_dim3A_259 : i32 to vector<16xi32>
        %select_n3A_261 = arith.select %gt3A_257, %broadcast_in_dim3A_260, %select_n3A_253 : vector<16xi1>, vector<16xi32>
        %broadcast_in_dim3A_262 = arith.constant 19 : i32
        %broadcast_in_dim3A_263 = vector.broadcast %broadcast_in_dim3A_262 : i32 to vector<16xi32>
        %gather3A_264 = tpu.vector_load_idx %arg6[%add3A_96, %broadcast_in_dim3A_263] : memref<512x64xf32, #tpu.memory_space<vmem>>[vector<16xi32>, vector<16xi32>], vector<16xf32>,
        %gt3A_265 = arith.cmpf ogt, %gather3A_264, %select_n3A_258 : vector<16xf32>
        %select_n3A_266 = arith.select %gt3A_265, %gather3A_264, %select_n3A_258 : vector<16xi1>, vector<16xf32>
        %broadcast_in_dim3A_267 = arith.constant 19 : i32
        %broadcast_in_dim3A_268 = vector.broadcast %broadcast_in_dim3A_267 : i32 to vector<16xi32>
        %select_n3A_269 = arith.select %gt3A_265, %broadcast_in_dim3A_268, %select_n3A_261 : vector<16xi1>, vector<16xi32>
        %broadcast_in_dim3A_270 = arith.constant 20 : i32
        %broadcast_in_dim3A_271 = vector.broadcast %broadcast_in_dim3A_270 : i32 to vector<16xi32>
        %gather3A_272 = tpu.vector_load_idx %arg6[%add3A_96, %broadcast_in_dim3A_271] : memref<512x64xf32, #tpu.memory_space<vmem>>[vector<16xi32>, vector<16xi32>], vector<16xf32>,
        %gt3A_273 = arith.cmpf ogt, %gather3A_272, %select_n3A_266 : vector<16xf32>
        %select_n3A_274 = arith.select %gt3A_273, %gather3A_272, %select_n3A_266 : vector<16xi1>, vector<16xf32>
        %broadcast_in_dim3A_275 = arith.constant 20 : i32
        %broadcast_in_dim3A_276 = vector.broadcast %broadcast_in_dim3A_275 : i32 to vector<16xi32>
        %select_n3A_277 = arith.select %gt3A_273, %broadcast_in_dim3A_276, %select_n3A_269 : vector<16xi1>, vector<16xi32>
        %broadcast_in_dim3A_278 = arith.constant 21 : i32
        %broadcast_in_dim3A_279 = vector.broadcast %broadcast_in_dim3A_278 : i32 to vector<16xi32>
        %gather3A_280 = tpu.vector_load_idx %arg6[%add3A_96, %broadcast_in_dim3A_279] : memref<512x64xf32, #tpu.memory_space<vmem>>[vector<16xi32>, vector<16xi32>], vector<16xf32>,
        %gt3A_281 = arith.cmpf ogt, %gather3A_280, %select_n3A_274 : vector<16xf32>
        %select_n3A_282 = arith.select %gt3A_281, %gather3A_280, %select_n3A_274 : vector<16xi1>, vector<16xf32>
        %broadcast_in_dim3A_283 = arith.constant 21 : i32
        %broadcast_in_dim3A_284 = vector.broadcast %broadcast_in_dim3A_283 : i32 to vector<16xi32>
        %select_n3A_285 = arith.select %gt3A_281, %broadcast_in_dim3A_284, %select_n3A_277 : vector<16xi1>, vector<16xi32>
        %broadcast_in_dim3A_286 = arith.constant 22 : i32
        %broadcast_in_dim3A_287 = vector.broadcast %broadcast_in_dim3A_286 : i32 to vector<16xi32>
        %gather3A_288 = tpu.vector_load_idx %arg6[%add3A_96, %broadcast_in_dim3A_287] : memref<512x64xf32, #tpu.memory_space<vmem>>[vector<16xi32>, vector<16xi32>], vector<16xf32>,
        %gt3A_289 = arith.cmpf ogt, %gather3A_288, %select_n3A_282 : vector<16xf32>
        %select_n3A_290 = arith.select %gt3A_289, %gather3A_288, %select_n3A_282 : vector<16xi1>, vector<16xf32>
        %broadcast_in_dim3A_291 = arith.constant 22 : i32
        %broadcast_in_dim3A_292 = vector.broadcast %broadcast_in_dim3A_291 : i32 to vector<16xi32>
        %select_n3A_293 = arith.select %gt3A_289, %broadcast_in_dim3A_292, %select_n3A_285 : vector<16xi1>, vector<16xi32>
        %broadcast_in_dim3A_294 = arith.constant 23 : i32
        %broadcast_in_dim3A_295 = vector.broadcast %broadcast_in_dim3A_294 : i32 to vector<16xi32>
        %gather3A_296 = tpu.vector_load_idx %arg6[%add3A_96, %broadcast_in_dim3A_295] : memref<512x64xf32, #tpu.memory_space<vmem>>[vector<16xi32>, vector<16xi32>], vector<16xf32>,
        %gt3A_297 = arith.cmpf ogt, %gather3A_296, %select_n3A_290 : vector<16xf32>
        %select_n3A_298 = arith.select %gt3A_297, %gather3A_296, %select_n3A_290 : vector<16xi1>, vector<16xf32>
        %broadcast_in_dim3A_299 = arith.constant 23 : i32
        %broadcast_in_dim3A_300 = vector.broadcast %broadcast_in_dim3A_299 : i32 to vector<16xi32>
        %select_n3A_301 = arith.select %gt3A_297, %broadcast_in_dim3A_300, %select_n3A_293 : vector<16xi1>, vector<16xi32>
        %broadcast_in_dim3A_302 = arith.constant 24 : i32
        %broadcast_in_dim3A_303 = vector.broadcast %broadcast_in_dim3A_302 : i32 to vector<16xi32>
        %gather3A_304 = tpu.vector_load_idx %arg6[%add3A_96, %broadcast_in_dim3A_303] : memref<512x64xf32, #tpu.memory_space<vmem>>[vector<16xi32>, vector<16xi32>], vector<16xf32>,
        %gt3A_305 = arith.cmpf ogt, %gather3A_304, %select_n3A_298 : vector<16xf32>
        %select_n3A_306 = arith.select %gt3A_305, %gather3A_304, %select_n3A_298 : vector<16xi1>, vector<16xf32>
        %broadcast_in_dim3A_307 = arith.constant 24 : i32
        %broadcast_in_dim3A_308 = vector.broadcast %broadcast_in_dim3A_307 : i32 to vector<16xi32>
        %select_n3A_309 = arith.select %gt3A_305, %broadcast_in_dim3A_308, %select_n3A_301 : vector<16xi1>, vector<16xi32>
        %broadcast_in_dim3A_310 = arith.constant 25 : i32
        %broadcast_in_dim3A_311 = vector.broadcast %broadcast_in_dim3A_310 : i32 to vector<16xi32>
        %gather3A_312 = tpu.vector_load_idx %arg6[%add3A_96, %broadcast_in_dim3A_311] : memref<512x64xf32, #tpu.memory_space<vmem>>[vector<16xi32>, vector<16xi32>], vector<16xf32>,
        %gt3A_313 = arith.cmpf ogt, %gather3A_312, %select_n3A_306 : vector<16xf32>
        %select_n3A_314 = arith.select %gt3A_313, %gather3A_312, %select_n3A_306 : vector<16xi1>, vector<16xf32>
        %broadcast_in_dim3A_315 = arith.constant 25 : i32
        %broadcast_in_dim3A_316 = vector.broadcast %broadcast_in_dim3A_315 : i32 to vector<16xi32>
        %select_n3A_317 = arith.select %gt3A_313, %broadcast_in_dim3A_316, %select_n3A_309 : vector<16xi1>, vector<16xi32>
        %broadcast_in_dim3A_318 = arith.constant 26 : i32
        %broadcast_in_dim3A_319 = vector.broadcast %broadcast_in_dim3A_318 : i32 to vector<16xi32>
        %gather3A_320 = tpu.vector_load_idx %arg6[%add3A_96, %broadcast_in_dim3A_319] : memref<512x64xf32, #tpu.memory_space<vmem>>[vector<16xi32>, vector<16xi32>], vector<16xf32>,
        %gt3A_321 = arith.cmpf ogt, %gather3A_320, %select_n3A_314 : vector<16xf32>
        %select_n3A_322 = arith.select %gt3A_321, %gather3A_320, %select_n3A_314 : vector<16xi1>, vector<16xf32>
        %broadcast_in_dim3A_323 = arith.constant 26 : i32
        %broadcast_in_dim3A_324 = vector.broadcast %broadcast_in_dim3A_323 : i32 to vector<16xi32>
        %select_n3A_325 = arith.select %gt3A_321, %broadcast_in_dim3A_324, %select_n3A_317 : vector<16xi1>, vector<16xi32>
        %broadcast_in_dim3A_326 = arith.constant 27 : i32
        %broadcast_in_dim3A_327 = vector.broadcast %broadcast_in_dim3A_326 : i32 to vector<16xi32>
        %gather3A_328 = tpu.vector_load_idx %arg6[%add3A_96, %broadcast_in_dim3A_327] : memref<512x64xf32, #tpu.memory_space<vmem>>[vector<16xi32>, vector<16xi32>], vector<16xf32>,
        %gt3A_329 = arith.cmpf ogt, %gather3A_328, %select_n3A_322 : vector<16xf32>
        %select_n3A_330 = arith.select %gt3A_329, %gather3A_328, %select_n3A_322 : vector<16xi1>, vector<16xf32>
        %broadcast_in_dim3A_331 = arith.constant 27 : i32
        %broadcast_in_dim3A_332 = vector.broadcast %broadcast_in_dim3A_331 : i32 to vector<16xi32>
        %select_n3A_333 = arith.select %gt3A_329, %broadcast_in_dim3A_332, %select_n3A_325 : vector<16xi1>, vector<16xi32>
        %broadcast_in_dim3A_334 = arith.constant 28 : i32
        %broadcast_in_dim3A_335 = vector.broadcast %broadcast_in_dim3A_334 : i32 to vector<16xi32>
        %gather3A_336 = tpu.vector_load_idx %arg6[%add3A_96, %broadcast_in_dim3A_335] : memref<512x64xf32, #tpu.memory_space<vmem>>[vector<16xi32>, vector<16xi32>], vector<16xf32>,
        %gt3A_337 = arith.cmpf ogt, %gather3A_336, %select_n3A_330 : vector<16xf32>
        %select_n3A_338 = arith.select %gt3A_337, %gather3A_336, %select_n3A_330 : vector<16xi1>, vector<16xf32>
        %broadcast_in_dim3A_339 = arith.constant 28 : i32
        %broadcast_in_dim3A_340 = vector.broadcast %broadcast_in_dim3A_339 : i32 to vector<16xi32>
        %select_n3A_341 = arith.select %gt3A_337, %broadcast_in_dim3A_340, %select_n3A_333 : vector<16xi1>, vector<16xi32>
        %broadcast_in_dim3A_342 = arith.constant 29 : i32
        %broadcast_in_dim3A_343 = vector.broadcast %broadcast_in_dim3A_342 : i32 to vector<16xi32>
        %gather3A_344 = tpu.vector_load_idx %arg6[%add3A_96, %broadcast_in_dim3A_343] : memref<512x64xf32, #tpu.memory_space<vmem>>[vector<16xi32>, vector<16xi32>], vector<16xf32>,
        %gt3A_345 = arith.cmpf ogt, %gather3A_344, %select_n3A_338 : vector<16xf32>
        %select_n3A_346 = arith.select %gt3A_345, %gather3A_344, %select_n3A_338 : vector<16xi1>, vector<16xf32>
        %broadcast_in_dim3A_347 = arith.constant 29 : i32
        %broadcast_in_dim3A_348 = vector.broadcast %broadcast_in_dim3A_347 : i32 to vector<16xi32>
        %select_n3A_349 = arith.select %gt3A_345, %broadcast_in_dim3A_348, %select_n3A_341 : vector<16xi1>, vector<16xi32>
        %broadcast_in_dim3A_350 = arith.constant 30 : i32
        %broadcast_in_dim3A_351 = vector.broadcast %broadcast_in_dim3A_350 : i32 to vector<16xi32>
        %gather3A_352 = tpu.vector_load_idx %arg6[%add3A_96, %broadcast_in_dim3A_351] : memref<512x64xf32, #tpu.memory_space<vmem>>[vector<16xi32>, vector<16xi32>], vector<16xf32>,
        %gt3A_353 = arith.cmpf ogt, %gather3A_352, %select_n3A_346 : vector<16xf32>
        %select_n3A_354 = arith.select %gt3A_353, %gather3A_352, %select_n3A_346 : vector<16xi1>, vector<16xf32>
        %broadcast_in_dim3A_355 = arith.constant 30 : i32
        %broadcast_in_dim3A_356 = vector.broadcast %broadcast_in_dim3A_355 : i32 to vector<16xi32>
        %select_n3A_357 = arith.select %gt3A_353, %broadcast_in_dim3A_356, %select_n3A_349 : vector<16xi1>, vector<16xi32>
        %broadcast_in_dim3A_358 = arith.constant 31 : i32
        %broadcast_in_dim3A_359 = vector.broadcast %broadcast_in_dim3A_358 : i32 to vector<16xi32>
        %gather3A_360 = tpu.vector_load_idx %arg6[%add3A_96, %broadcast_in_dim3A_359] : memref<512x64xf32, #tpu.memory_space<vmem>>[vector<16xi32>, vector<16xi32>], vector<16xf32>,
        %gt3A_361 = arith.cmpf ogt, %gather3A_360, %select_n3A_354 : vector<16xf32>
        %select_n3A_362 = arith.select %gt3A_361, %gather3A_360, %select_n3A_354 : vector<16xi1>, vector<16xf32>
        %broadcast_in_dim3A_363 = arith.constant 31 : i32
        %broadcast_in_dim3A_364 = vector.broadcast %broadcast_in_dim3A_363 : i32 to vector<16xi32>
        %select_n3A_365 = arith.select %gt3A_361, %broadcast_in_dim3A_364, %select_n3A_357 : vector<16xi1>, vector<16xi32>
        %broadcast_in_dim3A_366 = arith.constant 32 : i32
        %broadcast_in_dim3A_367 = vector.broadcast %broadcast_in_dim3A_366 : i32 to vector<16xi32>
        %gather3A_368 = tpu.vector_load_idx %arg6[%add3A_96, %broadcast_in_dim3A_367] : memref<512x64xf32, #tpu.memory_space<vmem>>[vector<16xi32>, vector<16xi32>], vector<16xf32>,
        %gt3A_369 = arith.cmpf ogt, %gather3A_368, %select_n3A_362 : vector<16xf32>
        %select_n3A_370 = arith.select %gt3A_369, %gather3A_368, %select_n3A_362 : vector<16xi1>, vector<16xf32>
        %broadcast_in_dim3A_371 = arith.constant 32 : i32
        %broadcast_in_dim3A_372 = vector.broadcast %broadcast_in_dim3A_371 : i32 to vector<16xi32>
        %select_n3A_373 = arith.select %gt3A_369, %broadcast_in_dim3A_372, %select_n3A_365 : vector<16xi1>, vector<16xi32>
        %broadcast_in_dim3A_374 = arith.constant 33 : i32
        %broadcast_in_dim3A_375 = vector.broadcast %broadcast_in_dim3A_374 : i32 to vector<16xi32>
        %gather3A_376 = tpu.vector_load_idx %arg6[%add3A_96, %broadcast_in_dim3A_375] : memref<512x64xf32, #tpu.memory_space<vmem>>[vector<16xi32>, vector<16xi32>], vector<16xf32>,
        %gt3A_377 = arith.cmpf ogt, %gather3A_376, %select_n3A_370 : vector<16xf32>
        %select_n3A_378 = arith.select %gt3A_377, %gather3A_376, %select_n3A_370 : vector<16xi1>, vector<16xf32>
        %broadcast_in_dim3A_379 = arith.constant 33 : i32
        %broadcast_in_dim3A_380 = vector.broadcast %broadcast_in_dim3A_379 : i32 to vector<16xi32>
        %select_n3A_381 = arith.select %gt3A_377, %broadcast_in_dim3A_380, %select_n3A_373 : vector<16xi1>, vector<16xi32>
        %broadcast_in_dim3A_382 = arith.constant 34 : i32
        %broadcast_in_dim3A_383 = vector.broadcast %broadcast_in_dim3A_382 : i32 to vector<16xi32>
        %gather3A_384 = tpu.vector_load_idx %arg6[%add3A_96, %broadcast_in_dim3A_383] : memref<512x64xf32, #tpu.memory_space<vmem>>[vector<16xi32>, vector<16xi32>], vector<16xf32>,
        %gt3A_385 = arith.cmpf ogt, %gather3A_384, %select_n3A_378 : vector<16xf32>
        %select_n3A_386 = arith.select %gt3A_385, %gather3A_384, %select_n3A_378 : vector<16xi1>, vector<16xf32>
        %broadcast_in_dim3A_387 = arith.constant 34 : i32
        %broadcast_in_dim3A_388 = vector.broadcast %broadcast_in_dim3A_387 : i32 to vector<16xi32>
        %select_n3A_389 = arith.select %gt3A_385, %broadcast_in_dim3A_388, %select_n3A_381 : vector<16xi1>, vector<16xi32>
        %broadcast_in_dim3A_390 = arith.constant 35 : i32
        %broadcast_in_dim3A_391 = vector.broadcast %broadcast_in_dim3A_390 : i32 to vector<16xi32>
        %gather3A_392 = tpu.vector_load_idx %arg6[%add3A_96, %broadcast_in_dim3A_391] : memref<512x64xf32, #tpu.memory_space<vmem>>[vector<16xi32>, vector<16xi32>], vector<16xf32>,
        %gt3A_393 = arith.cmpf ogt, %gather3A_392, %select_n3A_386 : vector<16xf32>
        %select_n3A_394 = arith.select %gt3A_393, %gather3A_392, %select_n3A_386 : vector<16xi1>, vector<16xf32>
        %broadcast_in_dim3A_395 = arith.constant 35 : i32
        %broadcast_in_dim3A_396 = vector.broadcast %broadcast_in_dim3A_395 : i32 to vector<16xi32>
        %select_n3A_397 = arith.select %gt3A_393, %broadcast_in_dim3A_396, %select_n3A_389 : vector<16xi1>, vector<16xi32>
        %broadcast_in_dim3A_398 = arith.constant 36 : i32
        %broadcast_in_dim3A_399 = vector.broadcast %broadcast_in_dim3A_398 : i32 to vector<16xi32>
        %gather3A_400 = tpu.vector_load_idx %arg6[%add3A_96, %broadcast_in_dim3A_399] : memref<512x64xf32, #tpu.memory_space<vmem>>[vector<16xi32>, vector<16xi32>], vector<16xf32>,
        %gt3A_401 = arith.cmpf ogt, %gather3A_400, %select_n3A_394 : vector<16xf32>
        %select_n3A_402 = arith.select %gt3A_401, %gather3A_400, %select_n3A_394 : vector<16xi1>, vector<16xf32>
        %broadcast_in_dim3A_403 = arith.constant 36 : i32
        %broadcast_in_dim3A_404 = vector.broadcast %broadcast_in_dim3A_403 : i32 to vector<16xi32>
        %select_n3A_405 = arith.select %gt3A_401, %broadcast_in_dim3A_404, %select_n3A_397 : vector<16xi1>, vector<16xi32>
        %broadcast_in_dim3A_406 = arith.constant 37 : i32
        %broadcast_in_dim3A_407 = vector.broadcast %broadcast_in_dim3A_406 : i32 to vector<16xi32>
        %gather3A_408 = tpu.vector_load_idx %arg6[%add3A_96, %broadcast_in_dim3A_407] : memref<512x64xf32, #tpu.memory_space<vmem>>[vector<16xi32>, vector<16xi32>], vector<16xf32>,
        %gt3A_409 = arith.cmpf ogt, %gather3A_408, %select_n3A_402 : vector<16xf32>
        %select_n3A_410 = arith.select %gt3A_409, %gather3A_408, %select_n3A_402 : vector<16xi1>, vector<16xf32>
        %broadcast_in_dim3A_411 = arith.constant 37 : i32
        %broadcast_in_dim3A_412 = vector.broadcast %broadcast_in_dim3A_411 : i32 to vector<16xi32>
        %select_n3A_413 = arith.select %gt3A_409, %broadcast_in_dim3A_412, %select_n3A_405 : vector<16xi1>, vector<16xi32>
        %broadcast_in_dim3A_414 = arith.constant 38 : i32
        %broadcast_in_dim3A_415 = vector.broadcast %broadcast_in_dim3A_414 : i32 to vector<16xi32>
        %gather3A_416 = tpu.vector_load_idx %arg6[%add3A_96, %broadcast_in_dim3A_415] : memref<512x64xf32, #tpu.memory_space<vmem>>[vector<16xi32>, vector<16xi32>], vector<16xf32>,
        %gt3A_417 = arith.cmpf ogt, %gather3A_416, %select_n3A_410 : vector<16xf32>
        %select_n3A_418 = arith.select %gt3A_417, %gather3A_416, %select_n3A_410 : vector<16xi1>, vector<16xf32>
        %broadcast_in_dim3A_419 = arith.constant 38 : i32
        %broadcast_in_dim3A_420 = vector.broadcast %broadcast_in_dim3A_419 : i32 to vector<16xi32>
        %select_n3A_421 = arith.select %gt3A_417, %broadcast_in_dim3A_420, %select_n3A_413 : vector<16xi1>, vector<16xi32>
        %broadcast_in_dim3A_422 = arith.constant 39 : i32
        %broadcast_in_dim3A_423 = vector.broadcast %broadcast_in_dim3A_422 : i32 to vector<16xi32>
        %gather3A_424 = tpu.vector_load_idx %arg6[%add3A_96, %broadcast_in_dim3A_423] : memref<512x64xf32, #tpu.memory_space<vmem>>[vector<16xi32>, vector<16xi32>], vector<16xf32>,
        %gt3A_425 = arith.cmpf ogt, %gather3A_424, %select_n3A_418 : vector<16xf32>
        %select_n3A_426 = arith.select %gt3A_425, %gather3A_424, %select_n3A_418 : vector<16xi1>, vector<16xf32>
        %broadcast_in_dim3A_427 = arith.constant 39 : i32
        %broadcast_in_dim3A_428 = vector.broadcast %broadcast_in_dim3A_427 : i32 to vector<16xi32>
        %select_n3A_429 = arith.select %gt3A_425, %broadcast_in_dim3A_428, %select_n3A_421 : vector<16xi1>, vector<16xi32>
        %broadcast_in_dim3A_430 = arith.constant 40 : i32
        %broadcast_in_dim3A_431 = vector.broadcast %broadcast_in_dim3A_430 : i32 to vector<16xi32>
        %gather3A_432 = tpu.vector_load_idx %arg6[%add3A_96, %broadcast_in_dim3A_431] : memref<512x64xf32, #tpu.memory_space<vmem>>[vector<16xi32>, vector<16xi32>], vector<16xf32>,
        %gt3A_433 = arith.cmpf ogt, %gather3A_432, %select_n3A_426 : vector<16xf32>
        %select_n3A_434 = arith.select %gt3A_433, %gather3A_432, %select_n3A_426 : vector<16xi1>, vector<16xf32>
        %broadcast_in_dim3A_435 = arith.constant 40 : i32
        %broadcast_in_dim3A_436 = vector.broadcast %broadcast_in_dim3A_435 : i32 to vector<16xi32>
        %select_n3A_437 = arith.select %gt3A_433, %broadcast_in_dim3A_436, %select_n3A_429 : vector<16xi1>, vector<16xi32>
        %broadcast_in_dim3A_438 = arith.constant 41 : i32
        %broadcast_in_dim3A_439 = vector.broadcast %broadcast_in_dim3A_438 : i32 to vector<16xi32>
        %gather3A_440 = tpu.vector_load_idx %arg6[%add3A_96, %broadcast_in_dim3A_439] : memref<512x64xf32, #tpu.memory_space<vmem>>[vector<16xi32>, vector<16xi32>], vector<16xf32>,
        %gt3A_441 = arith.cmpf ogt, %gather3A_440, %select_n3A_434 : vector<16xf32>
        %select_n3A_442 = arith.select %gt3A_441, %gather3A_440, %select_n3A_434 : vector<16xi1>, vector<16xf32>
        %broadcast_in_dim3A_443 = arith.constant 41 : i32
        %broadcast_in_dim3A_444 = vector.broadcast %broadcast_in_dim3A_443 : i32 to vector<16xi32>
        %select_n3A_445 = arith.select %gt3A_441, %broadcast_in_dim3A_444, %select_n3A_437 : vector<16xi1>, vector<16xi32>
        %broadcast_in_dim3A_446 = arith.constant 42 : i32
        %broadcast_in_dim3A_447 = vector.broadcast %broadcast_in_dim3A_446 : i32 to vector<16xi32>
        %gather3A_448 = tpu.vector_load_idx %arg6[%add3A_96, %broadcast_in_dim3A_447] : memref<512x64xf32, #tpu.memory_space<vmem>>[vector<16xi32>, vector<16xi32>], vector<16xf32>,
        %gt3A_449 = arith.cmpf ogt, %gather3A_448, %select_n3A_442 : vector<16xf32>
        %select_n3A_450 = arith.select %gt3A_449, %gather3A_448, %select_n3A_442 : vector<16xi1>, vector<16xf32>
        %broadcast_in_dim3A_451 = arith.constant 42 : i32
        %broadcast_in_dim3A_452 = vector.broadcast %broadcast_in_dim3A_451 : i32 to vector<16xi32>
        %select_n3A_453 = arith.select %gt3A_449, %broadcast_in_dim3A_452, %select_n3A_445 : vector<16xi1>, vector<16xi32>
        %broadcast_in_dim3A_454 = arith.constant 43 : i32
        %broadcast_in_dim3A_455 = vector.broadcast %broadcast_in_dim3A_454 : i32 to vector<16xi32>
        %gather3A_456 = tpu.vector_load_idx %arg6[%add3A_96, %broadcast_in_dim3A_455] : memref<512x64xf32, #tpu.memory_space<vmem>>[vector<16xi32>, vector<16xi32>], vector<16xf32>,
        %gt3A_457 = arith.cmpf ogt, %gather3A_456, %select_n3A_450 : vector<16xf32>
        %select_n3A_458 = arith.select %gt3A_457, %gather3A_456, %select_n3A_450 : vector<16xi1>, vector<16xf32>
        %broadcast_in_dim3A_459 = arith.constant 43 : i32
        %broadcast_in_dim3A_460 = vector.broadcast %broadcast_in_dim3A_459 : i32 to vector<16xi32>
        %select_n3A_461 = arith.select %gt3A_457, %broadcast_in_dim3A_460, %select_n3A_453 : vector<16xi1>, vector<16xi32>
        %broadcast_in_dim3A_462 = arith.constant 44 : i32
        %broadcast_in_dim3A_463 = vector.broadcast %broadcast_in_dim3A_462 : i32 to vector<16xi32>
        %gather3A_464 = tpu.vector_load_idx %arg6[%add3A_96, %broadcast_in_dim3A_463] : memref<512x64xf32, #tpu.memory_space<vmem>>[vector<16xi32>, vector<16xi32>], vector<16xf32>,
        %gt3A_465 = arith.cmpf ogt, %gather3A_464, %select_n3A_458 : vector<16xf32>
        %select_n3A_466 = arith.select %gt3A_465, %gather3A_464, %select_n3A_458 : vector<16xi1>, vector<16xf32>
        %broadcast_in_dim3A_467 = arith.constant 44 : i32
        %broadcast_in_dim3A_468 = vector.broadcast %broadcast_in_dim3A_467 : i32 to vector<16xi32>
        %select_n3A_469 = arith.select %gt3A_465, %broadcast_in_dim3A_468, %select_n3A_461 : vector<16xi1>, vector<16xi32>
        %broadcast_in_dim3A_470 = arith.constant 45 : i32
        %broadcast_in_dim3A_471 = vector.broadcast %broadcast_in_dim3A_470 : i32 to vector<16xi32>
        %gather3A_472 = tpu.vector_load_idx %arg6[%add3A_96, %broadcast_in_dim3A_471] : memref<512x64xf32, #tpu.memory_space<vmem>>[vector<16xi32>, vector<16xi32>], vector<16xf32>,
        %gt3A_473 = arith.cmpf ogt, %gather3A_472, %select_n3A_466 : vector<16xf32>
        %select_n3A_474 = arith.select %gt3A_473, %gather3A_472, %select_n3A_466 : vector<16xi1>, vector<16xf32>
        %broadcast_in_dim3A_475 = arith.constant 45 : i32
        %broadcast_in_dim3A_476 = vector.broadcast %broadcast_in_dim3A_475 : i32 to vector<16xi32>
        %select_n3A_477 = arith.select %gt3A_473, %broadcast_in_dim3A_476, %select_n3A_469 : vector<16xi1>, vector<16xi32>
        %broadcast_in_dim3A_478 = arith.constant 46 : i32
        %broadcast_in_dim3A_479 = vector.broadcast %broadcast_in_dim3A_478 : i32 to vector<16xi32>
        %gather3A_480 = tpu.vector_load_idx %arg6[%add3A_96, %broadcast_in_dim3A_479] : memref<512x64xf32, #tpu.memory_space<vmem>>[vector<16xi32>, vector<16xi32>], vector<16xf32>,
        %gt3A_481 = arith.cmpf ogt, %gather3A_480, %select_n3A_474 : vector<16xf32>
        %select_n3A_482 = arith.select %gt3A_481, %gather3A_480, %select_n3A_474 : vector<16xi1>, vector<16xf32>
        %broadcast_in_dim3A_483 = arith.constant 46 : i32
        %broadcast_in_dim3A_484 = vector.broadcast %broadcast_in_dim3A_483 : i32 to vector<16xi32>
        %select_n3A_485 = arith.select %gt3A_481, %broadcast_in_dim3A_484, %select_n3A_477 : vector<16xi1>, vector<16xi32>
        %broadcast_in_dim3A_486 = arith.constant 47 : i32
        %broadcast_in_dim3A_487 = vector.broadcast %broadcast_in_dim3A_486 : i32 to vector<16xi32>
        %gather3A_488 = tpu.vector_load_idx %arg6[%add3A_96, %broadcast_in_dim3A_487] : memref<512x64xf32, #tpu.memory_space<vmem>>[vector<16xi32>, vector<16xi32>], vector<16xf32>,
        %gt3A_489 = arith.cmpf ogt, %gather3A_488, %select_n3A_482 : vector<16xf32>
        %select_n3A_490 = arith.select %gt3A_489, %gather3A_488, %select_n3A_482 : vector<16xi1>, vector<16xf32>
        %broadcast_in_dim3A_491 = arith.constant 47 : i32
        %broadcast_in_dim3A_492 = vector.broadcast %broadcast_in_dim3A_491 : i32 to vector<16xi32>
        %select_n3A_493 = arith.select %gt3A_489, %broadcast_in_dim3A_492, %select_n3A_485 : vector<16xi1>, vector<16xi32>
        %broadcast_in_dim3A_494 = arith.constant 48 : i32
        %broadcast_in_dim3A_495 = vector.broadcast %broadcast_in_dim3A_494 : i32 to vector<16xi32>
        %gather3A_496 = tpu.vector_load_idx %arg6[%add3A_96, %broadcast_in_dim3A_495] : memref<512x64xf32, #tpu.memory_space<vmem>>[vector<16xi32>, vector<16xi32>], vector<16xf32>,
        %gt3A_497 = arith.cmpf ogt, %gather3A_496, %select_n3A_490 : vector<16xf32>
        %select_n3A_498 = arith.select %gt3A_497, %gather3A_496, %select_n3A_490 : vector<16xi1>, vector<16xf32>
        %broadcast_in_dim3A_499 = arith.constant 48 : i32
        %broadcast_in_dim3A_500 = vector.broadcast %broadcast_in_dim3A_499 : i32 to vector<16xi32>
        %select_n3A_501 = arith.select %gt3A_497, %broadcast_in_dim3A_500, %select_n3A_493 : vector<16xi1>, vector<16xi32>
        %broadcast_in_dim3A_502 = arith.constant 49 : i32
        %broadcast_in_dim3A_503 = vector.broadcast %broadcast_in_dim3A_502 : i32 to vector<16xi32>
        %gather3A_504 = tpu.vector_load_idx %arg6[%add3A_96, %broadcast_in_dim3A_503] : memref<512x64xf32, #tpu.memory_space<vmem>>[vector<16xi32>, vector<16xi32>], vector<16xf32>,
        %gt3A_505 = arith.cmpf ogt, %gather3A_504, %select_n3A_498 : vector<16xf32>
        %select_n3A_506 = arith.select %gt3A_505, %gather3A_504, %select_n3A_498 : vector<16xi1>, vector<16xf32>
        %broadcast_in_dim3A_507 = arith.constant 49 : i32
        %broadcast_in_dim3A_508 = vector.broadcast %broadcast_in_dim3A_507 : i32 to vector<16xi32>
        %select_n3A_509 = arith.select %gt3A_505, %broadcast_in_dim3A_508, %select_n3A_501 : vector<16xi1>, vector<16xi32>
        %broadcast_in_dim3A_510 = arith.constant 50 : i32
        %broadcast_in_dim3A_511 = vector.broadcast %broadcast_in_dim3A_510 : i32 to vector<16xi32>
        %gather3A_512 = tpu.vector_load_idx %arg6[%add3A_96, %broadcast_in_dim3A_511] : memref<512x64xf32, #tpu.memory_space<vmem>>[vector<16xi32>, vector<16xi32>], vector<16xf32>,
        %gt3A_513 = arith.cmpf ogt, %gather3A_512, %select_n3A_506 : vector<16xf32>
        %select_n3A_514 = arith.select %gt3A_513, %gather3A_512, %select_n3A_506 : vector<16xi1>, vector<16xf32>
        %broadcast_in_dim3A_515 = arith.constant 50 : i32
        %broadcast_in_dim3A_516 = vector.broadcast %broadcast_in_dim3A_515 : i32 to vector<16xi32>
        %select_n3A_517 = arith.select %gt3A_513, %broadcast_in_dim3A_516, %select_n3A_509 : vector<16xi1>, vector<16xi32>
        %broadcast_in_dim3A_518 = arith.constant 51 : i32
        %broadcast_in_dim3A_519 = vector.broadcast %broadcast_in_dim3A_518 : i32 to vector<16xi32>
        %gather3A_520 = tpu.vector_load_idx %arg6[%add3A_96, %broadcast_in_dim3A_519] : memref<512x64xf32, #tpu.memory_space<vmem>>[vector<16xi32>, vector<16xi32>], vector<16xf32>,
        %gt3A_521 = arith.cmpf ogt, %gather3A_520, %select_n3A_514 : vector<16xf32>
        %select_n3A_522 = arith.select %gt3A_521, %gather3A_520, %select_n3A_514 : vector<16xi1>, vector<16xf32>
        %broadcast_in_dim3A_523 = arith.constant 51 : i32
        %broadcast_in_dim3A_524 = vector.broadcast %broadcast_in_dim3A_523 : i32 to vector<16xi32>
        %select_n3A_525 = arith.select %gt3A_521, %broadcast_in_dim3A_524, %select_n3A_517 : vector<16xi1>, vector<16xi32>
        %broadcast_in_dim3A_526 = arith.constant 52 : i32
        %broadcast_in_dim3A_527 = vector.broadcast %broadcast_in_dim3A_526 : i32 to vector<16xi32>
        %gather3A_528 = tpu.vector_load_idx %arg6[%add3A_96, %broadcast_in_dim3A_527] : memref<512x64xf32, #tpu.memory_space<vmem>>[vector<16xi32>, vector<16xi32>], vector<16xf32>,
        %gt3A_529 = arith.cmpf ogt, %gather3A_528, %select_n3A_522 : vector<16xf32>
        %select_n3A_530 = arith.select %gt3A_529, %gather3A_528, %select_n3A_522 : vector<16xi1>, vector<16xf32>
        %broadcast_in_dim3A_531 = arith.constant 52 : i32
        %broadcast_in_dim3A_532 = vector.broadcast %broadcast_in_dim3A_531 : i32 to vector<16xi32>
        %select_n3A_533 = arith.select %gt3A_529, %broadcast_in_dim3A_532, %select_n3A_525 : vector<16xi1>, vector<16xi32>
        %broadcast_in_dim3A_534 = arith.constant 53 : i32
        %broadcast_in_dim3A_535 = vector.broadcast %broadcast_in_dim3A_534 : i32 to vector<16xi32>
        %gather3A_536 = tpu.vector_load_idx %arg6[%add3A_96, %broadcast_in_dim3A_535] : memref<512x64xf32, #tpu.memory_space<vmem>>[vector<16xi32>, vector<16xi32>], vector<16xf32>,
        %gt3A_537 = arith.cmpf ogt, %gather3A_536, %select_n3A_530 : vector<16xf32>
        %select_n3A_538 = arith.select %gt3A_537, %gather3A_536, %select_n3A_530 : vector<16xi1>, vector<16xf32>
        %broadcast_in_dim3A_539 = arith.constant 53 : i32
        %broadcast_in_dim3A_540 = vector.broadcast %broadcast_in_dim3A_539 : i32 to vector<16xi32>
        %select_n3A_541 = arith.select %gt3A_537, %broadcast_in_dim3A_540, %select_n3A_533 : vector<16xi1>, vector<16xi32>
        %broadcast_in_dim3A_542 = arith.constant 54 : i32
        %broadcast_in_dim3A_543 = vector.broadcast %broadcast_in_dim3A_542 : i32 to vector<16xi32>
        %gather3A_544 = tpu.vector_load_idx %arg6[%add3A_96, %broadcast_in_dim3A_543] : memref<512x64xf32, #tpu.memory_space<vmem>>[vector<16xi32>, vector<16xi32>], vector<16xf32>,
        %gt3A_545 = arith.cmpf ogt, %gather3A_544, %select_n3A_538 : vector<16xf32>
        %select_n3A_546 = arith.select %gt3A_545, %gather3A_544, %select_n3A_538 : vector<16xi1>, vector<16xf32>
        %broadcast_in_dim3A_547 = arith.constant 54 : i32
        %broadcast_in_dim3A_548 = vector.broadcast %broadcast_in_dim3A_547 : i32 to vector<16xi32>
        %select_n3A_549 = arith.select %gt3A_545, %broadcast_in_dim3A_548, %select_n3A_541 : vector<16xi1>, vector<16xi32>
        %broadcast_in_dim3A_550 = arith.constant 55 : i32
        %broadcast_in_dim3A_551 = vector.broadcast %broadcast_in_dim3A_550 : i32 to vector<16xi32>
        %gather3A_552 = tpu.vector_load_idx %arg6[%add3A_96, %broadcast_in_dim3A_551] : memref<512x64xf32, #tpu.memory_space<vmem>>[vector<16xi32>, vector<16xi32>], vector<16xf32>,
        %gt3A_553 = arith.cmpf ogt, %gather3A_552, %select_n3A_546 : vector<16xf32>
        %select_n3A_554 = arith.select %gt3A_553, %gather3A_552, %select_n3A_546 : vector<16xi1>, vector<16xf32>
        %broadcast_in_dim3A_555 = arith.constant 55 : i32
        %broadcast_in_dim3A_556 = vector.broadcast %broadcast_in_dim3A_555 : i32 to vector<16xi32>
        %select_n3A_557 = arith.select %gt3A_553, %broadcast_in_dim3A_556, %select_n3A_549 : vector<16xi1>, vector<16xi32>
        %broadcast_in_dim3A_558 = arith.constant 56 : i32
        %broadcast_in_dim3A_559 = vector.broadcast %broadcast_in_dim3A_558 : i32 to vector<16xi32>
        %gather3A_560 = tpu.vector_load_idx %arg6[%add3A_96, %broadcast_in_dim3A_559] : memref<512x64xf32, #tpu.memory_space<vmem>>[vector<16xi32>, vector<16xi32>], vector<16xf32>,
        %gt3A_561 = arith.cmpf ogt, %gather3A_560, %select_n3A_554 : vector<16xf32>
        %select_n3A_562 = arith.select %gt3A_561, %gather3A_560, %select_n3A_554 : vector<16xi1>, vector<16xf32>
        %broadcast_in_dim3A_563 = arith.constant 56 : i32
        %broadcast_in_dim3A_564 = vector.broadcast %broadcast_in_dim3A_563 : i32 to vector<16xi32>
        %select_n3A_565 = arith.select %gt3A_561, %broadcast_in_dim3A_564, %select_n3A_557 : vector<16xi1>, vector<16xi32>
        %broadcast_in_dim3A_566 = arith.constant 57 : i32
        %broadcast_in_dim3A_567 = vector.broadcast %broadcast_in_dim3A_566 : i32 to vector<16xi32>
        %gather3A_568 = tpu.vector_load_idx %arg6[%add3A_96, %broadcast_in_dim3A_567] : memref<512x64xf32, #tpu.memory_space<vmem>>[vector<16xi32>, vector<16xi32>], vector<16xf32>,
        %gt3A_569 = arith.cmpf ogt, %gather3A_568, %select_n3A_562 : vector<16xf32>
        %select_n3A_570 = arith.select %gt3A_569, %gather3A_568, %select_n3A_562 : vector<16xi1>, vector<16xf32>
        %broadcast_in_dim3A_571 = arith.constant 57 : i32
        %broadcast_in_dim3A_572 = vector.broadcast %broadcast_in_dim3A_571 : i32 to vector<16xi32>
        %select_n3A_573 = arith.select %gt3A_569, %broadcast_in_dim3A_572, %select_n3A_565 : vector<16xi1>, vector<16xi32>
        %broadcast_in_dim3A_574 = arith.constant 58 : i32
        %broadcast_in_dim3A_575 = vector.broadcast %broadcast_in_dim3A_574 : i32 to vector<16xi32>
        %gather3A_576 = tpu.vector_load_idx %arg6[%add3A_96, %broadcast_in_dim3A_575] : memref<512x64xf32, #tpu.memory_space<vmem>>[vector<16xi32>, vector<16xi32>], vector<16xf32>,
        %gt3A_577 = arith.cmpf ogt, %gather3A_576, %select_n3A_570 : vector<16xf32>
        %select_n3A_578 = arith.select %gt3A_577, %gather3A_576, %select_n3A_570 : vector<16xi1>, vector<16xf32>
        %broadcast_in_dim3A_579 = arith.constant 58 : i32
        %broadcast_in_dim3A_580 = vector.broadcast %broadcast_in_dim3A_579 : i32 to vector<16xi32>
        %select_n3A_581 = arith.select %gt3A_577, %broadcast_in_dim3A_580, %select_n3A_573 : vector<16xi1>, vector<16xi32>
        %broadcast_in_dim3A_582 = arith.constant 59 : i32
        %broadcast_in_dim3A_583 = vector.broadcast %broadcast_in_dim3A_582 : i32 to vector<16xi32>
        %gather3A_584 = tpu.vector_load_idx %arg6[%add3A_96, %broadcast_in_dim3A_583] : memref<512x64xf32, #tpu.memory_space<vmem>>[vector<16xi32>, vector<16xi32>], vector<16xf32>,
        %gt3A_585 = arith.cmpf ogt, %gather3A_584, %select_n3A_578 : vector<16xf32>
        %select_n3A_586 = arith.select %gt3A_585, %gather3A_584, %select_n3A_578 : vector<16xi1>, vector<16xf32>
        %broadcast_in_dim3A_587 = arith.constant 59 : i32
        %broadcast_in_dim3A_588 = vector.broadcast %broadcast_in_dim3A_587 : i32 to vector<16xi32>
        %select_n3A_589 = arith.select %gt3A_585, %broadcast_in_dim3A_588, %select_n3A_581 : vector<16xi1>, vector<16xi32>
        %broadcast_in_dim3A_590 = arith.constant 60 : i32
        %broadcast_in_dim3A_591 = vector.broadcast %broadcast_in_dim3A_590 : i32 to vector<16xi32>
        %gather3A_592 = tpu.vector_load_idx %arg6[%add3A_96, %broadcast_in_dim3A_591] : memref<512x64xf32, #tpu.memory_space<vmem>>[vector<16xi32>, vector<16xi32>], vector<16xf32>,
        %gt3A_593 = arith.cmpf ogt, %gather3A_592, %select_n3A_586 : vector<16xf32>
        %select_n3A_594 = arith.select %gt3A_593, %gather3A_592, %select_n3A_586 : vector<16xi1>, vector<16xf32>
        %broadcast_in_dim3A_595 = arith.constant 60 : i32
        %broadcast_in_dim3A_596 = vector.broadcast %broadcast_in_dim3A_595 : i32 to vector<16xi32>
        %select_n3A_597 = arith.select %gt3A_593, %broadcast_in_dim3A_596, %select_n3A_589 : vector<16xi1>, vector<16xi32>
        %broadcast_in_dim3A_598 = arith.constant 61 : i32
        %broadcast_in_dim3A_599 = vector.broadcast %broadcast_in_dim3A_598 : i32 to vector<16xi32>
        %gather3A_600 = tpu.vector_load_idx %arg6[%add3A_96, %broadcast_in_dim3A_599] : memref<512x64xf32, #tpu.memory_space<vmem>>[vector<16xi32>, vector<16xi32>], vector<16xf32>,
        %gt3A_601 = arith.cmpf ogt, %gather3A_600, %select_n3A_594 : vector<16xf32>
        %select_n3A_602 = arith.select %gt3A_601, %gather3A_600, %select_n3A_594 : vector<16xi1>, vector<16xf32>
        %broadcast_in_dim3A_603 = arith.constant 61 : i32
        %broadcast_in_dim3A_604 = vector.broadcast %broadcast_in_dim3A_603 : i32 to vector<16xi32>
        %select_n3A_605 = arith.select %gt3A_601, %broadcast_in_dim3A_604, %select_n3A_597 : vector<16xi1>, vector<16xi32>
        %broadcast_in_dim3A_606 = arith.constant 62 : i32
        %broadcast_in_dim3A_607 = vector.broadcast %broadcast_in_dim3A_606 : i32 to vector<16xi32>
        %gather3A_608 = tpu.vector_load_idx %arg6[%add3A_96, %broadcast_in_dim3A_607] : memref<512x64xf32, #tpu.memory_space<vmem>>[vector<16xi32>, vector<16xi32>], vector<16xf32>,
        %gt3A_609 = arith.cmpf ogt, %gather3A_608, %select_n3A_602 : vector<16xf32>
        %select_n3A_610 = arith.select %gt3A_609, %gather3A_608, %select_n3A_602 : vector<16xi1>, vector<16xf32>
        %broadcast_in_dim3A_611 = arith.constant 62 : i32
        %broadcast_in_dim3A_612 = vector.broadcast %broadcast_in_dim3A_611 : i32 to vector<16xi32>
        %select_n3A_613 = arith.select %gt3A_609, %broadcast_in_dim3A_612, %select_n3A_605 : vector<16xi1>, vector<16xi32>
        %broadcast_in_dim3A_614 = arith.constant 63 : i32
        %broadcast_in_dim3A_615 = vector.broadcast %broadcast_in_dim3A_614 : i32 to vector<16xi32>
        %gather3A_616 = tpu.vector_load_idx %arg6[%add3A_96, %broadcast_in_dim3A_615] : memref<512x64xf32, #tpu.memory_space<vmem>>[vector<16xi32>, vector<16xi32>], vector<16xf32>,
        %gt3A_617 = arith.cmpf ogt, %gather3A_616, %select_n3A_610 : vector<16xf32>
        %select_n3A_618 = arith.select %gt3A_617, %gather3A_616, %select_n3A_610 : vector<16xi1>, vector<16xf32>
        %broadcast_in_dim3A_619 = arith.constant 63 : i32
        %broadcast_in_dim3A_620 = vector.broadcast %broadcast_in_dim3A_619 : i32 to vector<16xi32>
        %select_n3A_621 = arith.select %gt3A_617, %broadcast_in_dim3A_620, %select_n3A_613 : vector<16xi1>, vector<16xi32>
        tpu.vector_store_idx %arg6[%add3A_96, %select_n3A_621], %broadcast_in_dim3A_77 : memref<512x64xf32, #tpu.memory_space<vmem>>[vector<16xi32>, vector<16xi32>], vector<16xf32>,
        tpu.vector_store_idx %arg7[%select_n3A_621], %broadcast_in_dim3A_79 {add = true} : memref<64xi32, #tpu.memory_space<vmem>>[vector<16xi32>], vector<16xi32>,
      }
      %while3A_106 = arith.constant 1 : i32
      scf.for %while3A_107 = %while3A_104 to %while3A_100 step %while3A_106  : i32 {
        %broadcast_in_dim3A_108 = arith.constant 0xFF800000 : f32
        %broadcast_in_dim3A_109 = vector.broadcast %broadcast_in_dim3A_108 : f32 to vector<16xf32>
        %broadcast_in_dim3A_110 = arith.constant 0 : i32
        %broadcast_in_dim3A_111 = vector.broadcast %broadcast_in_dim3A_110 : i32 to vector<16xi32>
        %broadcast_in_dim3A_112 = arith.constant 0 : i32
        %broadcast_in_dim3A_113 = vector.broadcast %broadcast_in_dim3A_112 : i32 to vector<16xi32>
        %gather3A = tpu.vector_load_idx %arg6[%add3A_96, %broadcast_in_dim3A_113] : memref<512x64xf32, #tpu.memory_space<vmem>>[vector<16xi32>, vector<16xi32>], vector<16xf32>,
        %gt3A = arith.cmpf ogt, %gather3A, %broadcast_in_dim3A_109 : vector<16xf32>
        %select_n3A_114 = arith.select %gt3A, %gather3A, %broadcast_in_dim3A_109 : vector<16xi1>, vector<16xf32>
        %broadcast_in_dim3A_115 = arith.constant 0 : i32
        %broadcast_in_dim3A_116 = vector.broadcast %broadcast_in_dim3A_115 : i32 to vector<16xi32>
        %select_n3A_117 = arith.select %gt3A, %broadcast_in_dim3A_116, %broadcast_in_dim3A_111 : vector<16xi1>, vector<16xi32>
        %broadcast_in_dim3A_118 = arith.constant 1 : i32
        %broadcast_in_dim3A_119 = vector.broadcast %broadcast_in_dim3A_118 : i32 to vector<16xi32>
        %gather3A_120 = tpu.vector_load_idx %arg6[%add3A_96, %broadcast_in_dim3A_119] : memref<512x64xf32, #tpu.memory_space<vmem>>[vector<16xi32>, vector<16xi32>], vector<16xf32>,
        %gt3A_121 = arith.cmpf ogt, %gather3A_120, %select_n3A_114 : vector<16xf32>
        %select_n3A_122 = arith.select %gt3A_121, %gather3A_120, %select_n3A_114 : vector<16xi1>, vector<16xf32>
        %broadcast_in_dim3A_123 = arith.constant 1 : i32
        %broadcast_in_dim3A_124 = vector.broadcast %broadcast_in_dim3A_123 : i32 to vector<16xi32>
        %select_n3A_125 = arith.select %gt3A_121, %broadcast_in_dim3A_124, %select_n3A_117 : vector<16xi1>, vector<16xi32>
        %broadcast_in_dim3A_126 = arith.constant 2 : i32
        %broadcast_in_dim3A_127 = vector.broadcast %broadcast_in_dim3A_126 : i32 to vector<16xi32>
        %gather3A_128 = tpu.vector_load_idx %arg6[%add3A_96, %broadcast_in_dim3A_127] : memref<512x64xf32, #tpu.memory_space<vmem>>[vector<16xi32>, vector<16xi32>], vector<16xf32>,
        %gt3A_129 = arith.cmpf ogt, %gather3A_128, %select_n3A_122 : vector<16xf32>
        %select_n3A_130 = arith.select %gt3A_129, %gather3A_128, %select_n3A_122 : vector<16xi1>, vector<16xf32>
        %broadcast_in_dim3A_131 = arith.constant 2 : i32
        %broadcast_in_dim3A_132 = vector.broadcast %broadcast_in_dim3A_131 : i32 to vector<16xi32>
        %select_n3A_133 = arith.select %gt3A_129, %broadcast_in_dim3A_132, %select_n3A_125 : vector<16xi1>, vector<16xi32>
        %broadcast_in_dim3A_134 = arith.constant 3 : i32
        %broadcast_in_dim3A_135 = vector.broadcast %broadcast_in_dim3A_134 : i32 to vector<16xi32>
        %gather3A_136 = tpu.vector_load_idx %arg6[%add3A_96, %broadcast_in_dim3A_135] : memref<512x64xf32, #tpu.memory_space<vmem>>[vector<16xi32>, vector<16xi32>], vector<16xf32>,
        %gt3A_137 = arith.cmpf ogt, %gather3A_136, %select_n3A_130 : vector<16xf32>
        %select_n3A_138 = arith.select %gt3A_137, %gather3A_136, %select_n3A_130 : vector<16xi1>, vector<16xf32>
        %broadcast_in_dim3A_139 = arith.constant 3 : i32
        %broadcast_in_dim3A_140 = vector.broadcast %broadcast_in_dim3A_139 : i32 to vector<16xi32>
        %select_n3A_141 = arith.select %gt3A_137, %broadcast_in_dim3A_140, %select_n3A_133 : vector<16xi1>, vector<16xi32>
        %broadcast_in_dim3A_142 = arith.constant 4 : i32
        %broadcast_in_dim3A_143 = vector.broadcast %broadcast_in_dim3A_142 : i32 to vector<16xi32>
        %gather3A_144 = tpu.vector_load_idx %arg6[%add3A_96, %broadcast_in_dim3A_143] : memref<512x64xf32, #tpu.memory_space<vmem>>[vector<16xi32>, vector<16xi32>], vector<16xf32>,
        %gt3A_145 = arith.cmpf ogt, %gather3A_144, %select_n3A_138 : vector<16xf32>
        %select_n3A_146 = arith.select %gt3A_145, %gather3A_144, %select_n3A_138 : vector<16xi1>, vector<16xf32>
        %broadcast_in_dim3A_147 = arith.constant 4 : i32
        %broadcast_in_dim3A_148 = vector.broadcast %broadcast_in_dim3A_147 : i32 to vector<16xi32>
        %select_n3A_149 = arith.select %gt3A_145, %broadcast_in_dim3A_148, %select_n3A_141 : vector<16xi1>, vector<16xi32>
        %broadcast_in_dim3A_150 = arith.constant 5 : i32
        %broadcast_in_dim3A_151 = vector.broadcast %broadcast_in_dim3A_150 : i32 to vector<16xi32>
        %gather3A_152 = tpu.vector_load_idx %arg6[%add3A_96, %broadcast_in_dim3A_151] : memref<512x64xf32, #tpu.memory_space<vmem>>[vector<16xi32>, vector<16xi32>], vector<16xf32>,
        %gt3A_153 = arith.cmpf ogt, %gather3A_152, %select_n3A_146 : vector<16xf32>
        %select_n3A_154 = arith.select %gt3A_153, %gather3A_152, %select_n3A_146 : vector<16xi1>, vector<16xf32>
        %broadcast_in_dim3A_155 = arith.constant 5 : i32
        %broadcast_in_dim3A_156 = vector.broadcast %broadcast_in_dim3A_155 : i32 to vector<16xi32>
        %select_n3A_157 = arith.select %gt3A_153, %broadcast_in_dim3A_156, %select_n3A_149 : vector<16xi1>, vector<16xi32>
        %broadcast_in_dim3A_158 = arith.constant 6 : i32
        %broadcast_in_dim3A_159 = vector.broadcast %broadcast_in_dim3A_158 : i32 to vector<16xi32>
        %gather3A_160 = tpu.vector_load_idx %arg6[%add3A_96, %broadcast_in_dim3A_159] : memref<512x64xf32, #tpu.memory_space<vmem>>[vector<16xi32>, vector<16xi32>], vector<16xf32>,
        %gt3A_161 = arith.cmpf ogt, %gather3A_160, %select_n3A_154 : vector<16xf32>
        %select_n3A_162 = arith.select %gt3A_161, %gather3A_160, %select_n3A_154 : vector<16xi1>, vector<16xf32>
        %broadcast_in_dim3A_163 = arith.constant 6 : i32
        %broadcast_in_dim3A_164 = vector.broadcast %broadcast_in_dim3A_163 : i32 to vector<16xi32>
        %select_n3A_165 = arith.select %gt3A_161, %broadcast_in_dim3A_164, %select_n3A_157 : vector<16xi1>, vector<16xi32>
        %broadcast_in_dim3A_166 = arith.constant 7 : i32
        %broadcast_in_dim3A_167 = vector.broadcast %broadcast_in_dim3A_166 : i32 to vector<16xi32>
        %gather3A_168 = tpu.vector_load_idx %arg6[%add3A_96, %broadcast_in_dim3A_167] : memref<512x64xf32, #tpu.memory_space<vmem>>[vector<16xi32>, vector<16xi32>], vector<16xf32>,
        %gt3A_169 = arith.cmpf ogt, %gather3A_168, %select_n3A_162 : vector<16xf32>
        %select_n3A_170 = arith.select %gt3A_169, %gather3A_168, %select_n3A_162 : vector<16xi1>, vector<16xf32>
        %broadcast_in_dim3A_171 = arith.constant 7 : i32
        %broadcast_in_dim3A_172 = vector.broadcast %broadcast_in_dim3A_171 : i32 to vector<16xi32>
        %select_n3A_173 = arith.select %gt3A_169, %broadcast_in_dim3A_172, %select_n3A_165 : vector<16xi1>, vector<16xi32>
        %broadcast_in_dim3A_174 = arith.constant 8 : i32
        %broadcast_in_dim3A_175 = vector.broadcast %broadcast_in_dim3A_174 : i32 to vector<16xi32>
        %gather3A_176 = tpu.vector_load_idx %arg6[%add3A_96, %broadcast_in_dim3A_175] : memref<512x64xf32, #tpu.memory_space<vmem>>[vector<16xi32>, vector<16xi32>], vector<16xf32>,
        %gt3A_177 = arith.cmpf ogt, %gather3A_176, %select_n3A_170 : vector<16xf32>
        %select_n3A_178 = arith.select %gt3A_177, %gather3A_176, %select_n3A_170 : vector<16xi1>, vector<16xf32>
        %broadcast_in_dim3A_179 = arith.constant 8 : i32
        %broadcast_in_dim3A_180 = vector.broadcast %broadcast_in_dim3A_179 : i32 to vector<16xi32>
        %select_n3A_181 = arith.select %gt3A_177, %broadcast_in_dim3A_180, %select_n3A_173 : vector<16xi1>, vector<16xi32>
        %broadcast_in_dim3A_182 = arith.constant 9 : i32
        %broadcast_in_dim3A_183 = vector.broadcast %broadcast_in_dim3A_182 : i32 to vector<16xi32>
        %gather3A_184 = tpu.vector_load_idx %arg6[%add3A_96, %broadcast_in_dim3A_183] : memref<512x64xf32, #tpu.memory_space<vmem>>[vector<16xi32>, vector<16xi32>], vector<16xf32>,
        %gt3A_185 = arith.cmpf ogt, %gather3A_184, %select_n3A_178 : vector<16xf32>
        %select_n3A_186 = arith.select %gt3A_185, %gather3A_184, %select_n3A_178 : vector<16xi1>, vector<16xf32>
        %broadcast_in_dim3A_187 = arith.constant 9 : i32
        %broadcast_in_dim3A_188 = vector.broadcast %broadcast_in_dim3A_187 : i32 to vector<16xi32>
        %select_n3A_189 = arith.select %gt3A_185, %broadcast_in_dim3A_188, %select_n3A_181 : vector<16xi1>, vector<16xi32>
        %broadcast_in_dim3A_190 = arith.constant 10 : i32
        %broadcast_in_dim3A_191 = vector.broadcast %broadcast_in_dim3A_190 : i32 to vector<16xi32>
        %gather3A_192 = tpu.vector_load_idx %arg6[%add3A_96, %broadcast_in_dim3A_191] : memref<512x64xf32, #tpu.memory_space<vmem>>[vector<16xi32>, vector<16xi32>], vector<16xf32>,
        %gt3A_193 = arith.cmpf ogt, %gather3A_192, %select_n3A_186 : vector<16xf32>
        %select_n3A_194 = arith.select %gt3A_193, %gather3A_192, %select_n3A_186 : vector<16xi1>, vector<16xf32>
        %broadcast_in_dim3A_195 = arith.constant 10 : i32
        %broadcast_in_dim3A_196 = vector.broadcast %broadcast_in_dim3A_195 : i32 to vector<16xi32>
        %select_n3A_197 = arith.select %gt3A_193, %broadcast_in_dim3A_196, %select_n3A_189 : vector<16xi1>, vector<16xi32>
        %broadcast_in_dim3A_198 = arith.constant 11 : i32
        %broadcast_in_dim3A_199 = vector.broadcast %broadcast_in_dim3A_198 : i32 to vector<16xi32>
        %gather3A_200 = tpu.vector_load_idx %arg6[%add3A_96, %broadcast_in_dim3A_199] : memref<512x64xf32, #tpu.memory_space<vmem>>[vector<16xi32>, vector<16xi32>], vector<16xf32>,
        %gt3A_201 = arith.cmpf ogt, %gather3A_200, %select_n3A_194 : vector<16xf32>
        %select_n3A_202 = arith.select %gt3A_201, %gather3A_200, %select_n3A_194 : vector<16xi1>, vector<16xf32>
        %broadcast_in_dim3A_203 = arith.constant 11 : i32
        %broadcast_in_dim3A_204 = vector.broadcast %broadcast_in_dim3A_203 : i32 to vector<16xi32>
        %select_n3A_205 = arith.select %gt3A_201, %broadcast_in_dim3A_204, %select_n3A_197 : vector<16xi1>, vector<16xi32>
        %broadcast_in_dim3A_206 = arith.constant 12 : i32
        %broadcast_in_dim3A_207 = vector.broadcast %broadcast_in_dim3A_206 : i32 to vector<16xi32>
        %gather3A_208 = tpu.vector_load_idx %arg6[%add3A_96, %broadcast_in_dim3A_207] : memref<512x64xf32, #tpu.memory_space<vmem>>[vector<16xi32>, vector<16xi32>], vector<16xf32>,
        %gt3A_209 = arith.cmpf ogt, %gather3A_208, %select_n3A_202 : vector<16xf32>
        %select_n3A_210 = arith.select %gt3A_209, %gather3A_208, %select_n3A_202 : vector<16xi1>, vector<16xf32>
        %broadcast_in_dim3A_211 = arith.constant 12 : i32
        %broadcast_in_dim3A_212 = vector.broadcast %broadcast_in_dim3A_211 : i32 to vector<16xi32>
        %select_n3A_213 = arith.select %gt3A_209, %broadcast_in_dim3A_212, %select_n3A_205 : vector<16xi1>, vector<16xi32>
        %broadcast_in_dim3A_214 = arith.constant 13 : i32
        %broadcast_in_dim3A_215 = vector.broadcast %broadcast_in_dim3A_214 : i32 to vector<16xi32>
        %gather3A_216 = tpu.vector_load_idx %arg6[%add3A_96, %broadcast_in_dim3A_215] : memref<512x64xf32, #tpu.memory_space<vmem>>[vector<16xi32>, vector<16xi32>], vector<16xf32>,
        %gt3A_217 = arith.cmpf ogt, %gather3A_216, %select_n3A_210 : vector<16xf32>
        %select_n3A_218 = arith.select %gt3A_217, %gather3A_216, %select_n3A_210 : vector<16xi1>, vector<16xf32>
        %broadcast_in_dim3A_219 = arith.constant 13 : i32
        %broadcast_in_dim3A_220 = vector.broadcast %broadcast_in_dim3A_219 : i32 to vector<16xi32>
        %select_n3A_221 = arith.select %gt3A_217, %broadcast_in_dim3A_220, %select_n3A_213 : vector<16xi1>, vector<16xi32>
        %broadcast_in_dim3A_222 = arith.constant 14 : i32
        %broadcast_in_dim3A_223 = vector.broadcast %broadcast_in_dim3A_222 : i32 to vector<16xi32>
        %gather3A_224 = tpu.vector_load_idx %arg6[%add3A_96, %broadcast_in_dim3A_223] : memref<512x64xf32, #tpu.memory_space<vmem>>[vector<16xi32>, vector<16xi32>], vector<16xf32>,
        %gt3A_225 = arith.cmpf ogt, %gather3A_224, %select_n3A_218 : vector<16xf32>
        %select_n3A_226 = arith.select %gt3A_225, %gather3A_224, %select_n3A_218 : vector<16xi1>, vector<16xf32>
        %broadcast_in_dim3A_227 = arith.constant 14 : i32
        %broadcast_in_dim3A_228 = vector.broadcast %broadcast_in_dim3A_227 : i32 to vector<16xi32>
        %select_n3A_229 = arith.select %gt3A_225, %broadcast_in_dim3A_228, %select_n3A_221 : vector<16xi1>, vector<16xi32>
        %broadcast_in_dim3A_230 = arith.constant 15 : i32
        %broadcast_in_dim3A_231 = vector.broadcast %broadcast_in_dim3A_230 : i32 to vector<16xi32>
        %gather3A_232 = tpu.vector_load_idx %arg6[%add3A_96, %broadcast_in_dim3A_231] : memref<512x64xf32, #tpu.memory_space<vmem>>[vector<16xi32>, vector<16xi32>], vector<16xf32>,
        %gt3A_233 = arith.cmpf ogt, %gather3A_232, %select_n3A_226 : vector<16xf32>
        %select_n3A_234 = arith.select %gt3A_233, %gather3A_232, %select_n3A_226 : vector<16xi1>, vector<16xf32>
        %broadcast_in_dim3A_235 = arith.constant 15 : i32
        %broadcast_in_dim3A_236 = vector.broadcast %broadcast_in_dim3A_235 : i32 to vector<16xi32>
        %select_n3A_237 = arith.select %gt3A_233, %broadcast_in_dim3A_236, %select_n3A_229 : vector<16xi1>, vector<16xi32>
        %broadcast_in_dim3A_238 = arith.constant 16 : i32
        %broadcast_in_dim3A_239 = vector.broadcast %broadcast_in_dim3A_238 : i32 to vector<16xi32>
        %gather3A_240 = tpu.vector_load_idx %arg6[%add3A_96, %broadcast_in_dim3A_239] : memref<512x64xf32, #tpu.memory_space<vmem>>[vector<16xi32>, vector<16xi32>], vector<16xf32>,
        %gt3A_241 = arith.cmpf ogt, %gather3A_240, %select_n3A_234 : vector<16xf32>
        %select_n3A_242 = arith.select %gt3A_241, %gather3A_240, %select_n3A_234 : vector<16xi1>, vector<16xf32>
        %broadcast_in_dim3A_243 = arith.constant 16 : i32
        %broadcast_in_dim3A_244 = vector.broadcast %broadcast_in_dim3A_243 : i32 to vector<16xi32>
        %select_n3A_245 = arith.select %gt3A_241, %broadcast_in_dim3A_244, %select_n3A_237 : vector<16xi1>, vector<16xi32>
        %broadcast_in_dim3A_246 = arith.constant 17 : i32
        %broadcast_in_dim3A_247 = vector.broadcast %broadcast_in_dim3A_246 : i32 to vector<16xi32>
        %gather3A_248 = tpu.vector_load_idx %arg6[%add3A_96, %broadcast_in_dim3A_247] : memref<512x64xf32, #tpu.memory_space<vmem>>[vector<16xi32>, vector<16xi32>], vector<16xf32>,
        %gt3A_249 = arith.cmpf ogt, %gather3A_248, %select_n3A_242 : vector<16xf32>
        %select_n3A_250 = arith.select %gt3A_249, %gather3A_248, %select_n3A_242 : vector<16xi1>, vector<16xf32>
        %broadcast_in_dim3A_251 = arith.constant 17 : i32
        %broadcast_in_dim3A_252 = vector.broadcast %broadcast_in_dim3A_251 : i32 to vector<16xi32>
        %select_n3A_253 = arith.select %gt3A_249, %broadcast_in_dim3A_252, %select_n3A_245 : vector<16xi1>, vector<16xi32>
        %broadcast_in_dim3A_254 = arith.constant 18 : i32
        %broadcast_in_dim3A_255 = vector.broadcast %broadcast_in_dim3A_254 : i32 to vector<16xi32>
        %gather3A_256 = tpu.vector_load_idx %arg6[%add3A_96, %broadcast_in_dim3A_255] : memref<512x64xf32, #tpu.memory_space<vmem>>[vector<16xi32>, vector<16xi32>], vector<16xf32>,
        %gt3A_257 = arith.cmpf ogt, %gather3A_256, %select_n3A_250 : vector<16xf32>
        %select_n3A_258 = arith.select %gt3A_257, %gather3A_256, %select_n3A_250 : vector<16xi1>, vector<16xf32>
        %broadcast_in_dim3A_259 = arith.constant 18 : i32
        %broadcast_in_dim3A_260 = vector.broadcast %broadcast_in_dim3A_259 : i32 to vector<16xi32>
        %select_n3A_261 = arith.select %gt3A_257, %broadcast_in_dim3A_260, %select_n3A_253 : vector<16xi1>, vector<16xi32>
        %broadcast_in_dim3A_262 = arith.constant 19 : i32
        %broadcast_in_dim3A_263 = vector.broadcast %broadcast_in_dim3A_262 : i32 to vector<16xi32>
        %gather3A_264 = tpu.vector_load_idx %arg6[%add3A_96, %broadcast_in_dim3A_263] : memref<512x64xf32, #tpu.memory_space<vmem>>[vector<16xi32>, vector<16xi32>], vector<16xf32>,
        %gt3A_265 = arith.cmpf ogt, %gather3A_264, %select_n3A_258 : vector<16xf32>
        %select_n3A_266 = arith.select %gt3A_265, %gather3A_264, %select_n3A_258 : vector<16xi1>, vector<16xf32>
        %broadcast_in_dim3A_267 = arith.constant 19 : i32
        %broadcast_in_dim3A_268 = vector.broadcast %broadcast_in_dim3A_267 : i32 to vector<16xi32>
        %select_n3A_269 = arith.select %gt3A_265, %broadcast_in_dim3A_268, %select_n3A_261 : vector<16xi1>, vector<16xi32>
        %broadcast_in_dim3A_270 = arith.constant 20 : i32
        %broadcast_in_dim3A_271 = vector.broadcast %broadcast_in_dim3A_270 : i32 to vector<16xi32>
        %gather3A_272 = tpu.vector_load_idx %arg6[%add3A_96, %broadcast_in_dim3A_271] : memref<512x64xf32, #tpu.memory_space<vmem>>[vector<16xi32>, vector<16xi32>], vector<16xf32>,
        %gt3A_273 = arith.cmpf ogt, %gather3A_272, %select_n3A_266 : vector<16xf32>
        %select_n3A_274 = arith.select %gt3A_273, %gather3A_272, %select_n3A_266 : vector<16xi1>, vector<16xf32>
        %broadcast_in_dim3A_275 = arith.constant 20 : i32
        %broadcast_in_dim3A_276 = vector.broadcast %broadcast_in_dim3A_275 : i32 to vector<16xi32>
        %select_n3A_277 = arith.select %gt3A_273, %broadcast_in_dim3A_276, %select_n3A_269 : vector<16xi1>, vector<16xi32>
        %broadcast_in_dim3A_278 = arith.constant 21 : i32
        %broadcast_in_dim3A_279 = vector.broadcast %broadcast_in_dim3A_278 : i32 to vector<16xi32>
        %gather3A_280 = tpu.vector_load_idx %arg6[%add3A_96, %broadcast_in_dim3A_279] : memref<512x64xf32, #tpu.memory_space<vmem>>[vector<16xi32>, vector<16xi32>], vector<16xf32>,
        %gt3A_281 = arith.cmpf ogt, %gather3A_280, %select_n3A_274 : vector<16xf32>
        %select_n3A_282 = arith.select %gt3A_281, %gather3A_280, %select_n3A_274 : vector<16xi1>, vector<16xf32>
        %broadcast_in_dim3A_283 = arith.constant 21 : i32
        %broadcast_in_dim3A_284 = vector.broadcast %broadcast_in_dim3A_283 : i32 to vector<16xi32>
        %select_n3A_285 = arith.select %gt3A_281, %broadcast_in_dim3A_284, %select_n3A_277 : vector<16xi1>, vector<16xi32>
        %broadcast_in_dim3A_286 = arith.constant 22 : i32
        %broadcast_in_dim3A_287 = vector.broadcast %broadcast_in_dim3A_286 : i32 to vector<16xi32>
        %gather3A_288 = tpu.vector_load_idx %arg6[%add3A_96, %broadcast_in_dim3A_287] : memref<512x64xf32, #tpu.memory_space<vmem>>[vector<16xi32>, vector<16xi32>], vector<16xf32>,
        %gt3A_289 = arith.cmpf ogt, %gather3A_288, %select_n3A_282 : vector<16xf32>
        %select_n3A_290 = arith.select %gt3A_289, %gather3A_288, %select_n3A_282 : vector<16xi1>, vector<16xf32>
        %broadcast_in_dim3A_291 = arith.constant 22 : i32
        %broadcast_in_dim3A_292 = vector.broadcast %broadcast_in_dim3A_291 : i32 to vector<16xi32>
        %select_n3A_293 = arith.select %gt3A_289, %broadcast_in_dim3A_292, %select_n3A_285 : vector<16xi1>, vector<16xi32>
        %broadcast_in_dim3A_294 = arith.constant 23 : i32
        %broadcast_in_dim3A_295 = vector.broadcast %broadcast_in_dim3A_294 : i32 to vector<16xi32>
        %gather3A_296 = tpu.vector_load_idx %arg6[%add3A_96, %broadcast_in_dim3A_295] : memref<512x64xf32, #tpu.memory_space<vmem>>[vector<16xi32>, vector<16xi32>], vector<16xf32>,
        %gt3A_297 = arith.cmpf ogt, %gather3A_296, %select_n3A_290 : vector<16xf32>
        %select_n3A_298 = arith.select %gt3A_297, %gather3A_296, %select_n3A_290 : vector<16xi1>, vector<16xf32>
        %broadcast_in_dim3A_299 = arith.constant 23 : i32
        %broadcast_in_dim3A_300 = vector.broadcast %broadcast_in_dim3A_299 : i32 to vector<16xi32>
        %select_n3A_301 = arith.select %gt3A_297, %broadcast_in_dim3A_300, %select_n3A_293 : vector<16xi1>, vector<16xi32>
        %broadcast_in_dim3A_302 = arith.constant 24 : i32
        %broadcast_in_dim3A_303 = vector.broadcast %broadcast_in_dim3A_302 : i32 to vector<16xi32>
        %gather3A_304 = tpu.vector_load_idx %arg6[%add3A_96, %broadcast_in_dim3A_303] : memref<512x64xf32, #tpu.memory_space<vmem>>[vector<16xi32>, vector<16xi32>], vector<16xf32>,
        %gt3A_305 = arith.cmpf ogt, %gather3A_304, %select_n3A_298 : vector<16xf32>
        %select_n3A_306 = arith.select %gt3A_305, %gather3A_304, %select_n3A_298 : vector<16xi1>, vector<16xf32>
        %broadcast_in_dim3A_307 = arith.constant 24 : i32
        %broadcast_in_dim3A_308 = vector.broadcast %broadcast_in_dim3A_307 : i32 to vector<16xi32>
        %select_n3A_309 = arith.select %gt3A_305, %broadcast_in_dim3A_308, %select_n3A_301 : vector<16xi1>, vector<16xi32>
        %broadcast_in_dim3A_310 = arith.constant 25 : i32
        %broadcast_in_dim3A_311 = vector.broadcast %broadcast_in_dim3A_310 : i32 to vector<16xi32>
        %gather3A_312 = tpu.vector_load_idx %arg6[%add3A_96, %broadcast_in_dim3A_311] : memref<512x64xf32, #tpu.memory_space<vmem>>[vector<16xi32>, vector<16xi32>], vector<16xf32>,
        %gt3A_313 = arith.cmpf ogt, %gather3A_312, %select_n3A_306 : vector<16xf32>
        %select_n3A_314 = arith.select %gt3A_313, %gather3A_312, %select_n3A_306 : vector<16xi1>, vector<16xf32>
        %broadcast_in_dim3A_315 = arith.constant 25 : i32
        %broadcast_in_dim3A_316 = vector.broadcast %broadcast_in_dim3A_315 : i32 to vector<16xi32>
        %select_n3A_317 = arith.select %gt3A_313, %broadcast_in_dim3A_316, %select_n3A_309 : vector<16xi1>, vector<16xi32>
        %broadcast_in_dim3A_318 = arith.constant 26 : i32
        %broadcast_in_dim3A_319 = vector.broadcast %broadcast_in_dim3A_318 : i32 to vector<16xi32>
        %gather3A_320 = tpu.vector_load_idx %arg6[%add3A_96, %broadcast_in_dim3A_319] : memref<512x64xf32, #tpu.memory_space<vmem>>[vector<16xi32>, vector<16xi32>], vector<16xf32>,
        %gt3A_321 = arith.cmpf ogt, %gather3A_320, %select_n3A_314 : vector<16xf32>
        %select_n3A_322 = arith.select %gt3A_321, %gather3A_320, %select_n3A_314 : vector<16xi1>, vector<16xf32>
        %broadcast_in_dim3A_323 = arith.constant 26 : i32
        %broadcast_in_dim3A_324 = vector.broadcast %broadcast_in_dim3A_323 : i32 to vector<16xi32>
        %select_n3A_325 = arith.select %gt3A_321, %broadcast_in_dim3A_324, %select_n3A_317 : vector<16xi1>, vector<16xi32>
        %broadcast_in_dim3A_326 = arith.constant 27 : i32
        %broadcast_in_dim3A_327 = vector.broadcast %broadcast_in_dim3A_326 : i32 to vector<16xi32>
        %gather3A_328 = tpu.vector_load_idx %arg6[%add3A_96, %broadcast_in_dim3A_327] : memref<512x64xf32, #tpu.memory_space<vmem>>[vector<16xi32>, vector<16xi32>], vector<16xf32>,
        %gt3A_329 = arith.cmpf ogt, %gather3A_328, %select_n3A_322 : vector<16xf32>
        %select_n3A_330 = arith.select %gt3A_329, %gather3A_328, %select_n3A_322 : vector<16xi1>, vector<16xf32>
        %broadcast_in_dim3A_331 = arith.constant 27 : i32
        %broadcast_in_dim3A_332 = vector.broadcast %broadcast_in_dim3A_331 : i32 to vector<16xi32>
        %select_n3A_333 = arith.select %gt3A_329, %broadcast_in_dim3A_332, %select_n3A_325 : vector<16xi1>, vector<16xi32>
        %broadcast_in_dim3A_334 = arith.constant 28 : i32
        %broadcast_in_dim3A_335 = vector.broadcast %broadcast_in_dim3A_334 : i32 to vector<16xi32>
        %gather3A_336 = tpu.vector_load_idx %arg6[%add3A_96, %broadcast_in_dim3A_335] : memref<512x64xf32, #tpu.memory_space<vmem>>[vector<16xi32>, vector<16xi32>], vector<16xf32>,
        %gt3A_337 = arith.cmpf ogt, %gather3A_336, %select_n3A_330 : vector<16xf32>
        %select_n3A_338 = arith.select %gt3A_337, %gather3A_336, %select_n3A_330 : vector<16xi1>, vector<16xf32>
        %broadcast_in_dim3A_339 = arith.constant 28 : i32
        %broadcast_in_dim3A_340 = vector.broadcast %broadcast_in_dim3A_339 : i32 to vector<16xi32>
        %select_n3A_341 = arith.select %gt3A_337, %broadcast_in_dim3A_340, %select_n3A_333 : vector<16xi1>, vector<16xi32>
        %broadcast_in_dim3A_342 = arith.constant 29 : i32
        %broadcast_in_dim3A_343 = vector.broadcast %broadcast_in_dim3A_342 : i32 to vector<16xi32>
        %gather3A_344 = tpu.vector_load_idx %arg6[%add3A_96, %broadcast_in_dim3A_343] : memref<512x64xf32, #tpu.memory_space<vmem>>[vector<16xi32>, vector<16xi32>], vector<16xf32>,
        %gt3A_345 = arith.cmpf ogt, %gather3A_344, %select_n3A_338 : vector<16xf32>
        %select_n3A_346 = arith.select %gt3A_345, %gather3A_344, %select_n3A_338 : vector<16xi1>, vector<16xf32>
        %broadcast_in_dim3A_347 = arith.constant 29 : i32
        %broadcast_in_dim3A_348 = vector.broadcast %broadcast_in_dim3A_347 : i32 to vector<16xi32>
        %select_n3A_349 = arith.select %gt3A_345, %broadcast_in_dim3A_348, %select_n3A_341 : vector<16xi1>, vector<16xi32>
        %broadcast_in_dim3A_350 = arith.constant 30 : i32
        %broadcast_in_dim3A_351 = vector.broadcast %broadcast_in_dim3A_350 : i32 to vector<16xi32>
        %gather3A_352 = tpu.vector_load_idx %arg6[%add3A_96, %broadcast_in_dim3A_351] : memref<512x64xf32, #tpu.memory_space<vmem>>[vector<16xi32>, vector<16xi32>], vector<16xf32>,
        %gt3A_353 = arith.cmpf ogt, %gather3A_352, %select_n3A_346 : vector<16xf32>
        %select_n3A_354 = arith.select %gt3A_353, %gather3A_352, %select_n3A_346 : vector<16xi1>, vector<16xf32>
        %broadcast_in_dim3A_355 = arith.constant 30 : i32
        %broadcast_in_dim3A_356 = vector.broadcast %broadcast_in_dim3A_355 : i32 to vector<16xi32>
        %select_n3A_357 = arith.select %gt3A_353, %broadcast_in_dim3A_356, %select_n3A_349 : vector<16xi1>, vector<16xi32>
        %broadcast_in_dim3A_358 = arith.constant 31 : i32
        %broadcast_in_dim3A_359 = vector.broadcast %broadcast_in_dim3A_358 : i32 to vector<16xi32>
        %gather3A_360 = tpu.vector_load_idx %arg6[%add3A_96, %broadcast_in_dim3A_359] : memref<512x64xf32, #tpu.memory_space<vmem>>[vector<16xi32>, vector<16xi32>], vector<16xf32>,
        %gt3A_361 = arith.cmpf ogt, %gather3A_360, %select_n3A_354 : vector<16xf32>
        %select_n3A_362 = arith.select %gt3A_361, %gather3A_360, %select_n3A_354 : vector<16xi1>, vector<16xf32>
        %broadcast_in_dim3A_363 = arith.constant 31 : i32
        %broadcast_in_dim3A_364 = vector.broadcast %broadcast_in_dim3A_363 : i32 to vector<16xi32>
        %select_n3A_365 = arith.select %gt3A_361, %broadcast_in_dim3A_364, %select_n3A_357 : vector<16xi1>, vector<16xi32>
        %broadcast_in_dim3A_366 = arith.constant 32 : i32
        %broadcast_in_dim3A_367 = vector.broadcast %broadcast_in_dim3A_366 : i32 to vector<16xi32>
        %gather3A_368 = tpu.vector_load_idx %arg6[%add3A_96, %broadcast_in_dim3A_367] : memref<512x64xf32, #tpu.memory_space<vmem>>[vector<16xi32>, vector<16xi32>], vector<16xf32>,
        %gt3A_369 = arith.cmpf ogt, %gather3A_368, %select_n3A_362 : vector<16xf32>
        %select_n3A_370 = arith.select %gt3A_369, %gather3A_368, %select_n3A_362 : vector<16xi1>, vector<16xf32>
        %broadcast_in_dim3A_371 = arith.constant 32 : i32
        %broadcast_in_dim3A_372 = vector.broadcast %broadcast_in_dim3A_371 : i32 to vector<16xi32>
        %select_n3A_373 = arith.select %gt3A_369, %broadcast_in_dim3A_372, %select_n3A_365 : vector<16xi1>, vector<16xi32>
        %broadcast_in_dim3A_374 = arith.constant 33 : i32
        %broadcast_in_dim3A_375 = vector.broadcast %broadcast_in_dim3A_374 : i32 to vector<16xi32>
        %gather3A_376 = tpu.vector_load_idx %arg6[%add3A_96, %broadcast_in_dim3A_375] : memref<512x64xf32, #tpu.memory_space<vmem>>[vector<16xi32>, vector<16xi32>], vector<16xf32>,
        %gt3A_377 = arith.cmpf ogt, %gather3A_376, %select_n3A_370 : vector<16xf32>
        %select_n3A_378 = arith.select %gt3A_377, %gather3A_376, %select_n3A_370 : vector<16xi1>, vector<16xf32>
        %broadcast_in_dim3A_379 = arith.constant 33 : i32
        %broadcast_in_dim3A_380 = vector.broadcast %broadcast_in_dim3A_379 : i32 to vector<16xi32>
        %select_n3A_381 = arith.select %gt3A_377, %broadcast_in_dim3A_380, %select_n3A_373 : vector<16xi1>, vector<16xi32>
        %broadcast_in_dim3A_382 = arith.constant 34 : i32
        %broadcast_in_dim3A_383 = vector.broadcast %broadcast_in_dim3A_382 : i32 to vector<16xi32>
        %gather3A_384 = tpu.vector_load_idx %arg6[%add3A_96, %broadcast_in_dim3A_383] : memref<512x64xf32, #tpu.memory_space<vmem>>[vector<16xi32>, vector<16xi32>], vector<16xf32>,
        %gt3A_385 = arith.cmpf ogt, %gather3A_384, %select_n3A_378 : vector<16xf32>
        %select_n3A_386 = arith.select %gt3A_385, %gather3A_384, %select_n3A_378 : vector<16xi1>, vector<16xf32>
        %broadcast_in_dim3A_387 = arith.constant 34 : i32
        %broadcast_in_dim3A_388 = vector.broadcast %broadcast_in_dim3A_387 : i32 to vector<16xi32>
        %select_n3A_389 = arith.select %gt3A_385, %broadcast_in_dim3A_388, %select_n3A_381 : vector<16xi1>, vector<16xi32>
        %broadcast_in_dim3A_390 = arith.constant 35 : i32
        %broadcast_in_dim3A_391 = vector.broadcast %broadcast_in_dim3A_390 : i32 to vector<16xi32>
        %gather3A_392 = tpu.vector_load_idx %arg6[%add3A_96, %broadcast_in_dim3A_391] : memref<512x64xf32, #tpu.memory_space<vmem>>[vector<16xi32>, vector<16xi32>], vector<16xf32>,
        %gt3A_393 = arith.cmpf ogt, %gather3A_392, %select_n3A_386 : vector<16xf32>
        %select_n3A_394 = arith.select %gt3A_393, %gather3A_392, %select_n3A_386 : vector<16xi1>, vector<16xf32>
        %broadcast_in_dim3A_395 = arith.constant 35 : i32
        %broadcast_in_dim3A_396 = vector.broadcast %broadcast_in_dim3A_395 : i32 to vector<16xi32>
        %select_n3A_397 = arith.select %gt3A_393, %broadcast_in_dim3A_396, %select_n3A_389 : vector<16xi1>, vector<16xi32>
        %broadcast_in_dim3A_398 = arith.constant 36 : i32
        %broadcast_in_dim3A_399 = vector.broadcast %broadcast_in_dim3A_398 : i32 to vector<16xi32>
        %gather3A_400 = tpu.vector_load_idx %arg6[%add3A_96, %broadcast_in_dim3A_399] : memref<512x64xf32, #tpu.memory_space<vmem>>[vector<16xi32>, vector<16xi32>], vector<16xf32>,
        %gt3A_401 = arith.cmpf ogt, %gather3A_400, %select_n3A_394 : vector<16xf32>
        %select_n3A_402 = arith.select %gt3A_401, %gather3A_400, %select_n3A_394 : vector<16xi1>, vector<16xf32>
        %broadcast_in_dim3A_403 = arith.constant 36 : i32
        %broadcast_in_dim3A_404 = vector.broadcast %broadcast_in_dim3A_403 : i32 to vector<16xi32>
        %select_n3A_405 = arith.select %gt3A_401, %broadcast_in_dim3A_404, %select_n3A_397 : vector<16xi1>, vector<16xi32>
        %broadcast_in_dim3A_406 = arith.constant 37 : i32
        %broadcast_in_dim3A_407 = vector.broadcast %broadcast_in_dim3A_406 : i32 to vector<16xi32>
        %gather3A_408 = tpu.vector_load_idx %arg6[%add3A_96, %broadcast_in_dim3A_407] : memref<512x64xf32, #tpu.memory_space<vmem>>[vector<16xi32>, vector<16xi32>], vector<16xf32>,
        %gt3A_409 = arith.cmpf ogt, %gather3A_408, %select_n3A_402 : vector<16xf32>
        %select_n3A_410 = arith.select %gt3A_409, %gather3A_408, %select_n3A_402 : vector<16xi1>, vector<16xf32>
        %broadcast_in_dim3A_411 = arith.constant 37 : i32
        %broadcast_in_dim3A_412 = vector.broadcast %broadcast_in_dim3A_411 : i32 to vector<16xi32>
        %select_n3A_413 = arith.select %gt3A_409, %broadcast_in_dim3A_412, %select_n3A_405 : vector<16xi1>, vector<16xi32>
        %broadcast_in_dim3A_414 = arith.constant 38 : i32
        %broadcast_in_dim3A_415 = vector.broadcast %broadcast_in_dim3A_414 : i32 to vector<16xi32>
        %gather3A_416 = tpu.vector_load_idx %arg6[%add3A_96, %broadcast_in_dim3A_415] : memref<512x64xf32, #tpu.memory_space<vmem>>[vector<16xi32>, vector<16xi32>], vector<16xf32>,
        %gt3A_417 = arith.cmpf ogt, %gather3A_416, %select_n3A_410 : vector<16xf32>
        %select_n3A_418 = arith.select %gt3A_417, %gather3A_416, %select_n3A_410 : vector<16xi1>, vector<16xf32>
        %broadcast_in_dim3A_419 = arith.constant 38 : i32
        %broadcast_in_dim3A_420 = vector.broadcast %broadcast_in_dim3A_419 : i32 to vector<16xi32>
        %select_n3A_421 = arith.select %gt3A_417, %broadcast_in_dim3A_420, %select_n3A_413 : vector<16xi1>, vector<16xi32>
        %broadcast_in_dim3A_422 = arith.constant 39 : i32
        %broadcast_in_dim3A_423 = vector.broadcast %broadcast_in_dim3A_422 : i32 to vector<16xi32>
        %gather3A_424 = tpu.vector_load_idx %arg6[%add3A_96, %broadcast_in_dim3A_423] : memref<512x64xf32, #tpu.memory_space<vmem>>[vector<16xi32>, vector<16xi32>], vector<16xf32>,
        %gt3A_425 = arith.cmpf ogt, %gather3A_424, %select_n3A_418 : vector<16xf32>
        %select_n3A_426 = arith.select %gt3A_425, %gather3A_424, %select_n3A_418 : vector<16xi1>, vector<16xf32>
        %broadcast_in_dim3A_427 = arith.constant 39 : i32
        %broadcast_in_dim3A_428 = vector.broadcast %broadcast_in_dim3A_427 : i32 to vector<16xi32>
        %select_n3A_429 = arith.select %gt3A_425, %broadcast_in_dim3A_428, %select_n3A_421 : vector<16xi1>, vector<16xi32>
        %broadcast_in_dim3A_430 = arith.constant 40 : i32
        %broadcast_in_dim3A_431 = vector.broadcast %broadcast_in_dim3A_430 : i32 to vector<16xi32>
        %gather3A_432 = tpu.vector_load_idx %arg6[%add3A_96, %broadcast_in_dim3A_431] : memref<512x64xf32, #tpu.memory_space<vmem>>[vector<16xi32>, vector<16xi32>], vector<16xf32>,
        %gt3A_433 = arith.cmpf ogt, %gather3A_432, %select_n3A_426 : vector<16xf32>
        %select_n3A_434 = arith.select %gt3A_433, %gather3A_432, %select_n3A_426 : vector<16xi1>, vector<16xf32>
        %broadcast_in_dim3A_435 = arith.constant 40 : i32
        %broadcast_in_dim3A_436 = vector.broadcast %broadcast_in_dim3A_435 : i32 to vector<16xi32>
        %select_n3A_437 = arith.select %gt3A_433, %broadcast_in_dim3A_436, %select_n3A_429 : vector<16xi1>, vector<16xi32>
        %broadcast_in_dim3A_438 = arith.constant 41 : i32
        %broadcast_in_dim3A_439 = vector.broadcast %broadcast_in_dim3A_438 : i32 to vector<16xi32>
        %gather3A_440 = tpu.vector_load_idx %arg6[%add3A_96, %broadcast_in_dim3A_439] : memref<512x64xf32, #tpu.memory_space<vmem>>[vector<16xi32>, vector<16xi32>], vector<16xf32>,
        %gt3A_441 = arith.cmpf ogt, %gather3A_440, %select_n3A_434 : vector<16xf32>
        %select_n3A_442 = arith.select %gt3A_441, %gather3A_440, %select_n3A_434 : vector<16xi1>, vector<16xf32>
        %broadcast_in_dim3A_443 = arith.constant 41 : i32
        %broadcast_in_dim3A_444 = vector.broadcast %broadcast_in_dim3A_443 : i32 to vector<16xi32>
        %select_n3A_445 = arith.select %gt3A_441, %broadcast_in_dim3A_444, %select_n3A_437 : vector<16xi1>, vector<16xi32>
        %broadcast_in_dim3A_446 = arith.constant 42 : i32
        %broadcast_in_dim3A_447 = vector.broadcast %broadcast_in_dim3A_446 : i32 to vector<16xi32>
        %gather3A_448 = tpu.vector_load_idx %arg6[%add3A_96, %broadcast_in_dim3A_447] : memref<512x64xf32, #tpu.memory_space<vmem>>[vector<16xi32>, vector<16xi32>], vector<16xf32>,
        %gt3A_449 = arith.cmpf ogt, %gather3A_448, %select_n3A_442 : vector<16xf32>
        %select_n3A_450 = arith.select %gt3A_449, %gather3A_448, %select_n3A_442 : vector<16xi1>, vector<16xf32>
        %broadcast_in_dim3A_451 = arith.constant 42 : i32
        %broadcast_in_dim3A_452 = vector.broadcast %broadcast_in_dim3A_451 : i32 to vector<16xi32>
        %select_n3A_453 = arith.select %gt3A_449, %broadcast_in_dim3A_452, %select_n3A_445 : vector<16xi1>, vector<16xi32>
        %broadcast_in_dim3A_454 = arith.constant 43 : i32
        %broadcast_in_dim3A_455 = vector.broadcast %broadcast_in_dim3A_454 : i32 to vector<16xi32>
        %gather3A_456 = tpu.vector_load_idx %arg6[%add3A_96, %broadcast_in_dim3A_455] : memref<512x64xf32, #tpu.memory_space<vmem>>[vector<16xi32>, vector<16xi32>], vector<16xf32>,
        %gt3A_457 = arith.cmpf ogt, %gather3A_456, %select_n3A_450 : vector<16xf32>
        %select_n3A_458 = arith.select %gt3A_457, %gather3A_456, %select_n3A_450 : vector<16xi1>, vector<16xf32>
        %broadcast_in_dim3A_459 = arith.constant 43 : i32
        %broadcast_in_dim3A_460 = vector.broadcast %broadcast_in_dim3A_459 : i32 to vector<16xi32>
        %select_n3A_461 = arith.select %gt3A_457, %broadcast_in_dim3A_460, %select_n3A_453 : vector<16xi1>, vector<16xi32>
        %broadcast_in_dim3A_462 = arith.constant 44 : i32
        %broadcast_in_dim3A_463 = vector.broadcast %broadcast_in_dim3A_462 : i32 to vector<16xi32>
        %gather3A_464 = tpu.vector_load_idx %arg6[%add3A_96, %broadcast_in_dim3A_463] : memref<512x64xf32, #tpu.memory_space<vmem>>[vector<16xi32>, vector<16xi32>], vector<16xf32>,
        %gt3A_465 = arith.cmpf ogt, %gather3A_464, %select_n3A_458 : vector<16xf32>
        %select_n3A_466 = arith.select %gt3A_465, %gather3A_464, %select_n3A_458 : vector<16xi1>, vector<16xf32>
        %broadcast_in_dim3A_467 = arith.constant 44 : i32
        %broadcast_in_dim3A_468 = vector.broadcast %broadcast_in_dim3A_467 : i32 to vector<16xi32>
        %select_n3A_469 = arith.select %gt3A_465, %broadcast_in_dim3A_468, %select_n3A_461 : vector<16xi1>, vector<16xi32>
        %broadcast_in_dim3A_470 = arith.constant 45 : i32
        %broadcast_in_dim3A_471 = vector.broadcast %broadcast_in_dim3A_470 : i32 to vector<16xi32>
        %gather3A_472 = tpu.vector_load_idx %arg6[%add3A_96, %broadcast_in_dim3A_471] : memref<512x64xf32, #tpu.memory_space<vmem>>[vector<16xi32>, vector<16xi32>], vector<16xf32>,
        %gt3A_473 = arith.cmpf ogt, %gather3A_472, %select_n3A_466 : vector<16xf32>
        %select_n3A_474 = arith.select %gt3A_473, %gather3A_472, %select_n3A_466 : vector<16xi1>, vector<16xf32>
        %broadcast_in_dim3A_475 = arith.constant 45 : i32
        %broadcast_in_dim3A_476 = vector.broadcast %broadcast_in_dim3A_475 : i32 to vector<16xi32>
        %select_n3A_477 = arith.select %gt3A_473, %broadcast_in_dim3A_476, %select_n3A_469 : vector<16xi1>, vector<16xi32>
        %broadcast_in_dim3A_478 = arith.constant 46 : i32
        %broadcast_in_dim3A_479 = vector.broadcast %broadcast_in_dim3A_478 : i32 to vector<16xi32>
        %gather3A_480 = tpu.vector_load_idx %arg6[%add3A_96, %broadcast_in_dim3A_479] : memref<512x64xf32, #tpu.memory_space<vmem>>[vector<16xi32>, vector<16xi32>], vector<16xf32>,
        %gt3A_481 = arith.cmpf ogt, %gather3A_480, %select_n3A_474 : vector<16xf32>
        %select_n3A_482 = arith.select %gt3A_481, %gather3A_480, %select_n3A_474 : vector<16xi1>, vector<16xf32>
        %broadcast_in_dim3A_483 = arith.constant 46 : i32
        %broadcast_in_dim3A_484 = vector.broadcast %broadcast_in_dim3A_483 : i32 to vector<16xi32>
        %select_n3A_485 = arith.select %gt3A_481, %broadcast_in_dim3A_484, %select_n3A_477 : vector<16xi1>, vector<16xi32>
        %broadcast_in_dim3A_486 = arith.constant 47 : i32
        %broadcast_in_dim3A_487 = vector.broadcast %broadcast_in_dim3A_486 : i32 to vector<16xi32>
        %gather3A_488 = tpu.vector_load_idx %arg6[%add3A_96, %broadcast_in_dim3A_487] : memref<512x64xf32, #tpu.memory_space<vmem>>[vector<16xi32>, vector<16xi32>], vector<16xf32>,
        %gt3A_489 = arith.cmpf ogt, %gather3A_488, %select_n3A_482 : vector<16xf32>
        %select_n3A_490 = arith.select %gt3A_489, %gather3A_488, %select_n3A_482 : vector<16xi1>, vector<16xf32>
        %broadcast_in_dim3A_491 = arith.constant 47 : i32
        %broadcast_in_dim3A_492 = vector.broadcast %broadcast_in_dim3A_491 : i32 to vector<16xi32>
        %select_n3A_493 = arith.select %gt3A_489, %broadcast_in_dim3A_492, %select_n3A_485 : vector<16xi1>, vector<16xi32>
        %broadcast_in_dim3A_494 = arith.constant 48 : i32
        %broadcast_in_dim3A_495 = vector.broadcast %broadcast_in_dim3A_494 : i32 to vector<16xi32>
        %gather3A_496 = tpu.vector_load_idx %arg6[%add3A_96, %broadcast_in_dim3A_495] : memref<512x64xf32, #tpu.memory_space<vmem>>[vector<16xi32>, vector<16xi32>], vector<16xf32>,
        %gt3A_497 = arith.cmpf ogt, %gather3A_496, %select_n3A_490 : vector<16xf32>
        %select_n3A_498 = arith.select %gt3A_497, %gather3A_496, %select_n3A_490 : vector<16xi1>, vector<16xf32>
        %broadcast_in_dim3A_499 = arith.constant 48 : i32
        %broadcast_in_dim3A_500 = vector.broadcast %broadcast_in_dim3A_499 : i32 to vector<16xi32>
        %select_n3A_501 = arith.select %gt3A_497, %broadcast_in_dim3A_500, %select_n3A_493 : vector<16xi1>, vector<16xi32>
        %broadcast_in_dim3A_502 = arith.constant 49 : i32
        %broadcast_in_dim3A_503 = vector.broadcast %broadcast_in_dim3A_502 : i32 to vector<16xi32>
        %gather3A_504 = tpu.vector_load_idx %arg6[%add3A_96, %broadcast_in_dim3A_503] : memref<512x64xf32, #tpu.memory_space<vmem>>[vector<16xi32>, vector<16xi32>], vector<16xf32>,
        %gt3A_505 = arith.cmpf ogt, %gather3A_504, %select_n3A_498 : vector<16xf32>
        %select_n3A_506 = arith.select %gt3A_505, %gather3A_504, %select_n3A_498 : vector<16xi1>, vector<16xf32>
        %broadcast_in_dim3A_507 = arith.constant 49 : i32
        %broadcast_in_dim3A_508 = vector.broadcast %broadcast_in_dim3A_507 : i32 to vector<16xi32>
        %select_n3A_509 = arith.select %gt3A_505, %broadcast_in_dim3A_508, %select_n3A_501 : vector<16xi1>, vector<16xi32>
        %broadcast_in_dim3A_510 = arith.constant 50 : i32
        %broadcast_in_dim3A_511 = vector.broadcast %broadcast_in_dim3A_510 : i32 to vector<16xi32>
        %gather3A_512 = tpu.vector_load_idx %arg6[%add3A_96, %broadcast_in_dim3A_511] : memref<512x64xf32, #tpu.memory_space<vmem>>[vector<16xi32>, vector<16xi32>], vector<16xf32>,
        %gt3A_513 = arith.cmpf ogt, %gather3A_512, %select_n3A_506 : vector<16xf32>
        %select_n3A_514 = arith.select %gt3A_513, %gather3A_512, %select_n3A_506 : vector<16xi1>, vector<16xf32>
        %broadcast_in_dim3A_515 = arith.constant 50 : i32
        %broadcast_in_dim3A_516 = vector.broadcast %broadcast_in_dim3A_515 : i32 to vector<16xi32>
        %select_n3A_517 = arith.select %gt3A_513, %broadcast_in_dim3A_516, %select_n3A_509 : vector<16xi1>, vector<16xi32>
        %broadcast_in_dim3A_518 = arith.constant 51 : i32
        %broadcast_in_dim3A_519 = vector.broadcast %broadcast_in_dim3A_518 : i32 to vector<16xi32>
        %gather3A_520 = tpu.vector_load_idx %arg6[%add3A_96, %broadcast_in_dim3A_519] : memref<512x64xf32, #tpu.memory_space<vmem>>[vector<16xi32>, vector<16xi32>], vector<16xf32>,
        %gt3A_521 = arith.cmpf ogt, %gather3A_520, %select_n3A_514 : vector<16xf32>
        %select_n3A_522 = arith.select %gt3A_521, %gather3A_520, %select_n3A_514 : vector<16xi1>, vector<16xf32>
        %broadcast_in_dim3A_523 = arith.constant 51 : i32
        %broadcast_in_dim3A_524 = vector.broadcast %broadcast_in_dim3A_523 : i32 to vector<16xi32>
        %select_n3A_525 = arith.select %gt3A_521, %broadcast_in_dim3A_524, %select_n3A_517 : vector<16xi1>, vector<16xi32>
        %broadcast_in_dim3A_526 = arith.constant 52 : i32
        %broadcast_in_dim3A_527 = vector.broadcast %broadcast_in_dim3A_526 : i32 to vector<16xi32>
        %gather3A_528 = tpu.vector_load_idx %arg6[%add3A_96, %broadcast_in_dim3A_527] : memref<512x64xf32, #tpu.memory_space<vmem>>[vector<16xi32>, vector<16xi32>], vector<16xf32>,
        %gt3A_529 = arith.cmpf ogt, %gather3A_528, %select_n3A_522 : vector<16xf32>
        %select_n3A_530 = arith.select %gt3A_529, %gather3A_528, %select_n3A_522 : vector<16xi1>, vector<16xf32>
        %broadcast_in_dim3A_531 = arith.constant 52 : i32
        %broadcast_in_dim3A_532 = vector.broadcast %broadcast_in_dim3A_531 : i32 to vector<16xi32>
        %select_n3A_533 = arith.select %gt3A_529, %broadcast_in_dim3A_532, %select_n3A_525 : vector<16xi1>, vector<16xi32>
        %broadcast_in_dim3A_534 = arith.constant 53 : i32
        %broadcast_in_dim3A_535 = vector.broadcast %broadcast_in_dim3A_534 : i32 to vector<16xi32>
        %gather3A_536 = tpu.vector_load_idx %arg6[%add3A_96, %broadcast_in_dim3A_535] : memref<512x64xf32, #tpu.memory_space<vmem>>[vector<16xi32>, vector<16xi32>], vector<16xf32>,
        %gt3A_537 = arith.cmpf ogt, %gather3A_536, %select_n3A_530 : vector<16xf32>
        %select_n3A_538 = arith.select %gt3A_537, %gather3A_536, %select_n3A_530 : vector<16xi1>, vector<16xf32>
        %broadcast_in_dim3A_539 = arith.constant 53 : i32
        %broadcast_in_dim3A_540 = vector.broadcast %broadcast_in_dim3A_539 : i32 to vector<16xi32>
        %select_n3A_541 = arith.select %gt3A_537, %broadcast_in_dim3A_540, %select_n3A_533 : vector<16xi1>, vector<16xi32>
        %broadcast_in_dim3A_542 = arith.constant 54 : i32
        %broadcast_in_dim3A_543 = vector.broadcast %broadcast_in_dim3A_542 : i32 to vector<16xi32>
        %gather3A_544 = tpu.vector_load_idx %arg6[%add3A_96, %broadcast_in_dim3A_543] : memref<512x64xf32, #tpu.memory_space<vmem>>[vector<16xi32>, vector<16xi32>], vector<16xf32>,
        %gt3A_545 = arith.cmpf ogt, %gather3A_544, %select_n3A_538 : vector<16xf32>
        %select_n3A_546 = arith.select %gt3A_545, %gather3A_544, %select_n3A_538 : vector<16xi1>, vector<16xf32>
        %broadcast_in_dim3A_547 = arith.constant 54 : i32
        %broadcast_in_dim3A_548 = vector.broadcast %broadcast_in_dim3A_547 : i32 to vector<16xi32>
        %select_n3A_549 = arith.select %gt3A_545, %broadcast_in_dim3A_548, %select_n3A_541 : vector<16xi1>, vector<16xi32>
        %broadcast_in_dim3A_550 = arith.constant 55 : i32
        %broadcast_in_dim3A_551 = vector.broadcast %broadcast_in_dim3A_550 : i32 to vector<16xi32>
        %gather3A_552 = tpu.vector_load_idx %arg6[%add3A_96, %broadcast_in_dim3A_551] : memref<512x64xf32, #tpu.memory_space<vmem>>[vector<16xi32>, vector<16xi32>], vector<16xf32>,
        %gt3A_553 = arith.cmpf ogt, %gather3A_552, %select_n3A_546 : vector<16xf32>
        %select_n3A_554 = arith.select %gt3A_553, %gather3A_552, %select_n3A_546 : vector<16xi1>, vector<16xf32>
        %broadcast_in_dim3A_555 = arith.constant 55 : i32
        %broadcast_in_dim3A_556 = vector.broadcast %broadcast_in_dim3A_555 : i32 to vector<16xi32>
        %select_n3A_557 = arith.select %gt3A_553, %broadcast_in_dim3A_556, %select_n3A_549 : vector<16xi1>, vector<16xi32>
        %broadcast_in_dim3A_558 = arith.constant 56 : i32
        %broadcast_in_dim3A_559 = vector.broadcast %broadcast_in_dim3A_558 : i32 to vector<16xi32>
        %gather3A_560 = tpu.vector_load_idx %arg6[%add3A_96, %broadcast_in_dim3A_559] : memref<512x64xf32, #tpu.memory_space<vmem>>[vector<16xi32>, vector<16xi32>], vector<16xf32>,
        %gt3A_561 = arith.cmpf ogt, %gather3A_560, %select_n3A_554 : vector<16xf32>
        %select_n3A_562 = arith.select %gt3A_561, %gather3A_560, %select_n3A_554 : vector<16xi1>, vector<16xf32>
        %broadcast_in_dim3A_563 = arith.constant 56 : i32
        %broadcast_in_dim3A_564 = vector.broadcast %broadcast_in_dim3A_563 : i32 to vector<16xi32>
        %select_n3A_565 = arith.select %gt3A_561, %broadcast_in_dim3A_564, %select_n3A_557 : vector<16xi1>, vector<16xi32>
        %broadcast_in_dim3A_566 = arith.constant 57 : i32
        %broadcast_in_dim3A_567 = vector.broadcast %broadcast_in_dim3A_566 : i32 to vector<16xi32>
        %gather3A_568 = tpu.vector_load_idx %arg6[%add3A_96, %broadcast_in_dim3A_567] : memref<512x64xf32, #tpu.memory_space<vmem>>[vector<16xi32>, vector<16xi32>], vector<16xf32>,
        %gt3A_569 = arith.cmpf ogt, %gather3A_568, %select_n3A_562 : vector<16xf32>
        %select_n3A_570 = arith.select %gt3A_569, %gather3A_568, %select_n3A_562 : vector<16xi1>, vector<16xf32>
        %broadcast_in_dim3A_571 = arith.constant 57 : i32
        %broadcast_in_dim3A_572 = vector.broadcast %broadcast_in_dim3A_571 : i32 to vector<16xi32>
        %select_n3A_573 = arith.select %gt3A_569, %broadcast_in_dim3A_572, %select_n3A_565 : vector<16xi1>, vector<16xi32>
        %broadcast_in_dim3A_574 = arith.constant 58 : i32
        %broadcast_in_dim3A_575 = vector.broadcast %broadcast_in_dim3A_574 : i32 to vector<16xi32>
        %gather3A_576 = tpu.vector_load_idx %arg6[%add3A_96, %broadcast_in_dim3A_575] : memref<512x64xf32, #tpu.memory_space<vmem>>[vector<16xi32>, vector<16xi32>], vector<16xf32>,
        %gt3A_577 = arith.cmpf ogt, %gather3A_576, %select_n3A_570 : vector<16xf32>
        %select_n3A_578 = arith.select %gt3A_577, %gather3A_576, %select_n3A_570 : vector<16xi1>, vector<16xf32>
        %broadcast_in_dim3A_579 = arith.constant 58 : i32
        %broadcast_in_dim3A_580 = vector.broadcast %broadcast_in_dim3A_579 : i32 to vector<16xi32>
        %select_n3A_581 = arith.select %gt3A_577, %broadcast_in_dim3A_580, %select_n3A_573 : vector<16xi1>, vector<16xi32>
        %broadcast_in_dim3A_582 = arith.constant 59 : i32
        %broadcast_in_dim3A_583 = vector.broadcast %broadcast_in_dim3A_582 : i32 to vector<16xi32>
        %gather3A_584 = tpu.vector_load_idx %arg6[%add3A_96, %broadcast_in_dim3A_583] : memref<512x64xf32, #tpu.memory_space<vmem>>[vector<16xi32>, vector<16xi32>], vector<16xf32>,
        %gt3A_585 = arith.cmpf ogt, %gather3A_584, %select_n3A_578 : vector<16xf32>
        %select_n3A_586 = arith.select %gt3A_585, %gather3A_584, %select_n3A_578 : vector<16xi1>, vector<16xf32>
        %broadcast_in_dim3A_587 = arith.constant 59 : i32
        %broadcast_in_dim3A_588 = vector.broadcast %broadcast_in_dim3A_587 : i32 to vector<16xi32>
        %select_n3A_589 = arith.select %gt3A_585, %broadcast_in_dim3A_588, %select_n3A_581 : vector<16xi1>, vector<16xi32>
        %broadcast_in_dim3A_590 = arith.constant 60 : i32
        %broadcast_in_dim3A_591 = vector.broadcast %broadcast_in_dim3A_590 : i32 to vector<16xi32>
        %gather3A_592 = tpu.vector_load_idx %arg6[%add3A_96, %broadcast_in_dim3A_591] : memref<512x64xf32, #tpu.memory_space<vmem>>[vector<16xi32>, vector<16xi32>], vector<16xf32>,
        %gt3A_593 = arith.cmpf ogt, %gather3A_592, %select_n3A_586 : vector<16xf32>
        %select_n3A_594 = arith.select %gt3A_593, %gather3A_592, %select_n3A_586 : vector<16xi1>, vector<16xf32>
        %broadcast_in_dim3A_595 = arith.constant 60 : i32
        %broadcast_in_dim3A_596 = vector.broadcast %broadcast_in_dim3A_595 : i32 to vector<16xi32>
        %select_n3A_597 = arith.select %gt3A_593, %broadcast_in_dim3A_596, %select_n3A_589 : vector<16xi1>, vector<16xi32>
        %broadcast_in_dim3A_598 = arith.constant 61 : i32
        %broadcast_in_dim3A_599 = vector.broadcast %broadcast_in_dim3A_598 : i32 to vector<16xi32>
        %gather3A_600 = tpu.vector_load_idx %arg6[%add3A_96, %broadcast_in_dim3A_599] : memref<512x64xf32, #tpu.memory_space<vmem>>[vector<16xi32>, vector<16xi32>], vector<16xf32>,
        %gt3A_601 = arith.cmpf ogt, %gather3A_600, %select_n3A_594 : vector<16xf32>
        %select_n3A_602 = arith.select %gt3A_601, %gather3A_600, %select_n3A_594 : vector<16xi1>, vector<16xf32>
        %broadcast_in_dim3A_603 = arith.constant 61 : i32
        %broadcast_in_dim3A_604 = vector.broadcast %broadcast_in_dim3A_603 : i32 to vector<16xi32>
        %select_n3A_605 = arith.select %gt3A_601, %broadcast_in_dim3A_604, %select_n3A_597 : vector<16xi1>, vector<16xi32>
        %broadcast_in_dim3A_606 = arith.constant 62 : i32
        %broadcast_in_dim3A_607 = vector.broadcast %broadcast_in_dim3A_606 : i32 to vector<16xi32>
        %gather3A_608 = tpu.vector_load_idx %arg6[%add3A_96, %broadcast_in_dim3A_607] : memref<512x64xf32, #tpu.memory_space<vmem>>[vector<16xi32>, vector<16xi32>], vector<16xf32>,
        %gt3A_609 = arith.cmpf ogt, %gather3A_608, %select_n3A_602 : vector<16xf32>
        %select_n3A_610 = arith.select %gt3A_609, %gather3A_608, %select_n3A_602 : vector<16xi1>, vector<16xf32>
        %broadcast_in_dim3A_611 = arith.constant 62 : i32
        %broadcast_in_dim3A_612 = vector.broadcast %broadcast_in_dim3A_611 : i32 to vector<16xi32>
        %select_n3A_613 = arith.select %gt3A_609, %broadcast_in_dim3A_612, %select_n3A_605 : vector<16xi1>, vector<16xi32>
        %broadcast_in_dim3A_614 = arith.constant 63 : i32
        %broadcast_in_dim3A_615 = vector.broadcast %broadcast_in_dim3A_614 : i32 to vector<16xi32>
        %gather3A_616 = tpu.vector_load_idx %arg6[%add3A_96, %broadcast_in_dim3A_615] : memref<512x64xf32, #tpu.memory_space<vmem>>[vector<16xi32>, vector<16xi32>], vector<16xf32>,
        %gt3A_617 = arith.cmpf ogt, %gather3A_616, %select_n3A_610 : vector<16xf32>
        %select_n3A_618 = arith.select %gt3A_617, %gather3A_616, %select_n3A_610 : vector<16xi1>, vector<16xf32>
        %broadcast_in_dim3A_619 = arith.constant 63 : i32
        %broadcast_in_dim3A_620 = vector.broadcast %broadcast_in_dim3A_619 : i32 to vector<16xi32>
        %select_n3A_621 = arith.select %gt3A_617, %broadcast_in_dim3A_620, %select_n3A_613 : vector<16xi1>, vector<16xi32>
        tpu.vector_store_idx %arg6[%add3A_96, %select_n3A_621], %broadcast_in_dim3A_77 : memref<512x64xf32, #tpu.memory_space<vmem>>[vector<16xi32>, vector<16xi32>], vector<16xf32>,
        tpu.vector_store_idx %arg7[%select_n3A_621], %broadcast_in_dim3A_79 {add = true} : memref<64xi32, #tpu.memory_space<vmem>>[vector<16xi32>], vector<16xi32>,
      }
    }
    %while3A_89 = arith.constant 1 : i32
    scf.for %while3A_92 = %while3A_87 to %while3A_83 step %while3A_89  : i32 {
      %mul3A_93 = arith.constant 16 : i32
      %mul3A_94 = arith.muli %while3A_92, %mul3A_93 : i32
      %add3A_95 = vector.broadcast %mul3A_94 : i32 to vector<16xi32>
      %add3A_96 = arith.addi %add3A_95, %iota3A : vector<16xi32>
      %while3A_97 = arith.constant 0 : i32
      %while3A_98 = arith.constant 8 : i32
      %while3A_99 = arith.subi %while3A_98, %while3A_97 : i32
      %while3A_100 = arith.addi %while3A_97, %while3A_99 : i32
      %while3A_101 = arith.constant 1 : i32
      %while3A_102 = arith.divsi %while3A_99, %while3A_101 : i32
      %while3A_103 = arith.muli %while3A_102, %while3A_101 : i32
      %while3A_104 = arith.addi %while3A_97, %while3A_103 : i32
      %while3A_105 = arith.constant 1 : i32
      scf.for %while3A_107 = %while3A_97 to %while3A_104 step %while3A_105  : i32 {
        %broadcast_in_dim3A_108 = arith.constant 0xFF800000 : f32
        %broadcast_in_dim3A_109 = vector.broadcast %broadcast_in_dim3A_108 : f32 to vector<16xf32>
        %broadcast_in_dim3A_110 = arith.constant 0 : i32
        %broadcast_in_dim3A_111 = vector.broadcast %broadcast_in_dim3A_110 : i32 to vector<16xi32>
        %broadcast_in_dim3A_112 = arith.constant 0 : i32
        %broadcast_in_dim3A_113 = vector.broadcast %broadcast_in_dim3A_112 : i32 to vector<16xi32>
        %gather3A = tpu.vector_load_idx %arg6[%add3A_96, %broadcast_in_dim3A_113] : memref<512x64xf32, #tpu.memory_space<vmem>>[vector<16xi32>, vector<16xi32>], vector<16xf32>,
        %gt3A = arith.cmpf ogt, %gather3A, %broadcast_in_dim3A_109 : vector<16xf32>
        %select_n3A_114 = arith.select %gt3A, %gather3A, %broadcast_in_dim3A_109 : vector<16xi1>, vector<16xf32>
        %broadcast_in_dim3A_115 = arith.constant 0 : i32
        %broadcast_in_dim3A_116 = vector.broadcast %broadcast_in_dim3A_115 : i32 to vector<16xi32>
        %select_n3A_117 = arith.select %gt3A, %broadcast_in_dim3A_116, %broadcast_in_dim3A_111 : vector<16xi1>, vector<16xi32>
        %broadcast_in_dim3A_118 = arith.constant 1 : i32
        %broadcast_in_dim3A_119 = vector.broadcast %broadcast_in_dim3A_118 : i32 to vector<16xi32>
        %gather3A_120 = tpu.vector_load_idx %arg6[%add3A_96, %broadcast_in_dim3A_119] : memref<512x64xf32, #tpu.memory_space<vmem>>[vector<16xi32>, vector<16xi32>], vector<16xf32>,
        %gt3A_121 = arith.cmpf ogt, %gather3A_120, %select_n3A_114 : vector<16xf32>
        %select_n3A_122 = arith.select %gt3A_121, %gather3A_120, %select_n3A_114 : vector<16xi1>, vector<16xf32>
        %broadcast_in_dim3A_123 = arith.constant 1 : i32
        %broadcast_in_dim3A_124 = vector.broadcast %broadcast_in_dim3A_123 : i32 to vector<16xi32>
        %select_n3A_125 = arith.select %gt3A_121, %broadcast_in_dim3A_124, %select_n3A_117 : vector<16xi1>, vector<16xi32>
        %broadcast_in_dim3A_126 = arith.constant 2 : i32
        %broadcast_in_dim3A_127 = vector.broadcast %broadcast_in_dim3A_126 : i32 to vector<16xi32>
        %gather3A_128 = tpu.vector_load_idx %arg6[%add3A_96, %broadcast_in_dim3A_127] : memref<512x64xf32, #tpu.memory_space<vmem>>[vector<16xi32>, vector<16xi32>], vector<16xf32>,
        %gt3A_129 = arith.cmpf ogt, %gather3A_128, %select_n3A_122 : vector<16xf32>
        %select_n3A_130 = arith.select %gt3A_129, %gather3A_128, %select_n3A_122 : vector<16xi1>, vector<16xf32>
        %broadcast_in_dim3A_131 = arith.constant 2 : i32
        %broadcast_in_dim3A_132 = vector.broadcast %broadcast_in_dim3A_131 : i32 to vector<16xi32>
        %select_n3A_133 = arith.select %gt3A_129, %broadcast_in_dim3A_132, %select_n3A_125 : vector<16xi1>, vector<16xi32>
        %broadcast_in_dim3A_134 = arith.constant 3 : i32
        %broadcast_in_dim3A_135 = vector.broadcast %broadcast_in_dim3A_134 : i32 to vector<16xi32>
        %gather3A_136 = tpu.vector_load_idx %arg6[%add3A_96, %broadcast_in_dim3A_135] : memref<512x64xf32, #tpu.memory_space<vmem>>[vector<16xi32>, vector<16xi32>], vector<16xf32>,
        %gt3A_137 = arith.cmpf ogt, %gather3A_136, %select_n3A_130 : vector<16xf32>
        %select_n3A_138 = arith.select %gt3A_137, %gather3A_136, %select_n3A_130 : vector<16xi1>, vector<16xf32>
        %broadcast_in_dim3A_139 = arith.constant 3 : i32
        %broadcast_in_dim3A_140 = vector.broadcast %broadcast_in_dim3A_139 : i32 to vector<16xi32>
        %select_n3A_141 = arith.select %gt3A_137, %broadcast_in_dim3A_140, %select_n3A_133 : vector<16xi1>, vector<16xi32>
        %broadcast_in_dim3A_142 = arith.constant 4 : i32
        %broadcast_in_dim3A_143 = vector.broadcast %broadcast_in_dim3A_142 : i32 to vector<16xi32>
        %gather3A_144 = tpu.vector_load_idx %arg6[%add3A_96, %broadcast_in_dim3A_143] : memref<512x64xf32, #tpu.memory_space<vmem>>[vector<16xi32>, vector<16xi32>], vector<16xf32>,
        %gt3A_145 = arith.cmpf ogt, %gather3A_144, %select_n3A_138 : vector<16xf32>
        %select_n3A_146 = arith.select %gt3A_145, %gather3A_144, %select_n3A_138 : vector<16xi1>, vector<16xf32>
        %broadcast_in_dim3A_147 = arith.constant 4 : i32
        %broadcast_in_dim3A_148 = vector.broadcast %broadcast_in_dim3A_147 : i32 to vector<16xi32>
        %select_n3A_149 = arith.select %gt3A_145, %broadcast_in_dim3A_148, %select_n3A_141 : vector<16xi1>, vector<16xi32>
        %broadcast_in_dim3A_150 = arith.constant 5 : i32
        %broadcast_in_dim3A_151 = vector.broadcast %broadcast_in_dim3A_150 : i32 to vector<16xi32>
        %gather3A_152 = tpu.vector_load_idx %arg6[%add3A_96, %broadcast_in_dim3A_151] : memref<512x64xf32, #tpu.memory_space<vmem>>[vector<16xi32>, vector<16xi32>], vector<16xf32>,
        %gt3A_153 = arith.cmpf ogt, %gather3A_152, %select_n3A_146 : vector<16xf32>
        %select_n3A_154 = arith.select %gt3A_153, %gather3A_152, %select_n3A_146 : vector<16xi1>, vector<16xf32>
        %broadcast_in_dim3A_155 = arith.constant 5 : i32
        %broadcast_in_dim3A_156 = vector.broadcast %broadcast_in_dim3A_155 : i32 to vector<16xi32>
        %select_n3A_157 = arith.select %gt3A_153, %broadcast_in_dim3A_156, %select_n3A_149 : vector<16xi1>, vector<16xi32>
        %broadcast_in_dim3A_158 = arith.constant 6 : i32
        %broadcast_in_dim3A_159 = vector.broadcast %broadcast_in_dim3A_158 : i32 to vector<16xi32>
        %gather3A_160 = tpu.vector_load_idx %arg6[%add3A_96, %broadcast_in_dim3A_159] : memref<512x64xf32, #tpu.memory_space<vmem>>[vector<16xi32>, vector<16xi32>], vector<16xf32>,
        %gt3A_161 = arith.cmpf ogt, %gather3A_160, %select_n3A_154 : vector<16xf32>
        %select_n3A_162 = arith.select %gt3A_161, %gather3A_160, %select_n3A_154 : vector<16xi1>, vector<16xf32>
        %broadcast_in_dim3A_163 = arith.constant 6 : i32
        %broadcast_in_dim3A_164 = vector.broadcast %broadcast_in_dim3A_163 : i32 to vector<16xi32>
        %select_n3A_165 = arith.select %gt3A_161, %broadcast_in_dim3A_164, %select_n3A_157 : vector<16xi1>, vector<16xi32>
        %broadcast_in_dim3A_166 = arith.constant 7 : i32
        %broadcast_in_dim3A_167 = vector.broadcast %broadcast_in_dim3A_166 : i32 to vector<16xi32>
        %gather3A_168 = tpu.vector_load_idx %arg6[%add3A_96, %broadcast_in_dim3A_167] : memref<512x64xf32, #tpu.memory_space<vmem>>[vector<16xi32>, vector<16xi32>], vector<16xf32>,
        %gt3A_169 = arith.cmpf ogt, %gather3A_168, %select_n3A_162 : vector<16xf32>
        %select_n3A_170 = arith.select %gt3A_169, %gather3A_168, %select_n3A_162 : vector<16xi1>, vector<16xf32>
        %broadcast_in_dim3A_171 = arith.constant 7 : i32
        %broadcast_in_dim3A_172 = vector.broadcast %broadcast_in_dim3A_171 : i32 to vector<16xi32>
        %select_n3A_173 = arith.select %gt3A_169, %broadcast_in_dim3A_172, %select_n3A_165 : vector<16xi1>, vector<16xi32>
        %broadcast_in_dim3A_174 = arith.constant 8 : i32
        %broadcast_in_dim3A_175 = vector.broadcast %broadcast_in_dim3A_174 : i32 to vector<16xi32>
        %gather3A_176 = tpu.vector_load_idx %arg6[%add3A_96, %broadcast_in_dim3A_175] : memref<512x64xf32, #tpu.memory_space<vmem>>[vector<16xi32>, vector<16xi32>], vector<16xf32>,
        %gt3A_177 = arith.cmpf ogt, %gather3A_176, %select_n3A_170 : vector<16xf32>
        %select_n3A_178 = arith.select %gt3A_177, %gather3A_176, %select_n3A_170 : vector<16xi1>, vector<16xf32>
        %broadcast_in_dim3A_179 = arith.constant 8 : i32
        %broadcast_in_dim3A_180 = vector.broadcast %broadcast_in_dim3A_179 : i32 to vector<16xi32>
        %select_n3A_181 = arith.select %gt3A_177, %broadcast_in_dim3A_180, %select_n3A_173 : vector<16xi1>, vector<16xi32>
        %broadcast_in_dim3A_182 = arith.constant 9 : i32
        %broadcast_in_dim3A_183 = vector.broadcast %broadcast_in_dim3A_182 : i32 to vector<16xi32>
        %gather3A_184 = tpu.vector_load_idx %arg6[%add3A_96, %broadcast_in_dim3A_183] : memref<512x64xf32, #tpu.memory_space<vmem>>[vector<16xi32>, vector<16xi32>], vector<16xf32>,
        %gt3A_185 = arith.cmpf ogt, %gather3A_184, %select_n3A_178 : vector<16xf32>
        %select_n3A_186 = arith.select %gt3A_185, %gather3A_184, %select_n3A_178 : vector<16xi1>, vector<16xf32>
        %broadcast_in_dim3A_187 = arith.constant 9 : i32
        %broadcast_in_dim3A_188 = vector.broadcast %broadcast_in_dim3A_187 : i32 to vector<16xi32>
        %select_n3A_189 = arith.select %gt3A_185, %broadcast_in_dim3A_188, %select_n3A_181 : vector<16xi1>, vector<16xi32>
        %broadcast_in_dim3A_190 = arith.constant 10 : i32
        %broadcast_in_dim3A_191 = vector.broadcast %broadcast_in_dim3A_190 : i32 to vector<16xi32>
        %gather3A_192 = tpu.vector_load_idx %arg6[%add3A_96, %broadcast_in_dim3A_191] : memref<512x64xf32, #tpu.memory_space<vmem>>[vector<16xi32>, vector<16xi32>], vector<16xf32>,
        %gt3A_193 = arith.cmpf ogt, %gather3A_192, %select_n3A_186 : vector<16xf32>
        %select_n3A_194 = arith.select %gt3A_193, %gather3A_192, %select_n3A_186 : vector<16xi1>, vector<16xf32>
        %broadcast_in_dim3A_195 = arith.constant 10 : i32
        %broadcast_in_dim3A_196 = vector.broadcast %broadcast_in_dim3A_195 : i32 to vector<16xi32>
        %select_n3A_197 = arith.select %gt3A_193, %broadcast_in_dim3A_196, %select_n3A_189 : vector<16xi1>, vector<16xi32>
        %broadcast_in_dim3A_198 = arith.constant 11 : i32
        %broadcast_in_dim3A_199 = vector.broadcast %broadcast_in_dim3A_198 : i32 to vector<16xi32>
        %gather3A_200 = tpu.vector_load_idx %arg6[%add3A_96, %broadcast_in_dim3A_199] : memref<512x64xf32, #tpu.memory_space<vmem>>[vector<16xi32>, vector<16xi32>], vector<16xf32>,
        %gt3A_201 = arith.cmpf ogt, %gather3A_200, %select_n3A_194 : vector<16xf32>
        %select_n3A_202 = arith.select %gt3A_201, %gather3A_200, %select_n3A_194 : vector<16xi1>, vector<16xf32>
        %broadcast_in_dim3A_203 = arith.constant 11 : i32
        %broadcast_in_dim3A_204 = vector.broadcast %broadcast_in_dim3A_203 : i32 to vector<16xi32>
        %select_n3A_205 = arith.select %gt3A_201, %broadcast_in_dim3A_204, %select_n3A_197 : vector<16xi1>, vector<16xi32>
        %broadcast_in_dim3A_206 = arith.constant 12 : i32
        %broadcast_in_dim3A_207 = vector.broadcast %broadcast_in_dim3A_206 : i32 to vector<16xi32>
        %gather3A_208 = tpu.vector_load_idx %arg6[%add3A_96, %broadcast_in_dim3A_207] : memref<512x64xf32, #tpu.memory_space<vmem>>[vector<16xi32>, vector<16xi32>], vector<16xf32>,
        %gt3A_209 = arith.cmpf ogt, %gather3A_208, %select_n3A_202 : vector<16xf32>
        %select_n3A_210 = arith.select %gt3A_209, %gather3A_208, %select_n3A_202 : vector<16xi1>, vector<16xf32>
        %broadcast_in_dim3A_211 = arith.constant 12 : i32
        %broadcast_in_dim3A_212 = vector.broadcast %broadcast_in_dim3A_211 : i32 to vector<16xi32>
        %select_n3A_213 = arith.select %gt3A_209, %broadcast_in_dim3A_212, %select_n3A_205 : vector<16xi1>, vector<16xi32>
        %broadcast_in_dim3A_214 = arith.constant 13 : i32
        %broadcast_in_dim3A_215 = vector.broadcast %broadcast_in_dim3A_214 : i32 to vector<16xi32>
        %gather3A_216 = tpu.vector_load_idx %arg6[%add3A_96, %broadcast_in_dim3A_215] : memref<512x64xf32, #tpu.memory_space<vmem>>[vector<16xi32>, vector<16xi32>], vector<16xf32>,
        %gt3A_217 = arith.cmpf ogt, %gather3A_216, %select_n3A_210 : vector<16xf32>
        %select_n3A_218 = arith.select %gt3A_217, %gather3A_216, %select_n3A_210 : vector<16xi1>, vector<16xf32>
        %broadcast_in_dim3A_219 = arith.constant 13 : i32
        %broadcast_in_dim3A_220 = vector.broadcast %broadcast_in_dim3A_219 : i32 to vector<16xi32>
        %select_n3A_221 = arith.select %gt3A_217, %broadcast_in_dim3A_220, %select_n3A_213 : vector<16xi1>, vector<16xi32>
        %broadcast_in_dim3A_222 = arith.constant 14 : i32
        %broadcast_in_dim3A_223 = vector.broadcast %broadcast_in_dim3A_222 : i32 to vector<16xi32>
        %gather3A_224 = tpu.vector_load_idx %arg6[%add3A_96, %broadcast_in_dim3A_223] : memref<512x64xf32, #tpu.memory_space<vmem>>[vector<16xi32>, vector<16xi32>], vector<16xf32>,
        %gt3A_225 = arith.cmpf ogt, %gather3A_224, %select_n3A_218 : vector<16xf32>
        %select_n3A_226 = arith.select %gt3A_225, %gather3A_224, %select_n3A_218 : vector<16xi1>, vector<16xf32>
        %broadcast_in_dim3A_227 = arith.constant 14 : i32
        %broadcast_in_dim3A_228 = vector.broadcast %broadcast_in_dim3A_227 : i32 to vector<16xi32>
        %select_n3A_229 = arith.select %gt3A_225, %broadcast_in_dim3A_228, %select_n3A_221 : vector<16xi1>, vector<16xi32>
        %broadcast_in_dim3A_230 = arith.constant 15 : i32
        %broadcast_in_dim3A_231 = vector.broadcast %broadcast_in_dim3A_230 : i32 to vector<16xi32>
        %gather3A_232 = tpu.vector_load_idx %arg6[%add3A_96, %broadcast_in_dim3A_231] : memref<512x64xf32, #tpu.memory_space<vmem>>[vector<16xi32>, vector<16xi32>], vector<16xf32>,
        %gt3A_233 = arith.cmpf ogt, %gather3A_232, %select_n3A_226 : vector<16xf32>
        %select_n3A_234 = arith.select %gt3A_233, %gather3A_232, %select_n3A_226 : vector<16xi1>, vector<16xf32>
        %broadcast_in_dim3A_235 = arith.constant 15 : i32
        %broadcast_in_dim3A_236 = vector.broadcast %broadcast_in_dim3A_235 : i32 to vector<16xi32>
        %select_n3A_237 = arith.select %gt3A_233, %broadcast_in_dim3A_236, %select_n3A_229 : vector<16xi1>, vector<16xi32>
        %broadcast_in_dim3A_238 = arith.constant 16 : i32
        %broadcast_in_dim3A_239 = vector.broadcast %broadcast_in_dim3A_238 : i32 to vector<16xi32>
        %gather3A_240 = tpu.vector_load_idx %arg6[%add3A_96, %broadcast_in_dim3A_239] : memref<512x64xf32, #tpu.memory_space<vmem>>[vector<16xi32>, vector<16xi32>], vector<16xf32>,
        %gt3A_241 = arith.cmpf ogt, %gather3A_240, %select_n3A_234 : vector<16xf32>
        %select_n3A_242 = arith.select %gt3A_241, %gather3A_240, %select_n3A_234 : vector<16xi1>, vector<16xf32>
        %broadcast_in_dim3A_243 = arith.constant 16 : i32
        %broadcast_in_dim3A_244 = vector.broadcast %broadcast_in_dim3A_243 : i32 to vector<16xi32>
        %select_n3A_245 = arith.select %gt3A_241, %broadcast_in_dim3A_244, %select_n3A_237 : vector<16xi1>, vector<16xi32>
        %broadcast_in_dim3A_246 = arith.constant 17 : i32
        %broadcast_in_dim3A_247 = vector.broadcast %broadcast_in_dim3A_246 : i32 to vector<16xi32>
        %gather3A_248 = tpu.vector_load_idx %arg6[%add3A_96, %broadcast_in_dim3A_247] : memref<512x64xf32, #tpu.memory_space<vmem>>[vector<16xi32>, vector<16xi32>], vector<16xf32>,
        %gt3A_249 = arith.cmpf ogt, %gather3A_248, %select_n3A_242 : vector<16xf32>
        %select_n3A_250 = arith.select %gt3A_249, %gather3A_248, %select_n3A_242 : vector<16xi1>, vector<16xf32>
        %broadcast_in_dim3A_251 = arith.constant 17 : i32
        %broadcast_in_dim3A_252 = vector.broadcast %broadcast_in_dim3A_251 : i32 to vector<16xi32>
        %select_n3A_253 = arith.select %gt3A_249, %broadcast_in_dim3A_252, %select_n3A_245 : vector<16xi1>, vector<16xi32>
        %broadcast_in_dim3A_254 = arith.constant 18 : i32
        %broadcast_in_dim3A_255 = vector.broadcast %broadcast_in_dim3A_254 : i32 to vector<16xi32>
        %gather3A_256 = tpu.vector_load_idx %arg6[%add3A_96, %broadcast_in_dim3A_255] : memref<512x64xf32, #tpu.memory_space<vmem>>[vector<16xi32>, vector<16xi32>], vector<16xf32>,
        %gt3A_257 = arith.cmpf ogt, %gather3A_256, %select_n3A_250 : vector<16xf32>
        %select_n3A_258 = arith.select %gt3A_257, %gather3A_256, %select_n3A_250 : vector<16xi1>, vector<16xf32>
        %broadcast_in_dim3A_259 = arith.constant 18 : i32
        %broadcast_in_dim3A_260 = vector.broadcast %broadcast_in_dim3A_259 : i32 to vector<16xi32>
        %select_n3A_261 = arith.select %gt3A_257, %broadcast_in_dim3A_260, %select_n3A_253 : vector<16xi1>, vector<16xi32>
        %broadcast_in_dim3A_262 = arith.constant 19 : i32
        %broadcast_in_dim3A_263 = vector.broadcast %broadcast_in_dim3A_262 : i32 to vector<16xi32>
        %gather3A_264 = tpu.vector_load_idx %arg6[%add3A_96, %broadcast_in_dim3A_263] : memref<512x64xf32, #tpu.memory_space<vmem>>[vector<16xi32>, vector<16xi32>], vector<16xf32>,
        %gt3A_265 = arith.cmpf ogt, %gather3A_264, %select_n3A_258 : vector<16xf32>
        %select_n3A_266 = arith.select %gt3A_265, %gather3A_264, %select_n3A_258 : vector<16xi1>, vector<16xf32>
        %broadcast_in_dim3A_267 = arith.constant 19 : i32
        %broadcast_in_dim3A_268 = vector.broadcast %broadcast_in_dim3A_267 : i32 to vector<16xi32>
        %select_n3A_269 = arith.select %gt3A_265, %broadcast_in_dim3A_268, %select_n3A_261 : vector<16xi1>, vector<16xi32>
        %broadcast_in_dim3A_270 = arith.constant 20 : i32
        %broadcast_in_dim3A_271 = vector.broadcast %broadcast_in_dim3A_270 : i32 to vector<16xi32>
        %gather3A_272 = tpu.vector_load_idx %arg6[%add3A_96, %broadcast_in_dim3A_271] : memref<512x64xf32, #tpu.memory_space<vmem>>[vector<16xi32>, vector<16xi32>], vector<16xf32>,
        %gt3A_273 = arith.cmpf ogt, %gather3A_272, %select_n3A_266 : vector<16xf32>
        %select_n3A_274 = arith.select %gt3A_273, %gather3A_272, %select_n3A_266 : vector<16xi1>, vector<16xf32>
        %broadcast_in_dim3A_275 = arith.constant 20 : i32
        %broadcast_in_dim3A_276 = vector.broadcast %broadcast_in_dim3A_275 : i32 to vector<16xi32>
        %select_n3A_277 = arith.select %gt3A_273, %broadcast_in_dim3A_276, %select_n3A_269 : vector<16xi1>, vector<16xi32>
        %broadcast_in_dim3A_278 = arith.constant 21 : i32
        %broadcast_in_dim3A_279 = vector.broadcast %broadcast_in_dim3A_278 : i32 to vector<16xi32>
        %gather3A_280 = tpu.vector_load_idx %arg6[%add3A_96, %broadcast_in_dim3A_279] : memref<512x64xf32, #tpu.memory_space<vmem>>[vector<16xi32>, vector<16xi32>], vector<16xf32>,
        %gt3A_281 = arith.cmpf ogt, %gather3A_280, %select_n3A_274 : vector<16xf32>
        %select_n3A_282 = arith.select %gt3A_281, %gather3A_280, %select_n3A_274 : vector<16xi1>, vector<16xf32>
        %broadcast_in_dim3A_283 = arith.constant 21 : i32
        %broadcast_in_dim3A_284 = vector.broadcast %broadcast_in_dim3A_283 : i32 to vector<16xi32>
        %select_n3A_285 = arith.select %gt3A_281, %broadcast_in_dim3A_284, %select_n3A_277 : vector<16xi1>, vector<16xi32>
        %broadcast_in_dim3A_286 = arith.constant 22 : i32
        %broadcast_in_dim3A_287 = vector.broadcast %broadcast_in_dim3A_286 : i32 to vector<16xi32>
        %gather3A_288 = tpu.vector_load_idx %arg6[%add3A_96, %broadcast_in_dim3A_287] : memref<512x64xf32, #tpu.memory_space<vmem>>[vector<16xi32>, vector<16xi32>], vector<16xf32>,
        %gt3A_289 = arith.cmpf ogt, %gather3A_288, %select_n3A_282 : vector<16xf32>
        %select_n3A_290 = arith.select %gt3A_289, %gather3A_288, %select_n3A_282 : vector<16xi1>, vector<16xf32>
        %broadcast_in_dim3A_291 = arith.constant 22 : i32
        %broadcast_in_dim3A_292 = vector.broadcast %broadcast_in_dim3A_291 : i32 to vector<16xi32>
        %select_n3A_293 = arith.select %gt3A_289, %broadcast_in_dim3A_292, %select_n3A_285 : vector<16xi1>, vector<16xi32>
        %broadcast_in_dim3A_294 = arith.constant 23 : i32
        %broadcast_in_dim3A_295 = vector.broadcast %broadcast_in_dim3A_294 : i32 to vector<16xi32>
        %gather3A_296 = tpu.vector_load_idx %arg6[%add3A_96, %broadcast_in_dim3A_295] : memref<512x64xf32, #tpu.memory_space<vmem>>[vector<16xi32>, vector<16xi32>], vector<16xf32>,
        %gt3A_297 = arith.cmpf ogt, %gather3A_296, %select_n3A_290 : vector<16xf32>
        %select_n3A_298 = arith.select %gt3A_297, %gather3A_296, %select_n3A_290 : vector<16xi1>, vector<16xf32>
        %broadcast_in_dim3A_299 = arith.constant 23 : i32
        %broadcast_in_dim3A_300 = vector.broadcast %broadcast_in_dim3A_299 : i32 to vector<16xi32>
        %select_n3A_301 = arith.select %gt3A_297, %broadcast_in_dim3A_300, %select_n3A_293 : vector<16xi1>, vector<16xi32>
        %broadcast_in_dim3A_302 = arith.constant 24 : i32
        %broadcast_in_dim3A_303 = vector.broadcast %broadcast_in_dim3A_302 : i32 to vector<16xi32>
        %gather3A_304 = tpu.vector_load_idx %arg6[%add3A_96, %broadcast_in_dim3A_303] : memref<512x64xf32, #tpu.memory_space<vmem>>[vector<16xi32>, vector<16xi32>], vector<16xf32>,
        %gt3A_305 = arith.cmpf ogt, %gather3A_304, %select_n3A_298 : vector<16xf32>
        %select_n3A_306 = arith.select %gt3A_305, %gather3A_304, %select_n3A_298 : vector<16xi1>, vector<16xf32>
        %broadcast_in_dim3A_307 = arith.constant 24 : i32
        %broadcast_in_dim3A_308 = vector.broadcast %broadcast_in_dim3A_307 : i32 to vector<16xi32>
        %select_n3A_309 = arith.select %gt3A_305, %broadcast_in_dim3A_308, %select_n3A_301 : vector<16xi1>, vector<16xi32>
        %broadcast_in_dim3A_310 = arith.constant 25 : i32
        %broadcast_in_dim3A_311 = vector.broadcast %broadcast_in_dim3A_310 : i32 to vector<16xi32>
        %gather3A_312 = tpu.vector_load_idx %arg6[%add3A_96, %broadcast_in_dim3A_311] : memref<512x64xf32, #tpu.memory_space<vmem>>[vector<16xi32>, vector<16xi32>], vector<16xf32>,
        %gt3A_313 = arith.cmpf ogt, %gather3A_312, %select_n3A_306 : vector<16xf32>
        %select_n3A_314 = arith.select %gt3A_313, %gather3A_312, %select_n3A_306 : vector<16xi1>, vector<16xf32>
        %broadcast_in_dim3A_315 = arith.constant 25 : i32
        %broadcast_in_dim3A_316 = vector.broadcast %broadcast_in_dim3A_315 : i32 to vector<16xi32>
        %select_n3A_317 = arith.select %gt3A_313, %broadcast_in_dim3A_316, %select_n3A_309 : vector<16xi1>, vector<16xi32>
        %broadcast_in_dim3A_318 = arith.constant 26 : i32
        %broadcast_in_dim3A_319 = vector.broadcast %broadcast_in_dim3A_318 : i32 to vector<16xi32>
        %gather3A_320 = tpu.vector_load_idx %arg6[%add3A_96, %broadcast_in_dim3A_319] : memref<512x64xf32, #tpu.memory_space<vmem>>[vector<16xi32>, vector<16xi32>], vector<16xf32>,
        %gt3A_321 = arith.cmpf ogt, %gather3A_320, %select_n3A_314 : vector<16xf32>
        %select_n3A_322 = arith.select %gt3A_321, %gather3A_320, %select_n3A_314 : vector<16xi1>, vector<16xf32>
        %broadcast_in_dim3A_323 = arith.constant 26 : i32
        %broadcast_in_dim3A_324 = vector.broadcast %broadcast_in_dim3A_323 : i32 to vector<16xi32>
        %select_n3A_325 = arith.select %gt3A_321, %broadcast_in_dim3A_324, %select_n3A_317 : vector<16xi1>, vector<16xi32>
        %broadcast_in_dim3A_326 = arith.constant 27 : i32
        %broadcast_in_dim3A_327 = vector.broadcast %broadcast_in_dim3A_326 : i32 to vector<16xi32>
        %gather3A_328 = tpu.vector_load_idx %arg6[%add3A_96, %broadcast_in_dim3A_327] : memref<512x64xf32, #tpu.memory_space<vmem>>[vector<16xi32>, vector<16xi32>], vector<16xf32>,
        %gt3A_329 = arith.cmpf ogt, %gather3A_328, %select_n3A_322 : vector<16xf32>
        %select_n3A_330 = arith.select %gt3A_329, %gather3A_328, %select_n3A_322 : vector<16xi1>, vector<16xf32>
        %broadcast_in_dim3A_331 = arith.constant 27 : i32
        %broadcast_in_dim3A_332 = vector.broadcast %broadcast_in_dim3A_331 : i32 to vector<16xi32>
        %select_n3A_333 = arith.select %gt3A_329, %broadcast_in_dim3A_332, %select_n3A_325 : vector<16xi1>, vector<16xi32>
        %broadcast_in_dim3A_334 = arith.constant 28 : i32
        %broadcast_in_dim3A_335 = vector.broadcast %broadcast_in_dim3A_334 : i32 to vector<16xi32>
        %gather3A_336 = tpu.vector_load_idx %arg6[%add3A_96, %broadcast_in_dim3A_335] : memref<512x64xf32, #tpu.memory_space<vmem>>[vector<16xi32>, vector<16xi32>], vector<16xf32>,
        %gt3A_337 = arith.cmpf ogt, %gather3A_336, %select_n3A_330 : vector<16xf32>
        %select_n3A_338 = arith.select %gt3A_337, %gather3A_336, %select_n3A_330 : vector<16xi1>, vector<16xf32>
        %broadcast_in_dim3A_339 = arith.constant 28 : i32
        %broadcast_in_dim3A_340 = vector.broadcast %broadcast_in_dim3A_339 : i32 to vector<16xi32>
        %select_n3A_341 = arith.select %gt3A_337, %broadcast_in_dim3A_340, %select_n3A_333 : vector<16xi1>, vector<16xi32>
        %broadcast_in_dim3A_342 = arith.constant 29 : i32
        %broadcast_in_dim3A_343 = vector.broadcast %broadcast_in_dim3A_342 : i32 to vector<16xi32>
        %gather3A_344 = tpu.vector_load_idx %arg6[%add3A_96, %broadcast_in_dim3A_343] : memref<512x64xf32, #tpu.memory_space<vmem>>[vector<16xi32>, vector<16xi32>], vector<16xf32>,
        %gt3A_345 = arith.cmpf ogt, %gather3A_344, %select_n3A_338 : vector<16xf32>
        %select_n3A_346 = arith.select %gt3A_345, %gather3A_344, %select_n3A_338 : vector<16xi1>, vector<16xf32>
        %broadcast_in_dim3A_347 = arith.constant 29 : i32
        %broadcast_in_dim3A_348 = vector.broadcast %broadcast_in_dim3A_347 : i32 to vector<16xi32>
        %select_n3A_349 = arith.select %gt3A_345, %broadcast_in_dim3A_348, %select_n3A_341 : vector<16xi1>, vector<16xi32>
        %broadcast_in_dim3A_350 = arith.constant 30 : i32
        %broadcast_in_dim3A_351 = vector.broadcast %broadcast_in_dim3A_350 : i32 to vector<16xi32>
        %gather3A_352 = tpu.vector_load_idx %arg6[%add3A_96, %broadcast_in_dim3A_351] : memref<512x64xf32, #tpu.memory_space<vmem>>[vector<16xi32>, vector<16xi32>], vector<16xf32>,
        %gt3A_353 = arith.cmpf ogt, %gather3A_352, %select_n3A_346 : vector<16xf32>
        %select_n3A_354 = arith.select %gt3A_353, %gather3A_352, %select_n3A_346 : vector<16xi1>, vector<16xf32>
        %broadcast_in_dim3A_355 = arith.constant 30 : i32
        %broadcast_in_dim3A_356 = vector.broadcast %broadcast_in_dim3A_355 : i32 to vector<16xi32>
        %select_n3A_357 = arith.select %gt3A_353, %broadcast_in_dim3A_356, %select_n3A_349 : vector<16xi1>, vector<16xi32>
        %broadcast_in_dim3A_358 = arith.constant 31 : i32
        %broadcast_in_dim3A_359 = vector.broadcast %broadcast_in_dim3A_358 : i32 to vector<16xi32>
        %gather3A_360 = tpu.vector_load_idx %arg6[%add3A_96, %broadcast_in_dim3A_359] : memref<512x64xf32, #tpu.memory_space<vmem>>[vector<16xi32>, vector<16xi32>], vector<16xf32>,
        %gt3A_361 = arith.cmpf ogt, %gather3A_360, %select_n3A_354 : vector<16xf32>
        %select_n3A_362 = arith.select %gt3A_361, %gather3A_360, %select_n3A_354 : vector<16xi1>, vector<16xf32>
        %broadcast_in_dim3A_363 = arith.constant 31 : i32
        %broadcast_in_dim3A_364 = vector.broadcast %broadcast_in_dim3A_363 : i32 to vector<16xi32>
        %select_n3A_365 = arith.select %gt3A_361, %broadcast_in_dim3A_364, %select_n3A_357 : vector<16xi1>, vector<16xi32>
        %broadcast_in_dim3A_366 = arith.constant 32 : i32
        %broadcast_in_dim3A_367 = vector.broadcast %broadcast_in_dim3A_366 : i32 to vector<16xi32>
        %gather3A_368 = tpu.vector_load_idx %arg6[%add3A_96, %broadcast_in_dim3A_367] : memref<512x64xf32, #tpu.memory_space<vmem>>[vector<16xi32>, vector<16xi32>], vector<16xf32>,
        %gt3A_369 = arith.cmpf ogt, %gather3A_368, %select_n3A_362 : vector<16xf32>
        %select_n3A_370 = arith.select %gt3A_369, %gather3A_368, %select_n3A_362 : vector<16xi1>, vector<16xf32>
        %broadcast_in_dim3A_371 = arith.constant 32 : i32
        %broadcast_in_dim3A_372 = vector.broadcast %broadcast_in_dim3A_371 : i32 to vector<16xi32>
        %select_n3A_373 = arith.select %gt3A_369, %broadcast_in_dim3A_372, %select_n3A_365 : vector<16xi1>, vector<16xi32>
        %broadcast_in_dim3A_374 = arith.constant 33 : i32
        %broadcast_in_dim3A_375 = vector.broadcast %broadcast_in_dim3A_374 : i32 to vector<16xi32>
        %gather3A_376 = tpu.vector_load_idx %arg6[%add3A_96, %broadcast_in_dim3A_375] : memref<512x64xf32, #tpu.memory_space<vmem>>[vector<16xi32>, vector<16xi32>], vector<16xf32>,
        %gt3A_377 = arith.cmpf ogt, %gather3A_376, %select_n3A_370 : vector<16xf32>
        %select_n3A_378 = arith.select %gt3A_377, %gather3A_376, %select_n3A_370 : vector<16xi1>, vector<16xf32>
        %broadcast_in_dim3A_379 = arith.constant 33 : i32
        %broadcast_in_dim3A_380 = vector.broadcast %broadcast_in_dim3A_379 : i32 to vector<16xi32>
        %select_n3A_381 = arith.select %gt3A_377, %broadcast_in_dim3A_380, %select_n3A_373 : vector<16xi1>, vector<16xi32>
        %broadcast_in_dim3A_382 = arith.constant 34 : i32
        %broadcast_in_dim3A_383 = vector.broadcast %broadcast_in_dim3A_382 : i32 to vector<16xi32>
        %gather3A_384 = tpu.vector_load_idx %arg6[%add3A_96, %broadcast_in_dim3A_383] : memref<512x64xf32, #tpu.memory_space<vmem>>[vector<16xi32>, vector<16xi32>], vector<16xf32>,
        %gt3A_385 = arith.cmpf ogt, %gather3A_384, %select_n3A_378 : vector<16xf32>
        %select_n3A_386 = arith.select %gt3A_385, %gather3A_384, %select_n3A_378 : vector<16xi1>, vector<16xf32>
        %broadcast_in_dim3A_387 = arith.constant 34 : i32
        %broadcast_in_dim3A_388 = vector.broadcast %broadcast_in_dim3A_387 : i32 to vector<16xi32>
        %select_n3A_389 = arith.select %gt3A_385, %broadcast_in_dim3A_388, %select_n3A_381 : vector<16xi1>, vector<16xi32>
        %broadcast_in_dim3A_390 = arith.constant 35 : i32
        %broadcast_in_dim3A_391 = vector.broadcast %broadcast_in_dim3A_390 : i32 to vector<16xi32>
        %gather3A_392 = tpu.vector_load_idx %arg6[%add3A_96, %broadcast_in_dim3A_391] : memref<512x64xf32, #tpu.memory_space<vmem>>[vector<16xi32>, vector<16xi32>], vector<16xf32>,
        %gt3A_393 = arith.cmpf ogt, %gather3A_392, %select_n3A_386 : vector<16xf32>
        %select_n3A_394 = arith.select %gt3A_393, %gather3A_392, %select_n3A_386 : vector<16xi1>, vector<16xf32>
        %broadcast_in_dim3A_395 = arith.constant 35 : i32
        %broadcast_in_dim3A_396 = vector.broadcast %broadcast_in_dim3A_395 : i32 to vector<16xi32>
        %select_n3A_397 = arith.select %gt3A_393, %broadcast_in_dim3A_396, %select_n3A_389 : vector<16xi1>, vector<16xi32>
        %broadcast_in_dim3A_398 = arith.constant 36 : i32
        %broadcast_in_dim3A_399 = vector.broadcast %broadcast_in_dim3A_398 : i32 to vector<16xi32>
        %gather3A_400 = tpu.vector_load_idx %arg6[%add3A_96, %broadcast_in_dim3A_399] : memref<512x64xf32, #tpu.memory_space<vmem>>[vector<16xi32>, vector<16xi32>], vector<16xf32>,
        %gt3A_401 = arith.cmpf ogt, %gather3A_400, %select_n3A_394 : vector<16xf32>
        %select_n3A_402 = arith.select %gt3A_401, %gather3A_400, %select_n3A_394 : vector<16xi1>, vector<16xf32>
        %broadcast_in_dim3A_403 = arith.constant 36 : i32
        %broadcast_in_dim3A_404 = vector.broadcast %broadcast_in_dim3A_403 : i32 to vector<16xi32>
        %select_n3A_405 = arith.select %gt3A_401, %broadcast_in_dim3A_404, %select_n3A_397 : vector<16xi1>, vector<16xi32>
        %broadcast_in_dim3A_406 = arith.constant 37 : i32
        %broadcast_in_dim3A_407 = vector.broadcast %broadcast_in_dim3A_406 : i32 to vector<16xi32>
        %gather3A_408 = tpu.vector_load_idx %arg6[%add3A_96, %broadcast_in_dim3A_407] : memref<512x64xf32, #tpu.memory_space<vmem>>[vector<16xi32>, vector<16xi32>], vector<16xf32>,
        %gt3A_409 = arith.cmpf ogt, %gather3A_408, %select_n3A_402 : vector<16xf32>
        %select_n3A_410 = arith.select %gt3A_409, %gather3A_408, %select_n3A_402 : vector<16xi1>, vector<16xf32>
        %broadcast_in_dim3A_411 = arith.constant 37 : i32
        %broadcast_in_dim3A_412 = vector.broadcast %broadcast_in_dim3A_411 : i32 to vector<16xi32>
        %select_n3A_413 = arith.select %gt3A_409, %broadcast_in_dim3A_412, %select_n3A_405 : vector<16xi1>, vector<16xi32>
        %broadcast_in_dim3A_414 = arith.constant 38 : i32
        %broadcast_in_dim3A_415 = vector.broadcast %broadcast_in_dim3A_414 : i32 to vector<16xi32>
        %gather3A_416 = tpu.vector_load_idx %arg6[%add3A_96, %broadcast_in_dim3A_415] : memref<512x64xf32, #tpu.memory_space<vmem>>[vector<16xi32>, vector<16xi32>], vector<16xf32>,
        %gt3A_417 = arith.cmpf ogt, %gather3A_416, %select_n3A_410 : vector<16xf32>
        %select_n3A_418 = arith.select %gt3A_417, %gather3A_416, %select_n3A_410 : vector<16xi1>, vector<16xf32>
        %broadcast_in_dim3A_419 = arith.constant 38 : i32
        %broadcast_in_dim3A_420 = vector.broadcast %broadcast_in_dim3A_419 : i32 to vector<16xi32>
        %select_n3A_421 = arith.select %gt3A_417, %broadcast_in_dim3A_420, %select_n3A_413 : vector<16xi1>, vector<16xi32>
        %broadcast_in_dim3A_422 = arith.constant 39 : i32
        %broadcast_in_dim3A_423 = vector.broadcast %broadcast_in_dim3A_422 : i32 to vector<16xi32>
        %gather3A_424 = tpu.vector_load_idx %arg6[%add3A_96, %broadcast_in_dim3A_423] : memref<512x64xf32, #tpu.memory_space<vmem>>[vector<16xi32>, vector<16xi32>], vector<16xf32>,
        %gt3A_425 = arith.cmpf ogt, %gather3A_424, %select_n3A_418 : vector<16xf32>
        %select_n3A_426 = arith.select %gt3A_425, %gather3A_424, %select_n3A_418 : vector<16xi1>, vector<16xf32>
        %broadcast_in_dim3A_427 = arith.constant 39 : i32
        %broadcast_in_dim3A_428 = vector.broadcast %broadcast_in_dim3A_427 : i32 to vector<16xi32>
        %select_n3A_429 = arith.select %gt3A_425, %broadcast_in_dim3A_428, %select_n3A_421 : vector<16xi1>, vector<16xi32>
        %broadcast_in_dim3A_430 = arith.constant 40 : i32
        %broadcast_in_dim3A_431 = vector.broadcast %broadcast_in_dim3A_430 : i32 to vector<16xi32>
        %gather3A_432 = tpu.vector_load_idx %arg6[%add3A_96, %broadcast_in_dim3A_431] : memref<512x64xf32, #tpu.memory_space<vmem>>[vector<16xi32>, vector<16xi32>], vector<16xf32>,
        %gt3A_433 = arith.cmpf ogt, %gather3A_432, %select_n3A_426 : vector<16xf32>
        %select_n3A_434 = arith.select %gt3A_433, %gather3A_432, %select_n3A_426 : vector<16xi1>, vector<16xf32>
        %broadcast_in_dim3A_435 = arith.constant 40 : i32
        %broadcast_in_dim3A_436 = vector.broadcast %broadcast_in_dim3A_435 : i32 to vector<16xi32>
        %select_n3A_437 = arith.select %gt3A_433, %broadcast_in_dim3A_436, %select_n3A_429 : vector<16xi1>, vector<16xi32>
        %broadcast_in_dim3A_438 = arith.constant 41 : i32
        %broadcast_in_dim3A_439 = vector.broadcast %broadcast_in_dim3A_438 : i32 to vector<16xi32>
        %gather3A_440 = tpu.vector_load_idx %arg6[%add3A_96, %broadcast_in_dim3A_439] : memref<512x64xf32, #tpu.memory_space<vmem>>[vector<16xi32>, vector<16xi32>], vector<16xf32>,
        %gt3A_441 = arith.cmpf ogt, %gather3A_440, %select_n3A_434 : vector<16xf32>
        %select_n3A_442 = arith.select %gt3A_441, %gather3A_440, %select_n3A_434 : vector<16xi1>, vector<16xf32>
        %broadcast_in_dim3A_443 = arith.constant 41 : i32
        %broadcast_in_dim3A_444 = vector.broadcast %broadcast_in_dim3A_443 : i32 to vector<16xi32>
        %select_n3A_445 = arith.select %gt3A_441, %broadcast_in_dim3A_444, %select_n3A_437 : vector<16xi1>, vector<16xi32>
        %broadcast_in_dim3A_446 = arith.constant 42 : i32
        %broadcast_in_dim3A_447 = vector.broadcast %broadcast_in_dim3A_446 : i32 to vector<16xi32>
        %gather3A_448 = tpu.vector_load_idx %arg6[%add3A_96, %broadcast_in_dim3A_447] : memref<512x64xf32, #tpu.memory_space<vmem>>[vector<16xi32>, vector<16xi32>], vector<16xf32>,
        %gt3A_449 = arith.cmpf ogt, %gather3A_448, %select_n3A_442 : vector<16xf32>
        %select_n3A_450 = arith.select %gt3A_449, %gather3A_448, %select_n3A_442 : vector<16xi1>, vector<16xf32>
        %broadcast_in_dim3A_451 = arith.constant 42 : i32
        %broadcast_in_dim3A_452 = vector.broadcast %broadcast_in_dim3A_451 : i32 to vector<16xi32>
        %select_n3A_453 = arith.select %gt3A_449, %broadcast_in_dim3A_452, %select_n3A_445 : vector<16xi1>, vector<16xi32>
        %broadcast_in_dim3A_454 = arith.constant 43 : i32
        %broadcast_in_dim3A_455 = vector.broadcast %broadcast_in_dim3A_454 : i32 to vector<16xi32>
        %gather3A_456 = tpu.vector_load_idx %arg6[%add3A_96, %broadcast_in_dim3A_455] : memref<512x64xf32, #tpu.memory_space<vmem>>[vector<16xi32>, vector<16xi32>], vector<16xf32>,
        %gt3A_457 = arith.cmpf ogt, %gather3A_456, %select_n3A_450 : vector<16xf32>
        %select_n3A_458 = arith.select %gt3A_457, %gather3A_456, %select_n3A_450 : vector<16xi1>, vector<16xf32>
        %broadcast_in_dim3A_459 = arith.constant 43 : i32
        %broadcast_in_dim3A_460 = vector.broadcast %broadcast_in_dim3A_459 : i32 to vector<16xi32>
        %select_n3A_461 = arith.select %gt3A_457, %broadcast_in_dim3A_460, %select_n3A_453 : vector<16xi1>, vector<16xi32>
        %broadcast_in_dim3A_462 = arith.constant 44 : i32
        %broadcast_in_dim3A_463 = vector.broadcast %broadcast_in_dim3A_462 : i32 to vector<16xi32>
        %gather3A_464 = tpu.vector_load_idx %arg6[%add3A_96, %broadcast_in_dim3A_463] : memref<512x64xf32, #tpu.memory_space<vmem>>[vector<16xi32>, vector<16xi32>], vector<16xf32>,
        %gt3A_465 = arith.cmpf ogt, %gather3A_464, %select_n3A_458 : vector<16xf32>
        %select_n3A_466 = arith.select %gt3A_465, %gather3A_464, %select_n3A_458 : vector<16xi1>, vector<16xf32>
        %broadcast_in_dim3A_467 = arith.constant 44 : i32
        %broadcast_in_dim3A_468 = vector.broadcast %broadcast_in_dim3A_467 : i32 to vector<16xi32>
        %select_n3A_469 = arith.select %gt3A_465, %broadcast_in_dim3A_468, %select_n3A_461 : vector<16xi1>, vector<16xi32>
        %broadcast_in_dim3A_470 = arith.constant 45 : i32
        %broadcast_in_dim3A_471 = vector.broadcast %broadcast_in_dim3A_470 : i32 to vector<16xi32>
        %gather3A_472 = tpu.vector_load_idx %arg6[%add3A_96, %broadcast_in_dim3A_471] : memref<512x64xf32, #tpu.memory_space<vmem>>[vector<16xi32>, vector<16xi32>], vector<16xf32>,
        %gt3A_473 = arith.cmpf ogt, %gather3A_472, %select_n3A_466 : vector<16xf32>
        %select_n3A_474 = arith.select %gt3A_473, %gather3A_472, %select_n3A_466 : vector<16xi1>, vector<16xf32>
        %broadcast_in_dim3A_475 = arith.constant 45 : i32
        %broadcast_in_dim3A_476 = vector.broadcast %broadcast_in_dim3A_475 : i32 to vector<16xi32>
        %select_n3A_477 = arith.select %gt3A_473, %broadcast_in_dim3A_476, %select_n3A_469 : vector<16xi1>, vector<16xi32>
        %broadcast_in_dim3A_478 = arith.constant 46 : i32
        %broadcast_in_dim3A_479 = vector.broadcast %broadcast_in_dim3A_478 : i32 to vector<16xi32>
        %gather3A_480 = tpu.vector_load_idx %arg6[%add3A_96, %broadcast_in_dim3A_479] : memref<512x64xf32, #tpu.memory_space<vmem>>[vector<16xi32>, vector<16xi32>], vector<16xf32>,
        %gt3A_481 = arith.cmpf ogt, %gather3A_480, %select_n3A_474 : vector<16xf32>
        %select_n3A_482 = arith.select %gt3A_481, %gather3A_480, %select_n3A_474 : vector<16xi1>, vector<16xf32>
        %broadcast_in_dim3A_483 = arith.constant 46 : i32
        %broadcast_in_dim3A_484 = vector.broadcast %broadcast_in_dim3A_483 : i32 to vector<16xi32>
        %select_n3A_485 = arith.select %gt3A_481, %broadcast_in_dim3A_484, %select_n3A_477 : vector<16xi1>, vector<16xi32>
        %broadcast_in_dim3A_486 = arith.constant 47 : i32
        %broadcast_in_dim3A_487 = vector.broadcast %broadcast_in_dim3A_486 : i32 to vector<16xi32>
        %gather3A_488 = tpu.vector_load_idx %arg6[%add3A_96, %broadcast_in_dim3A_487] : memref<512x64xf32, #tpu.memory_space<vmem>>[vector<16xi32>, vector<16xi32>], vector<16xf32>,
        %gt3A_489 = arith.cmpf ogt, %gather3A_488, %select_n3A_482 : vector<16xf32>
        %select_n3A_490 = arith.select %gt3A_489, %gather3A_488, %select_n3A_482 : vector<16xi1>, vector<16xf32>
        %broadcast_in_dim3A_491 = arith.constant 47 : i32
        %broadcast_in_dim3A_492 = vector.broadcast %broadcast_in_dim3A_491 : i32 to vector<16xi32>
        %select_n3A_493 = arith.select %gt3A_489, %broadcast_in_dim3A_492, %select_n3A_485 : vector<16xi1>, vector<16xi32>
        %broadcast_in_dim3A_494 = arith.constant 48 : i32
        %broadcast_in_dim3A_495 = vector.broadcast %broadcast_in_dim3A_494 : i32 to vector<16xi32>
        %gather3A_496 = tpu.vector_load_idx %arg6[%add3A_96, %broadcast_in_dim3A_495] : memref<512x64xf32, #tpu.memory_space<vmem>>[vector<16xi32>, vector<16xi32>], vector<16xf32>,
        %gt3A_497 = arith.cmpf ogt, %gather3A_496, %select_n3A_490 : vector<16xf32>
        %select_n3A_498 = arith.select %gt3A_497, %gather3A_496, %select_n3A_490 : vector<16xi1>, vector<16xf32>
        %broadcast_in_dim3A_499 = arith.constant 48 : i32
        %broadcast_in_dim3A_500 = vector.broadcast %broadcast_in_dim3A_499 : i32 to vector<16xi32>
        %select_n3A_501 = arith.select %gt3A_497, %broadcast_in_dim3A_500, %select_n3A_493 : vector<16xi1>, vector<16xi32>
        %broadcast_in_dim3A_502 = arith.constant 49 : i32
        %broadcast_in_dim3A_503 = vector.broadcast %broadcast_in_dim3A_502 : i32 to vector<16xi32>
        %gather3A_504 = tpu.vector_load_idx %arg6[%add3A_96, %broadcast_in_dim3A_503] : memref<512x64xf32, #tpu.memory_space<vmem>>[vector<16xi32>, vector<16xi32>], vector<16xf32>,
        %gt3A_505 = arith.cmpf ogt, %gather3A_504, %select_n3A_498 : vector<16xf32>
        %select_n3A_506 = arith.select %gt3A_505, %gather3A_504, %select_n3A_498 : vector<16xi1>, vector<16xf32>
        %broadcast_in_dim3A_507 = arith.constant 49 : i32
        %broadcast_in_dim3A_508 = vector.broadcast %broadcast_in_dim3A_507 : i32 to vector<16xi32>
        %select_n3A_509 = arith.select %gt3A_505, %broadcast_in_dim3A_508, %select_n3A_501 : vector<16xi1>, vector<16xi32>
        %broadcast_in_dim3A_510 = arith.constant 50 : i32
        %broadcast_in_dim3A_511 = vector.broadcast %broadcast_in_dim3A_510 : i32 to vector<16xi32>
        %gather3A_512 = tpu.vector_load_idx %arg6[%add3A_96, %broadcast_in_dim3A_511] : memref<512x64xf32, #tpu.memory_space<vmem>>[vector<16xi32>, vector<16xi32>], vector<16xf32>,
        %gt3A_513 = arith.cmpf ogt, %gather3A_512, %select_n3A_506 : vector<16xf32>
        %select_n3A_514 = arith.select %gt3A_513, %gather3A_512, %select_n3A_506 : vector<16xi1>, vector<16xf32>
        %broadcast_in_dim3A_515 = arith.constant 50 : i32
        %broadcast_in_dim3A_516 = vector.broadcast %broadcast_in_dim3A_515 : i32 to vector<16xi32>
        %select_n3A_517 = arith.select %gt3A_513, %broadcast_in_dim3A_516, %select_n3A_509 : vector<16xi1>, vector<16xi32>
        %broadcast_in_dim3A_518 = arith.constant 51 : i32
        %broadcast_in_dim3A_519 = vector.broadcast %broadcast_in_dim3A_518 : i32 to vector<16xi32>
        %gather3A_520 = tpu.vector_load_idx %arg6[%add3A_96, %broadcast_in_dim3A_519] : memref<512x64xf32, #tpu.memory_space<vmem>>[vector<16xi32>, vector<16xi32>], vector<16xf32>,
        %gt3A_521 = arith.cmpf ogt, %gather3A_520, %select_n3A_514 : vector<16xf32>
        %select_n3A_522 = arith.select %gt3A_521, %gather3A_520, %select_n3A_514 : vector<16xi1>, vector<16xf32>
        %broadcast_in_dim3A_523 = arith.constant 51 : i32
        %broadcast_in_dim3A_524 = vector.broadcast %broadcast_in_dim3A_523 : i32 to vector<16xi32>
        %select_n3A_525 = arith.select %gt3A_521, %broadcast_in_dim3A_524, %select_n3A_517 : vector<16xi1>, vector<16xi32>
        %broadcast_in_dim3A_526 = arith.constant 52 : i32
        %broadcast_in_dim3A_527 = vector.broadcast %broadcast_in_dim3A_526 : i32 to vector<16xi32>
        %gather3A_528 = tpu.vector_load_idx %arg6[%add3A_96, %broadcast_in_dim3A_527] : memref<512x64xf32, #tpu.memory_space<vmem>>[vector<16xi32>, vector<16xi32>], vector<16xf32>,
        %gt3A_529 = arith.cmpf ogt, %gather3A_528, %select_n3A_522 : vector<16xf32>
        %select_n3A_530 = arith.select %gt3A_529, %gather3A_528, %select_n3A_522 : vector<16xi1>, vector<16xf32>
        %broadcast_in_dim3A_531 = arith.constant 52 : i32
        %broadcast_in_dim3A_532 = vector.broadcast %broadcast_in_dim3A_531 : i32 to vector<16xi32>
        %select_n3A_533 = arith.select %gt3A_529, %broadcast_in_dim3A_532, %select_n3A_525 : vector<16xi1>, vector<16xi32>
        %broadcast_in_dim3A_534 = arith.constant 53 : i32
        %broadcast_in_dim3A_535 = vector.broadcast %broadcast_in_dim3A_534 : i32 to vector<16xi32>
        %gather3A_536 = tpu.vector_load_idx %arg6[%add3A_96, %broadcast_in_dim3A_535] : memref<512x64xf32, #tpu.memory_space<vmem>>[vector<16xi32>, vector<16xi32>], vector<16xf32>,
        %gt3A_537 = arith.cmpf ogt, %gather3A_536, %select_n3A_530 : vector<16xf32>
        %select_n3A_538 = arith.select %gt3A_537, %gather3A_536, %select_n3A_530 : vector<16xi1>, vector<16xf32>
        %broadcast_in_dim3A_539 = arith.constant 53 : i32
        %broadcast_in_dim3A_540 = vector.broadcast %broadcast_in_dim3A_539 : i32 to vector<16xi32>
        %select_n3A_541 = arith.select %gt3A_537, %broadcast_in_dim3A_540, %select_n3A_533 : vector<16xi1>, vector<16xi32>
        %broadcast_in_dim3A_542 = arith.constant 54 : i32
        %broadcast_in_dim3A_543 = vector.broadcast %broadcast_in_dim3A_542 : i32 to vector<16xi32>
        %gather3A_544 = tpu.vector_load_idx %arg6[%add3A_96, %broadcast_in_dim3A_543] : memref<512x64xf32, #tpu.memory_space<vmem>>[vector<16xi32>, vector<16xi32>], vector<16xf32>,
        %gt3A_545 = arith.cmpf ogt, %gather3A_544, %select_n3A_538 : vector<16xf32>
        %select_n3A_546 = arith.select %gt3A_545, %gather3A_544, %select_n3A_538 : vector<16xi1>, vector<16xf32>
        %broadcast_in_dim3A_547 = arith.constant 54 : i32
        %broadcast_in_dim3A_548 = vector.broadcast %broadcast_in_dim3A_547 : i32 to vector<16xi32>
        %select_n3A_549 = arith.select %gt3A_545, %broadcast_in_dim3A_548, %select_n3A_541 : vector<16xi1>, vector<16xi32>
        %broadcast_in_dim3A_550 = arith.constant 55 : i32
        %broadcast_in_dim3A_551 = vector.broadcast %broadcast_in_dim3A_550 : i32 to vector<16xi32>
        %gather3A_552 = tpu.vector_load_idx %arg6[%add3A_96, %broadcast_in_dim3A_551] : memref<512x64xf32, #tpu.memory_space<vmem>>[vector<16xi32>, vector<16xi32>], vector<16xf32>,
        %gt3A_553 = arith.cmpf ogt, %gather3A_552, %select_n3A_546 : vector<16xf32>
        %select_n3A_554 = arith.select %gt3A_553, %gather3A_552, %select_n3A_546 : vector<16xi1>, vector<16xf32>
        %broadcast_in_dim3A_555 = arith.constant 55 : i32
        %broadcast_in_dim3A_556 = vector.broadcast %broadcast_in_dim3A_555 : i32 to vector<16xi32>
        %select_n3A_557 = arith.select %gt3A_553, %broadcast_in_dim3A_556, %select_n3A_549 : vector<16xi1>, vector<16xi32>
        %broadcast_in_dim3A_558 = arith.constant 56 : i32
        %broadcast_in_dim3A_559 = vector.broadcast %broadcast_in_dim3A_558 : i32 to vector<16xi32>
        %gather3A_560 = tpu.vector_load_idx %arg6[%add3A_96, %broadcast_in_dim3A_559] : memref<512x64xf32, #tpu.memory_space<vmem>>[vector<16xi32>, vector<16xi32>], vector<16xf32>,
        %gt3A_561 = arith.cmpf ogt, %gather3A_560, %select_n3A_554 : vector<16xf32>
        %select_n3A_562 = arith.select %gt3A_561, %gather3A_560, %select_n3A_554 : vector<16xi1>, vector<16xf32>
        %broadcast_in_dim3A_563 = arith.constant 56 : i32
        %broadcast_in_dim3A_564 = vector.broadcast %broadcast_in_dim3A_563 : i32 to vector<16xi32>
        %select_n3A_565 = arith.select %gt3A_561, %broadcast_in_dim3A_564, %select_n3A_557 : vector<16xi1>, vector<16xi32>
        %broadcast_in_dim3A_566 = arith.constant 57 : i32
        %broadcast_in_dim3A_567 = vector.broadcast %broadcast_in_dim3A_566 : i32 to vector<16xi32>
        %gather3A_568 = tpu.vector_load_idx %arg6[%add3A_96, %broadcast_in_dim3A_567] : memref<512x64xf32, #tpu.memory_space<vmem>>[vector<16xi32>, vector<16xi32>], vector<16xf32>,
        %gt3A_569 = arith.cmpf ogt, %gather3A_568, %select_n3A_562 : vector<16xf32>
        %select_n3A_570 = arith.select %gt3A_569, %gather3A_568, %select_n3A_562 : vector<16xi1>, vector<16xf32>
        %broadcast_in_dim3A_571 = arith.constant 57 : i32
        %broadcast_in_dim3A_572 = vector.broadcast %broadcast_in_dim3A_571 : i32 to vector<16xi32>
        %select_n3A_573 = arith.select %gt3A_569, %broadcast_in_dim3A_572, %select_n3A_565 : vector<16xi1>, vector<16xi32>
        %broadcast_in_dim3A_574 = arith.constant 58 : i32
        %broadcast_in_dim3A_575 = vector.broadcast %broadcast_in_dim3A_574 : i32 to vector<16xi32>
        %gather3A_576 = tpu.vector_load_idx %arg6[%add3A_96, %broadcast_in_dim3A_575] : memref<512x64xf32, #tpu.memory_space<vmem>>[vector<16xi32>, vector<16xi32>], vector<16xf32>,
        %gt3A_577 = arith.cmpf ogt, %gather3A_576, %select_n3A_570 : vector<16xf32>
        %select_n3A_578 = arith.select %gt3A_577, %gather3A_576, %select_n3A_570 : vector<16xi1>, vector<16xf32>
        %broadcast_in_dim3A_579 = arith.constant 58 : i32
        %broadcast_in_dim3A_580 = vector.broadcast %broadcast_in_dim3A_579 : i32 to vector<16xi32>
        %select_n3A_581 = arith.select %gt3A_577, %broadcast_in_dim3A_580, %select_n3A_573 : vector<16xi1>, vector<16xi32>
        %broadcast_in_dim3A_582 = arith.constant 59 : i32
        %broadcast_in_dim3A_583 = vector.broadcast %broadcast_in_dim3A_582 : i32 to vector<16xi32>
        %gather3A_584 = tpu.vector_load_idx %arg6[%add3A_96, %broadcast_in_dim3A_583] : memref<512x64xf32, #tpu.memory_space<vmem>>[vector<16xi32>, vector<16xi32>], vector<16xf32>,
        %gt3A_585 = arith.cmpf ogt, %gather3A_584, %select_n3A_578 : vector<16xf32>
        %select_n3A_586 = arith.select %gt3A_585, %gather3A_584, %select_n3A_578 : vector<16xi1>, vector<16xf32>
        %broadcast_in_dim3A_587 = arith.constant 59 : i32
        %broadcast_in_dim3A_588 = vector.broadcast %broadcast_in_dim3A_587 : i32 to vector<16xi32>
        %select_n3A_589 = arith.select %gt3A_585, %broadcast_in_dim3A_588, %select_n3A_581 : vector<16xi1>, vector<16xi32>
        %broadcast_in_dim3A_590 = arith.constant 60 : i32
        %broadcast_in_dim3A_591 = vector.broadcast %broadcast_in_dim3A_590 : i32 to vector<16xi32>
        %gather3A_592 = tpu.vector_load_idx %arg6[%add3A_96, %broadcast_in_dim3A_591] : memref<512x64xf32, #tpu.memory_space<vmem>>[vector<16xi32>, vector<16xi32>], vector<16xf32>,
        %gt3A_593 = arith.cmpf ogt, %gather3A_592, %select_n3A_586 : vector<16xf32>
        %select_n3A_594 = arith.select %gt3A_593, %gather3A_592, %select_n3A_586 : vector<16xi1>, vector<16xf32>
        %broadcast_in_dim3A_595 = arith.constant 60 : i32
        %broadcast_in_dim3A_596 = vector.broadcast %broadcast_in_dim3A_595 : i32 to vector<16xi32>
        %select_n3A_597 = arith.select %gt3A_593, %broadcast_in_dim3A_596, %select_n3A_589 : vector<16xi1>, vector<16xi32>
        %broadcast_in_dim3A_598 = arith.constant 61 : i32
        %broadcast_in_dim3A_599 = vector.broadcast %broadcast_in_dim3A_598 : i32 to vector<16xi32>
        %gather3A_600 = tpu.vector_load_idx %arg6[%add3A_96, %broadcast_in_dim3A_599] : memref<512x64xf32, #tpu.memory_space<vmem>>[vector<16xi32>, vector<16xi32>], vector<16xf32>,
        %gt3A_601 = arith.cmpf ogt, %gather3A_600, %select_n3A_594 : vector<16xf32>
        %select_n3A_602 = arith.select %gt3A_601, %gather3A_600, %select_n3A_594 : vector<16xi1>, vector<16xf32>
        %broadcast_in_dim3A_603 = arith.constant 61 : i32
        %broadcast_in_dim3A_604 = vector.broadcast %broadcast_in_dim3A_603 : i32 to vector<16xi32>
        %select_n3A_605 = arith.select %gt3A_601, %broadcast_in_dim3A_604, %select_n3A_597 : vector<16xi1>, vector<16xi32>
        %broadcast_in_dim3A_606 = arith.constant 62 : i32
        %broadcast_in_dim3A_607 = vector.broadcast %broadcast_in_dim3A_606 : i32 to vector<16xi32>
        %gather3A_608 = tpu.vector_load_idx %arg6[%add3A_96, %broadcast_in_dim3A_607] : memref<512x64xf32, #tpu.memory_space<vmem>>[vector<16xi32>, vector<16xi32>], vector<16xf32>,
        %gt3A_609 = arith.cmpf ogt, %gather3A_608, %select_n3A_602 : vector<16xf32>
        %select_n3A_610 = arith.select %gt3A_609, %gather3A_608, %select_n3A_602 : vector<16xi1>, vector<16xf32>
        %broadcast_in_dim3A_611 = arith.constant 62 : i32
        %broadcast_in_dim3A_612 = vector.broadcast %broadcast_in_dim3A_611 : i32 to vector<16xi32>
        %select_n3A_613 = arith.select %gt3A_609, %broadcast_in_dim3A_612, %select_n3A_605 : vector<16xi1>, vector<16xi32>
        %broadcast_in_dim3A_614 = arith.constant 63 : i32
        %broadcast_in_dim3A_615 = vector.broadcast %broadcast_in_dim3A_614 : i32 to vector<16xi32>
        %gather3A_616 = tpu.vector_load_idx %arg6[%add3A_96, %broadcast_in_dim3A_615] : memref<512x64xf32, #tpu.memory_space<vmem>>[vector<16xi32>, vector<16xi32>], vector<16xf32>,
        %gt3A_617 = arith.cmpf ogt, %gather3A_616, %select_n3A_610 : vector<16xf32>
        %select_n3A_618 = arith.select %gt3A_617, %gather3A_616, %select_n3A_610 : vector<16xi1>, vector<16xf32>
        %broadcast_in_dim3A_619 = arith.constant 63 : i32
        %broadcast_in_dim3A_620 = vector.broadcast %broadcast_in_dim3A_619 : i32 to vector<16xi32>
        %select_n3A_621 = arith.select %gt3A_617, %broadcast_in_dim3A_620, %select_n3A_613 : vector<16xi1>, vector<16xi32>
        tpu.vector_store_idx %arg6[%add3A_96, %select_n3A_621], %broadcast_in_dim3A_77 : memref<512x64xf32, #tpu.memory_space<vmem>>[vector<16xi32>, vector<16xi32>], vector<16xf32>,
        tpu.vector_store_idx %arg7[%select_n3A_621], %broadcast_in_dim3A_79 {add = true} : memref<64xi32, #tpu.memory_space<vmem>>[vector<16xi32>], vector<16xi32>,
      }
      %while3A_106 = arith.constant 1 : i32
      scf.for %while3A_107 = %while3A_104 to %while3A_100 step %while3A_106  : i32 {
        %broadcast_in_dim3A_108 = arith.constant 0xFF800000 : f32
        %broadcast_in_dim3A_109 = vector.broadcast %broadcast_in_dim3A_108 : f32 to vector<16xf32>
        %broadcast_in_dim3A_110 = arith.constant 0 : i32
        %broadcast_in_dim3A_111 = vector.broadcast %broadcast_in_dim3A_110 : i32 to vector<16xi32>
        %broadcast_in_dim3A_112 = arith.constant 0 : i32
        %broadcast_in_dim3A_113 = vector.broadcast %broadcast_in_dim3A_112 : i32 to vector<16xi32>
        %gather3A = tpu.vector_load_idx %arg6[%add3A_96, %broadcast_in_dim3A_113] : memref<512x64xf32, #tpu.memory_space<vmem>>[vector<16xi32>, vector<16xi32>], vector<16xf32>,
        %gt3A = arith.cmpf ogt, %gather3A, %broadcast_in_dim3A_109 : vector<16xf32>
        %select_n3A_114 = arith.select %gt3A, %gather3A, %broadcast_in_dim3A_109 : vector<16xi1>, vector<16xf32>
        %broadcast_in_dim3A_115 = arith.constant 0 : i32
        %broadcast_in_dim3A_116 = vector.broadcast %broadcast_in_dim3A_115 : i32 to vector<16xi32>
        %select_n3A_117 = arith.select %gt3A, %broadcast_in_dim3A_116, %broadcast_in_dim3A_111 : vector<16xi1>, vector<16xi32>
        %broadcast_in_dim3A_118 = arith.constant 1 : i32
        %broadcast_in_dim3A_119 = vector.broadcast %broadcast_in_dim3A_118 : i32 to vector<16xi32>
        %gather3A_120 = tpu.vector_load_idx %arg6[%add3A_96, %broadcast_in_dim3A_119] : memref<512x64xf32, #tpu.memory_space<vmem>>[vector<16xi32>, vector<16xi32>], vector<16xf32>,
        %gt3A_121 = arith.cmpf ogt, %gather3A_120, %select_n3A_114 : vector<16xf32>
        %select_n3A_122 = arith.select %gt3A_121, %gather3A_120, %select_n3A_114 : vector<16xi1>, vector<16xf32>
        %broadcast_in_dim3A_123 = arith.constant 1 : i32
        %broadcast_in_dim3A_124 = vector.broadcast %broadcast_in_dim3A_123 : i32 to vector<16xi32>
        %select_n3A_125 = arith.select %gt3A_121, %broadcast_in_dim3A_124, %select_n3A_117 : vector<16xi1>, vector<16xi32>
        %broadcast_in_dim3A_126 = arith.constant 2 : i32
        %broadcast_in_dim3A_127 = vector.broadcast %broadcast_in_dim3A_126 : i32 to vector<16xi32>
        %gather3A_128 = tpu.vector_load_idx %arg6[%add3A_96, %broadcast_in_dim3A_127] : memref<512x64xf32, #tpu.memory_space<vmem>>[vector<16xi32>, vector<16xi32>], vector<16xf32>,
        %gt3A_129 = arith.cmpf ogt, %gather3A_128, %select_n3A_122 : vector<16xf32>
        %select_n3A_130 = arith.select %gt3A_129, %gather3A_128, %select_n3A_122 : vector<16xi1>, vector<16xf32>
        %broadcast_in_dim3A_131 = arith.constant 2 : i32
        %broadcast_in_dim3A_132 = vector.broadcast %broadcast_in_dim3A_131 : i32 to vector<16xi32>
        %select_n3A_133 = arith.select %gt3A_129, %broadcast_in_dim3A_132, %select_n3A_125 : vector<16xi1>, vector<16xi32>
        %broadcast_in_dim3A_134 = arith.constant 3 : i32
        %broadcast_in_dim3A_135 = vector.broadcast %broadcast_in_dim3A_134 : i32 to vector<16xi32>
        %gather3A_136 = tpu.vector_load_idx %arg6[%add3A_96, %broadcast_in_dim3A_135] : memref<512x64xf32, #tpu.memory_space<vmem>>[vector<16xi32>, vector<16xi32>], vector<16xf32>,
        %gt3A_137 = arith.cmpf ogt, %gather3A_136, %select_n3A_130 : vector<16xf32>
        %select_n3A_138 = arith.select %gt3A_137, %gather3A_136, %select_n3A_130 : vector<16xi1>, vector<16xf32>
        %broadcast_in_dim3A_139 = arith.constant 3 : i32
        %broadcast_in_dim3A_140 = vector.broadcast %broadcast_in_dim3A_139 : i32 to vector<16xi32>
        %select_n3A_141 = arith.select %gt3A_137, %broadcast_in_dim3A_140, %select_n3A_133 : vector<16xi1>, vector<16xi32>
        %broadcast_in_dim3A_142 = arith.constant 4 : i32
        %broadcast_in_dim3A_143 = vector.broadcast %broadcast_in_dim3A_142 : i32 to vector<16xi32>
        %gather3A_144 = tpu.vector_load_idx %arg6[%add3A_96, %broadcast_in_dim3A_143] : memref<512x64xf32, #tpu.memory_space<vmem>>[vector<16xi32>, vector<16xi32>], vector<16xf32>,
        %gt3A_145 = arith.cmpf ogt, %gather3A_144, %select_n3A_138 : vector<16xf32>
        %select_n3A_146 = arith.select %gt3A_145, %gather3A_144, %select_n3A_138 : vector<16xi1>, vector<16xf32>
        %broadcast_in_dim3A_147 = arith.constant 4 : i32
        %broadcast_in_dim3A_148 = vector.broadcast %broadcast_in_dim3A_147 : i32 to vector<16xi32>
        %select_n3A_149 = arith.select %gt3A_145, %broadcast_in_dim3A_148, %select_n3A_141 : vector<16xi1>, vector<16xi32>
        %broadcast_in_dim3A_150 = arith.constant 5 : i32
        %broadcast_in_dim3A_151 = vector.broadcast %broadcast_in_dim3A_150 : i32 to vector<16xi32>
        %gather3A_152 = tpu.vector_load_idx %arg6[%add3A_96, %broadcast_in_dim3A_151] : memref<512x64xf32, #tpu.memory_space<vmem>>[vector<16xi32>, vector<16xi32>], vector<16xf32>,
        %gt3A_153 = arith.cmpf ogt, %gather3A_152, %select_n3A_146 : vector<16xf32>
        %select_n3A_154 = arith.select %gt3A_153, %gather3A_152, %select_n3A_146 : vector<16xi1>, vector<16xf32>
        %broadcast_in_dim3A_155 = arith.constant 5 : i32
        %broadcast_in_dim3A_156 = vector.broadcast %broadcast_in_dim3A_155 : i32 to vector<16xi32>
        %select_n3A_157 = arith.select %gt3A_153, %broadcast_in_dim3A_156, %select_n3A_149 : vector<16xi1>, vector<16xi32>
        %broadcast_in_dim3A_158 = arith.constant 6 : i32
        %broadcast_in_dim3A_159 = vector.broadcast %broadcast_in_dim3A_158 : i32 to vector<16xi32>
        %gather3A_160 = tpu.vector_load_idx %arg6[%add3A_96, %broadcast_in_dim3A_159] : memref<512x64xf32, #tpu.memory_space<vmem>>[vector<16xi32>, vector<16xi32>], vector<16xf32>,
        %gt3A_161 = arith.cmpf ogt, %gather3A_160, %select_n3A_154 : vector<16xf32>
        %select_n3A_162 = arith.select %gt3A_161, %gather3A_160, %select_n3A_154 : vector<16xi1>, vector<16xf32>
        %broadcast_in_dim3A_163 = arith.constant 6 : i32
        %broadcast_in_dim3A_164 = vector.broadcast %broadcast_in_dim3A_163 : i32 to vector<16xi32>
        %select_n3A_165 = arith.select %gt3A_161, %broadcast_in_dim3A_164, %select_n3A_157 : vector<16xi1>, vector<16xi32>
        %broadcast_in_dim3A_166 = arith.constant 7 : i32
        %broadcast_in_dim3A_167 = vector.broadcast %broadcast_in_dim3A_166 : i32 to vector<16xi32>
        %gather3A_168 = tpu.vector_load_idx %arg6[%add3A_96, %broadcast_in_dim3A_167] : memref<512x64xf32, #tpu.memory_space<vmem>>[vector<16xi32>, vector<16xi32>], vector<16xf32>,
        %gt3A_169 = arith.cmpf ogt, %gather3A_168, %select_n3A_162 : vector<16xf32>
        %select_n3A_170 = arith.select %gt3A_169, %gather3A_168, %select_n3A_162 : vector<16xi1>, vector<16xf32>
        %broadcast_in_dim3A_171 = arith.constant 7 : i32
        %broadcast_in_dim3A_172 = vector.broadcast %broadcast_in_dim3A_171 : i32 to vector<16xi32>
        %select_n3A_173 = arith.select %gt3A_169, %broadcast_in_dim3A_172, %select_n3A_165 : vector<16xi1>, vector<16xi32>
        %broadcast_in_dim3A_174 = arith.constant 8 : i32
        %broadcast_in_dim3A_175 = vector.broadcast %broadcast_in_dim3A_174 : i32 to vector<16xi32>
        %gather3A_176 = tpu.vector_load_idx %arg6[%add3A_96, %broadcast_in_dim3A_175] : memref<512x64xf32, #tpu.memory_space<vmem>>[vector<16xi32>, vector<16xi32>], vector<16xf32>,
        %gt3A_177 = arith.cmpf ogt, %gather3A_176, %select_n3A_170 : vector<16xf32>
        %select_n3A_178 = arith.select %gt3A_177, %gather3A_176, %select_n3A_170 : vector<16xi1>, vector<16xf32>
        %broadcast_in_dim3A_179 = arith.constant 8 : i32
        %broadcast_in_dim3A_180 = vector.broadcast %broadcast_in_dim3A_179 : i32 to vector<16xi32>
        %select_n3A_181 = arith.select %gt3A_177, %broadcast_in_dim3A_180, %select_n3A_173 : vector<16xi1>, vector<16xi32>
        %broadcast_in_dim3A_182 = arith.constant 9 : i32
        %broadcast_in_dim3A_183 = vector.broadcast %broadcast_in_dim3A_182 : i32 to vector<16xi32>
        %gather3A_184 = tpu.vector_load_idx %arg6[%add3A_96, %broadcast_in_dim3A_183] : memref<512x64xf32, #tpu.memory_space<vmem>>[vector<16xi32>, vector<16xi32>], vector<16xf32>,
        %gt3A_185 = arith.cmpf ogt, %gather3A_184, %select_n3A_178 : vector<16xf32>
        %select_n3A_186 = arith.select %gt3A_185, %gather3A_184, %select_n3A_178 : vector<16xi1>, vector<16xf32>
        %broadcast_in_dim3A_187 = arith.constant 9 : i32
        %broadcast_in_dim3A_188 = vector.broadcast %broadcast_in_dim3A_187 : i32 to vector<16xi32>
        %select_n3A_189 = arith.select %gt3A_185, %broadcast_in_dim3A_188, %select_n3A_181 : vector<16xi1>, vector<16xi32>
        %broadcast_in_dim3A_190 = arith.constant 10 : i32
        %broadcast_in_dim3A_191 = vector.broadcast %broadcast_in_dim3A_190 : i32 to vector<16xi32>
        %gather3A_192 = tpu.vector_load_idx %arg6[%add3A_96, %broadcast_in_dim3A_191] : memref<512x64xf32, #tpu.memory_space<vmem>>[vector<16xi32>, vector<16xi32>], vector<16xf32>,
        %gt3A_193 = arith.cmpf ogt, %gather3A_192, %select_n3A_186 : vector<16xf32>
        %select_n3A_194 = arith.select %gt3A_193, %gather3A_192, %select_n3A_186 : vector<16xi1>, vector<16xf32>
        %broadcast_in_dim3A_195 = arith.constant 10 : i32
        %broadcast_in_dim3A_196 = vector.broadcast %broadcast_in_dim3A_195 : i32 to vector<16xi32>
        %select_n3A_197 = arith.select %gt3A_193, %broadcast_in_dim3A_196, %select_n3A_189 : vector<16xi1>, vector<16xi32>
        %broadcast_in_dim3A_198 = arith.constant 11 : i32
        %broadcast_in_dim3A_199 = vector.broadcast %broadcast_in_dim3A_198 : i32 to vector<16xi32>
        %gather3A_200 = tpu.vector_load_idx %arg6[%add3A_96, %broadcast_in_dim3A_199] : memref<512x64xf32, #tpu.memory_space<vmem>>[vector<16xi32>, vector<16xi32>], vector<16xf32>,
        %gt3A_201 = arith.cmpf ogt, %gather3A_200, %select_n3A_194 : vector<16xf32>
        %select_n3A_202 = arith.select %gt3A_201, %gather3A_200, %select_n3A_194 : vector<16xi1>, vector<16xf32>
        %broadcast_in_dim3A_203 = arith.constant 11 : i32
        %broadcast_in_dim3A_204 = vector.broadcast %broadcast_in_dim3A_203 : i32 to vector<16xi32>
        %select_n3A_205 = arith.select %gt3A_201, %broadcast_in_dim3A_204, %select_n3A_197 : vector<16xi1>, vector<16xi32>
        %broadcast_in_dim3A_206 = arith.constant 12 : i32
        %broadcast_in_dim3A_207 = vector.broadcast %broadcast_in_dim3A_206 : i32 to vector<16xi32>
        %gather3A_208 = tpu.vector_load_idx %arg6[%add3A_96, %broadcast_in_dim3A_207] : memref<512x64xf32, #tpu.memory_space<vmem>>[vector<16xi32>, vector<16xi32>], vector<16xf32>,
        %gt3A_209 = arith.cmpf ogt, %gather3A_208, %select_n3A_202 : vector<16xf32>
        %select_n3A_210 = arith.select %gt3A_209, %gather3A_208, %select_n3A_202 : vector<16xi1>, vector<16xf32>
        %broadcast_in_dim3A_211 = arith.constant 12 : i32
        %broadcast_in_dim3A_212 = vector.broadcast %broadcast_in_dim3A_211 : i32 to vector<16xi32>
        %select_n3A_213 = arith.select %gt3A_209, %broadcast_in_dim3A_212, %select_n3A_205 : vector<16xi1>, vector<16xi32>
        %broadcast_in_dim3A_214 = arith.constant 13 : i32
        %broadcast_in_dim3A_215 = vector.broadcast %broadcast_in_dim3A_214 : i32 to vector<16xi32>
        %gather3A_216 = tpu.vector_load_idx %arg6[%add3A_96, %broadcast_in_dim3A_215] : memref<512x64xf32, #tpu.memory_space<vmem>>[vector<16xi32>, vector<16xi32>], vector<16xf32>,
        %gt3A_217 = arith.cmpf ogt, %gather3A_216, %select_n3A_210 : vector<16xf32>
        %select_n3A_218 = arith.select %gt3A_217, %gather3A_216, %select_n3A_210 : vector<16xi1>, vector<16xf32>
        %broadcast_in_dim3A_219 = arith.constant 13 : i32
        %broadcast_in_dim3A_220 = vector.broadcast %broadcast_in_dim3A_219 : i32 to vector<16xi32>
        %select_n3A_221 = arith.select %gt3A_217, %broadcast_in_dim3A_220, %select_n3A_213 : vector<16xi1>, vector<16xi32>
        %broadcast_in_dim3A_222 = arith.constant 14 : i32
        %broadcast_in_dim3A_223 = vector.broadcast %broadcast_in_dim3A_222 : i32 to vector<16xi32>
        %gather3A_224 = tpu.vector_load_idx %arg6[%add3A_96, %broadcast_in_dim3A_223] : memref<512x64xf32, #tpu.memory_space<vmem>>[vector<16xi32>, vector<16xi32>], vector<16xf32>,
        %gt3A_225 = arith.cmpf ogt, %gather3A_224, %select_n3A_218 : vector<16xf32>
        %select_n3A_226 = arith.select %gt3A_225, %gather3A_224, %select_n3A_218 : vector<16xi1>, vector<16xf32>
        %broadcast_in_dim3A_227 = arith.constant 14 : i32
        %broadcast_in_dim3A_228 = vector.broadcast %broadcast_in_dim3A_227 : i32 to vector<16xi32>
        %select_n3A_229 = arith.select %gt3A_225, %broadcast_in_dim3A_228, %select_n3A_221 : vector<16xi1>, vector<16xi32>
        %broadcast_in_dim3A_230 = arith.constant 15 : i32
        %broadcast_in_dim3A_231 = vector.broadcast %broadcast_in_dim3A_230 : i32 to vector<16xi32>
        %gather3A_232 = tpu.vector_load_idx %arg6[%add3A_96, %broadcast_in_dim3A_231] : memref<512x64xf32, #tpu.memory_space<vmem>>[vector<16xi32>, vector<16xi32>], vector<16xf32>,
        %gt3A_233 = arith.cmpf ogt, %gather3A_232, %select_n3A_226 : vector<16xf32>
        %select_n3A_234 = arith.select %gt3A_233, %gather3A_232, %select_n3A_226 : vector<16xi1>, vector<16xf32>
        %broadcast_in_dim3A_235 = arith.constant 15 : i32
        %broadcast_in_dim3A_236 = vector.broadcast %broadcast_in_dim3A_235 : i32 to vector<16xi32>
        %select_n3A_237 = arith.select %gt3A_233, %broadcast_in_dim3A_236, %select_n3A_229 : vector<16xi1>, vector<16xi32>
        %broadcast_in_dim3A_238 = arith.constant 16 : i32
        %broadcast_in_dim3A_239 = vector.broadcast %broadcast_in_dim3A_238 : i32 to vector<16xi32>
        %gather3A_240 = tpu.vector_load_idx %arg6[%add3A_96, %broadcast_in_dim3A_239] : memref<512x64xf32, #tpu.memory_space<vmem>>[vector<16xi32>, vector<16xi32>], vector<16xf32>,
        %gt3A_241 = arith.cmpf ogt, %gather3A_240, %select_n3A_234 : vector<16xf32>
        %select_n3A_242 = arith.select %gt3A_241, %gather3A_240, %select_n3A_234 : vector<16xi1>, vector<16xf32>
        %broadcast_in_dim3A_243 = arith.constant 16 : i32
        %broadcast_in_dim3A_244 = vector.broadcast %broadcast_in_dim3A_243 : i32 to vector<16xi32>
        %select_n3A_245 = arith.select %gt3A_241, %broadcast_in_dim3A_244, %select_n3A_237 : vector<16xi1>, vector<16xi32>
        %broadcast_in_dim3A_246 = arith.constant 17 : i32
        %broadcast_in_dim3A_247 = vector.broadcast %broadcast_in_dim3A_246 : i32 to vector<16xi32>
        %gather3A_248 = tpu.vector_load_idx %arg6[%add3A_96, %broadcast_in_dim3A_247] : memref<512x64xf32, #tpu.memory_space<vmem>>[vector<16xi32>, vector<16xi32>], vector<16xf32>,
        %gt3A_249 = arith.cmpf ogt, %gather3A_248, %select_n3A_242 : vector<16xf32>
        %select_n3A_250 = arith.select %gt3A_249, %gather3A_248, %select_n3A_242 : vector<16xi1>, vector<16xf32>
        %broadcast_in_dim3A_251 = arith.constant 17 : i32
        %broadcast_in_dim3A_252 = vector.broadcast %broadcast_in_dim3A_251 : i32 to vector<16xi32>
        %select_n3A_253 = arith.select %gt3A_249, %broadcast_in_dim3A_252, %select_n3A_245 : vector<16xi1>, vector<16xi32>
        %broadcast_in_dim3A_254 = arith.constant 18 : i32
        %broadcast_in_dim3A_255 = vector.broadcast %broadcast_in_dim3A_254 : i32 to vector<16xi32>
        %gather3A_256 = tpu.vector_load_idx %arg6[%add3A_96, %broadcast_in_dim3A_255] : memref<512x64xf32, #tpu.memory_space<vmem>>[vector<16xi32>, vector<16xi32>], vector<16xf32>,
        %gt3A_257 = arith.cmpf ogt, %gather3A_256, %select_n3A_250 : vector<16xf32>
        %select_n3A_258 = arith.select %gt3A_257, %gather3A_256, %select_n3A_250 : vector<16xi1>, vector<16xf32>
        %broadcast_in_dim3A_259 = arith.constant 18 : i32
        %broadcast_in_dim3A_260 = vector.broadcast %broadcast_in_dim3A_259 : i32 to vector<16xi32>
        %select_n3A_261 = arith.select %gt3A_257, %broadcast_in_dim3A_260, %select_n3A_253 : vector<16xi1>, vector<16xi32>
        %broadcast_in_dim3A_262 = arith.constant 19 : i32
        %broadcast_in_dim3A_263 = vector.broadcast %broadcast_in_dim3A_262 : i32 to vector<16xi32>
        %gather3A_264 = tpu.vector_load_idx %arg6[%add3A_96, %broadcast_in_dim3A_263] : memref<512x64xf32, #tpu.memory_space<vmem>>[vector<16xi32>, vector<16xi32>], vector<16xf32>,
        %gt3A_265 = arith.cmpf ogt, %gather3A_264, %select_n3A_258 : vector<16xf32>
        %select_n3A_266 = arith.select %gt3A_265, %gather3A_264, %select_n3A_258 : vector<16xi1>, vector<16xf32>
        %broadcast_in_dim3A_267 = arith.constant 19 : i32
        %broadcast_in_dim3A_268 = vector.broadcast %broadcast_in_dim3A_267 : i32 to vector<16xi32>
        %select_n3A_269 = arith.select %gt3A_265, %broadcast_in_dim3A_268, %select_n3A_261 : vector<16xi1>, vector<16xi32>
        %broadcast_in_dim3A_270 = arith.constant 20 : i32
        %broadcast_in_dim3A_271 = vector.broadcast %broadcast_in_dim3A_270 : i32 to vector<16xi32>
        %gather3A_272 = tpu.vector_load_idx %arg6[%add3A_96, %broadcast_in_dim3A_271] : memref<512x64xf32, #tpu.memory_space<vmem>>[vector<16xi32>, vector<16xi32>], vector<16xf32>,
        %gt3A_273 = arith.cmpf ogt, %gather3A_272, %select_n3A_266 : vector<16xf32>
        %select_n3A_274 = arith.select %gt3A_273, %gather3A_272, %select_n3A_266 : vector<16xi1>, vector<16xf32>
        %broadcast_in_dim3A_275 = arith.constant 20 : i32
        %broadcast_in_dim3A_276 = vector.broadcast %broadcast_in_dim3A_275 : i32 to vector<16xi32>
        %select_n3A_277 = arith.select %gt3A_273, %broadcast_in_dim3A_276, %select_n3A_269 : vector<16xi1>, vector<16xi32>
        %broadcast_in_dim3A_278 = arith.constant 21 : i32
        %broadcast_in_dim3A_279 = vector.broadcast %broadcast_in_dim3A_278 : i32 to vector<16xi32>
        %gather3A_280 = tpu.vector_load_idx %arg6[%add3A_96, %broadcast_in_dim3A_279] : memref<512x64xf32, #tpu.memory_space<vmem>>[vector<16xi32>, vector<16xi32>], vector<16xf32>,
        %gt3A_281 = arith.cmpf ogt, %gather3A_280, %select_n3A_274 : vector<16xf32>
        %select_n3A_282 = arith.select %gt3A_281, %gather3A_280, %select_n3A_274 : vector<16xi1>, vector<16xf32>
        %broadcast_in_dim3A_283 = arith.constant 21 : i32
        %broadcast_in_dim3A_284 = vector.broadcast %broadcast_in_dim3A_283 : i32 to vector<16xi32>
        %select_n3A_285 = arith.select %gt3A_281, %broadcast_in_dim3A_284, %select_n3A_277 : vector<16xi1>, vector<16xi32>
        %broadcast_in_dim3A_286 = arith.constant 22 : i32
        %broadcast_in_dim3A_287 = vector.broadcast %broadcast_in_dim3A_286 : i32 to vector<16xi32>
        %gather3A_288 = tpu.vector_load_idx %arg6[%add3A_96, %broadcast_in_dim3A_287] : memref<512x64xf32, #tpu.memory_space<vmem>>[vector<16xi32>, vector<16xi32>], vector<16xf32>,
        %gt3A_289 = arith.cmpf ogt, %gather3A_288, %select_n3A_282 : vector<16xf32>
        %select_n3A_290 = arith.select %gt3A_289, %gather3A_288, %select_n3A_282 : vector<16xi1>, vector<16xf32>
        %broadcast_in_dim3A_291 = arith.constant 22 : i32
        %broadcast_in_dim3A_292 = vector.broadcast %broadcast_in_dim3A_291 : i32 to vector<16xi32>
        %select_n3A_293 = arith.select %gt3A_289, %broadcast_in_dim3A_292, %select_n3A_285 : vector<16xi1>, vector<16xi32>
        %broadcast_in_dim3A_294 = arith.constant 23 : i32
        %broadcast_in_dim3A_295 = vector.broadcast %broadcast_in_dim3A_294 : i32 to vector<16xi32>
        %gather3A_296 = tpu.vector_load_idx %arg6[%add3A_96, %broadcast_in_dim3A_295] : memref<512x64xf32, #tpu.memory_space<vmem>>[vector<16xi32>, vector<16xi32>], vector<16xf32>,
        %gt3A_297 = arith.cmpf ogt, %gather3A_296, %select_n3A_290 : vector<16xf32>
        %select_n3A_298 = arith.select %gt3A_297, %gather3A_296, %select_n3A_290 : vector<16xi1>, vector<16xf32>
        %broadcast_in_dim3A_299 = arith.constant 23 : i32
        %broadcast_in_dim3A_300 = vector.broadcast %broadcast_in_dim3A_299 : i32 to vector<16xi32>
        %select_n3A_301 = arith.select %gt3A_297, %broadcast_in_dim3A_300, %select_n3A_293 : vector<16xi1>, vector<16xi32>
        %broadcast_in_dim3A_302 = arith.constant 24 : i32
        %broadcast_in_dim3A_303 = vector.broadcast %broadcast_in_dim3A_302 : i32 to vector<16xi32>
        %gather3A_304 = tpu.vector_load_idx %arg6[%add3A_96, %broadcast_in_dim3A_303] : memref<512x64xf32, #tpu.memory_space<vmem>>[vector<16xi32>, vector<16xi32>], vector<16xf32>,
        %gt3A_305 = arith.cmpf ogt, %gather3A_304, %select_n3A_298 : vector<16xf32>
        %select_n3A_306 = arith.select %gt3A_305, %gather3A_304, %select_n3A_298 : vector<16xi1>, vector<16xf32>
        %broadcast_in_dim3A_307 = arith.constant 24 : i32
        %broadcast_in_dim3A_308 = vector.broadcast %broadcast_in_dim3A_307 : i32 to vector<16xi32>
        %select_n3A_309 = arith.select %gt3A_305, %broadcast_in_dim3A_308, %select_n3A_301 : vector<16xi1>, vector<16xi32>
        %broadcast_in_dim3A_310 = arith.constant 25 : i32
        %broadcast_in_dim3A_311 = vector.broadcast %broadcast_in_dim3A_310 : i32 to vector<16xi32>
        %gather3A_312 = tpu.vector_load_idx %arg6[%add3A_96, %broadcast_in_dim3A_311] : memref<512x64xf32, #tpu.memory_space<vmem>>[vector<16xi32>, vector<16xi32>], vector<16xf32>,
        %gt3A_313 = arith.cmpf ogt, %gather3A_312, %select_n3A_306 : vector<16xf32>
        %select_n3A_314 = arith.select %gt3A_313, %gather3A_312, %select_n3A_306 : vector<16xi1>, vector<16xf32>
        %broadcast_in_dim3A_315 = arith.constant 25 : i32
        %broadcast_in_dim3A_316 = vector.broadcast %broadcast_in_dim3A_315 : i32 to vector<16xi32>
        %select_n3A_317 = arith.select %gt3A_313, %broadcast_in_dim3A_316, %select_n3A_309 : vector<16xi1>, vector<16xi32>
        %broadcast_in_dim3A_318 = arith.constant 26 : i32
        %broadcast_in_dim3A_319 = vector.broadcast %broadcast_in_dim3A_318 : i32 to vector<16xi32>
        %gather3A_320 = tpu.vector_load_idx %arg6[%add3A_96, %broadcast_in_dim3A_319] : memref<512x64xf32, #tpu.memory_space<vmem>>[vector<16xi32>, vector<16xi32>], vector<16xf32>,
        %gt3A_321 = arith.cmpf ogt, %gather3A_320, %select_n3A_314 : vector<16xf32>
        %select_n3A_322 = arith.select %gt3A_321, %gather3A_320, %select_n3A_314 : vector<16xi1>, vector<16xf32>
        %broadcast_in_dim3A_323 = arith.constant 26 : i32
        %broadcast_in_dim3A_324 = vector.broadcast %broadcast_in_dim3A_323 : i32 to vector<16xi32>
        %select_n3A_325 = arith.select %gt3A_321, %broadcast_in_dim3A_324, %select_n3A_317 : vector<16xi1>, vector<16xi32>
        %broadcast_in_dim3A_326 = arith.constant 27 : i32
        %broadcast_in_dim3A_327 = vector.broadcast %broadcast_in_dim3A_326 : i32 to vector<16xi32>
        %gather3A_328 = tpu.vector_load_idx %arg6[%add3A_96, %broadcast_in_dim3A_327] : memref<512x64xf32, #tpu.memory_space<vmem>>[vector<16xi32>, vector<16xi32>], vector<16xf32>,
        %gt3A_329 = arith.cmpf ogt, %gather3A_328, %select_n3A_322 : vector<16xf32>
        %select_n3A_330 = arith.select %gt3A_329, %gather3A_328, %select_n3A_322 : vector<16xi1>, vector<16xf32>
        %broadcast_in_dim3A_331 = arith.constant 27 : i32
        %broadcast_in_dim3A_332 = vector.broadcast %broadcast_in_dim3A_331 : i32 to vector<16xi32>
        %select_n3A_333 = arith.select %gt3A_329, %broadcast_in_dim3A_332, %select_n3A_325 : vector<16xi1>, vector<16xi32>
        %broadcast_in_dim3A_334 = arith.constant 28 : i32
        %broadcast_in_dim3A_335 = vector.broadcast %broadcast_in_dim3A_334 : i32 to vector<16xi32>
        %gather3A_336 = tpu.vector_load_idx %arg6[%add3A_96, %broadcast_in_dim3A_335] : memref<512x64xf32, #tpu.memory_space<vmem>>[vector<16xi32>, vector<16xi32>], vector<16xf32>,
        %gt3A_337 = arith.cmpf ogt, %gather3A_336, %select_n3A_330 : vector<16xf32>
        %select_n3A_338 = arith.select %gt3A_337, %gather3A_336, %select_n3A_330 : vector<16xi1>, vector<16xf32>
        %broadcast_in_dim3A_339 = arith.constant 28 : i32
        %broadcast_in_dim3A_340 = vector.broadcast %broadcast_in_dim3A_339 : i32 to vector<16xi32>
        %select_n3A_341 = arith.select %gt3A_337, %broadcast_in_dim3A_340, %select_n3A_333 : vector<16xi1>, vector<16xi32>
        %broadcast_in_dim3A_342 = arith.constant 29 : i32
        %broadcast_in_dim3A_343 = vector.broadcast %broadcast_in_dim3A_342 : i32 to vector<16xi32>
        %gather3A_344 = tpu.vector_load_idx %arg6[%add3A_96, %broadcast_in_dim3A_343] : memref<512x64xf32, #tpu.memory_space<vmem>>[vector<16xi32>, vector<16xi32>], vector<16xf32>,
        %gt3A_345 = arith.cmpf ogt, %gather3A_344, %select_n3A_338 : vector<16xf32>
        %select_n3A_346 = arith.select %gt3A_345, %gather3A_344, %select_n3A_338 : vector<16xi1>, vector<16xf32>
        %broadcast_in_dim3A_347 = arith.constant 29 : i32
        %broadcast_in_dim3A_348 = vector.broadcast %broadcast_in_dim3A_347 : i32 to vector<16xi32>
        %select_n3A_349 = arith.select %gt3A_345, %broadcast_in_dim3A_348, %select_n3A_341 : vector<16xi1>, vector<16xi32>
        %broadcast_in_dim3A_350 = arith.constant 30 : i32
        %broadcast_in_dim3A_351 = vector.broadcast %broadcast_in_dim3A_350 : i32 to vector<16xi32>
        %gather3A_352 = tpu.vector_load_idx %arg6[%add3A_96, %broadcast_in_dim3A_351] : memref<512x64xf32, #tpu.memory_space<vmem>>[vector<16xi32>, vector<16xi32>], vector<16xf32>,
        %gt3A_353 = arith.cmpf ogt, %gather3A_352, %select_n3A_346 : vector<16xf32>
        %select_n3A_354 = arith.select %gt3A_353, %gather3A_352, %select_n3A_346 : vector<16xi1>, vector<16xf32>
        %broadcast_in_dim3A_355 = arith.constant 30 : i32
        %broadcast_in_dim3A_356 = vector.broadcast %broadcast_in_dim3A_355 : i32 to vector<16xi32>
        %select_n3A_357 = arith.select %gt3A_353, %broadcast_in_dim3A_356, %select_n3A_349 : vector<16xi1>, vector<16xi32>
        %broadcast_in_dim3A_358 = arith.constant 31 : i32
        %broadcast_in_dim3A_359 = vector.broadcast %broadcast_in_dim3A_358 : i32 to vector<16xi32>
        %gather3A_360 = tpu.vector_load_idx %arg6[%add3A_96, %broadcast_in_dim3A_359] : memref<512x64xf32, #tpu.memory_space<vmem>>[vector<16xi32>, vector<16xi32>], vector<16xf32>,
        %gt3A_361 = arith.cmpf ogt, %gather3A_360, %select_n3A_354 : vector<16xf32>
        %select_n3A_362 = arith.select %gt3A_361, %gather3A_360, %select_n3A_354 : vector<16xi1>, vector<16xf32>
        %broadcast_in_dim3A_363 = arith.constant 31 : i32
        %broadcast_in_dim3A_364 = vector.broadcast %broadcast_in_dim3A_363 : i32 to vector<16xi32>
        %select_n3A_365 = arith.select %gt3A_361, %broadcast_in_dim3A_364, %select_n3A_357 : vector<16xi1>, vector<16xi32>
        %broadcast_in_dim3A_366 = arith.constant 32 : i32
        %broadcast_in_dim3A_367 = vector.broadcast %broadcast_in_dim3A_366 : i32 to vector<16xi32>
        %gather3A_368 = tpu.vector_load_idx %arg6[%add3A_96, %broadcast_in_dim3A_367] : memref<512x64xf32, #tpu.memory_space<vmem>>[vector<16xi32>, vector<16xi32>], vector<16xf32>,
        %gt3A_369 = arith.cmpf ogt, %gather3A_368, %select_n3A_362 : vector<16xf32>
        %select_n3A_370 = arith.select %gt3A_369, %gather3A_368, %select_n3A_362 : vector<16xi1>, vector<16xf32>
        %broadcast_in_dim3A_371 = arith.constant 32 : i32
        %broadcast_in_dim3A_372 = vector.broadcast %broadcast_in_dim3A_371 : i32 to vector<16xi32>
        %select_n3A_373 = arith.select %gt3A_369, %broadcast_in_dim3A_372, %select_n3A_365 : vector<16xi1>, vector<16xi32>
        %broadcast_in_dim3A_374 = arith.constant 33 : i32
        %broadcast_in_dim3A_375 = vector.broadcast %broadcast_in_dim3A_374 : i32 to vector<16xi32>
        %gather3A_376 = tpu.vector_load_idx %arg6[%add3A_96, %broadcast_in_dim3A_375] : memref<512x64xf32, #tpu.memory_space<vmem>>[vector<16xi32>, vector<16xi32>], vector<16xf32>,
        %gt3A_377 = arith.cmpf ogt, %gather3A_376, %select_n3A_370 : vector<16xf32>
        %select_n3A_378 = arith.select %gt3A_377, %gather3A_376, %select_n3A_370 : vector<16xi1>, vector<16xf32>
        %broadcast_in_dim3A_379 = arith.constant 33 : i32
        %broadcast_in_dim3A_380 = vector.broadcast %broadcast_in_dim3A_379 : i32 to vector<16xi32>
        %select_n3A_381 = arith.select %gt3A_377, %broadcast_in_dim3A_380, %select_n3A_373 : vector<16xi1>, vector<16xi32>
        %broadcast_in_dim3A_382 = arith.constant 34 : i32
        %broadcast_in_dim3A_383 = vector.broadcast %broadcast_in_dim3A_382 : i32 to vector<16xi32>
        %gather3A_384 = tpu.vector_load_idx %arg6[%add3A_96, %broadcast_in_dim3A_383] : memref<512x64xf32, #tpu.memory_space<vmem>>[vector<16xi32>, vector<16xi32>], vector<16xf32>,
        %gt3A_385 = arith.cmpf ogt, %gather3A_384, %select_n3A_378 : vector<16xf32>
        %select_n3A_386 = arith.select %gt3A_385, %gather3A_384, %select_n3A_378 : vector<16xi1>, vector<16xf32>
        %broadcast_in_dim3A_387 = arith.constant 34 : i32
        %broadcast_in_dim3A_388 = vector.broadcast %broadcast_in_dim3A_387 : i32 to vector<16xi32>
        %select_n3A_389 = arith.select %gt3A_385, %broadcast_in_dim3A_388, %select_n3A_381 : vector<16xi1>, vector<16xi32>
        %broadcast_in_dim3A_390 = arith.constant 35 : i32
        %broadcast_in_dim3A_391 = vector.broadcast %broadcast_in_dim3A_390 : i32 to vector<16xi32>
        %gather3A_392 = tpu.vector_load_idx %arg6[%add3A_96, %broadcast_in_dim3A_391] : memref<512x64xf32, #tpu.memory_space<vmem>>[vector<16xi32>, vector<16xi32>], vector<16xf32>,
        %gt3A_393 = arith.cmpf ogt, %gather3A_392, %select_n3A_386 : vector<16xf32>
        %select_n3A_394 = arith.select %gt3A_393, %gather3A_392, %select_n3A_386 : vector<16xi1>, vector<16xf32>
        %broadcast_in_dim3A_395 = arith.constant 35 : i32
        %broadcast_in_dim3A_396 = vector.broadcast %broadcast_in_dim3A_395 : i32 to vector<16xi32>
        %select_n3A_397 = arith.select %gt3A_393, %broadcast_in_dim3A_396, %select_n3A_389 : vector<16xi1>, vector<16xi32>
        %broadcast_in_dim3A_398 = arith.constant 36 : i32
        %broadcast_in_dim3A_399 = vector.broadcast %broadcast_in_dim3A_398 : i32 to vector<16xi32>
        %gather3A_400 = tpu.vector_load_idx %arg6[%add3A_96, %broadcast_in_dim3A_399] : memref<512x64xf32, #tpu.memory_space<vmem>>[vector<16xi32>, vector<16xi32>], vector<16xf32>,
        %gt3A_401 = arith.cmpf ogt, %gather3A_400, %select_n3A_394 : vector<16xf32>
        %select_n3A_402 = arith.select %gt3A_401, %gather3A_400, %select_n3A_394 : vector<16xi1>, vector<16xf32>
        %broadcast_in_dim3A_403 = arith.constant 36 : i32
        %broadcast_in_dim3A_404 = vector.broadcast %broadcast_in_dim3A_403 : i32 to vector<16xi32>
        %select_n3A_405 = arith.select %gt3A_401, %broadcast_in_dim3A_404, %select_n3A_397 : vector<16xi1>, vector<16xi32>
        %broadcast_in_dim3A_406 = arith.constant 37 : i32
        %broadcast_in_dim3A_407 = vector.broadcast %broadcast_in_dim3A_406 : i32 to vector<16xi32>
        %gather3A_408 = tpu.vector_load_idx %arg6[%add3A_96, %broadcast_in_dim3A_407] : memref<512x64xf32, #tpu.memory_space<vmem>>[vector<16xi32>, vector<16xi32>], vector<16xf32>,
        %gt3A_409 = arith.cmpf ogt, %gather3A_408, %select_n3A_402 : vector<16xf32>
        %select_n3A_410 = arith.select %gt3A_409, %gather3A_408, %select_n3A_402 : vector<16xi1>, vector<16xf32>
        %broadcast_in_dim3A_411 = arith.constant 37 : i32
        %broadcast_in_dim3A_412 = vector.broadcast %broadcast_in_dim3A_411 : i32 to vector<16xi32>
        %select_n3A_413 = arith.select %gt3A_409, %broadcast_in_dim3A_412, %select_n3A_405 : vector<16xi1>, vector<16xi32>
        %broadcast_in_dim3A_414 = arith.constant 38 : i32
        %broadcast_in_dim3A_415 = vector.broadcast %broadcast_in_dim3A_414 : i32 to vector<16xi32>
        %gather3A_416 = tpu.vector_load_idx %arg6[%add3A_96, %broadcast_in_dim3A_415] : memref<512x64xf32, #tpu.memory_space<vmem>>[vector<16xi32>, vector<16xi32>], vector<16xf32>,
        %gt3A_417 = arith.cmpf ogt, %gather3A_416, %select_n3A_410 : vector<16xf32>
        %select_n3A_418 = arith.select %gt3A_417, %gather3A_416, %select_n3A_410 : vector<16xi1>, vector<16xf32>
        %broadcast_in_dim3A_419 = arith.constant 38 : i32
        %broadcast_in_dim3A_420 = vector.broadcast %broadcast_in_dim3A_419 : i32 to vector<16xi32>
        %select_n3A_421 = arith.select %gt3A_417, %broadcast_in_dim3A_420, %select_n3A_413 : vector<16xi1>, vector<16xi32>
        %broadcast_in_dim3A_422 = arith.constant 39 : i32
        %broadcast_in_dim3A_423 = vector.broadcast %broadcast_in_dim3A_422 : i32 to vector<16xi32>
        %gather3A_424 = tpu.vector_load_idx %arg6[%add3A_96, %broadcast_in_dim3A_423] : memref<512x64xf32, #tpu.memory_space<vmem>>[vector<16xi32>, vector<16xi32>], vector<16xf32>,
        %gt3A_425 = arith.cmpf ogt, %gather3A_424, %select_n3A_418 : vector<16xf32>
        %select_n3A_426 = arith.select %gt3A_425, %gather3A_424, %select_n3A_418 : vector<16xi1>, vector<16xf32>
        %broadcast_in_dim3A_427 = arith.constant 39 : i32
        %broadcast_in_dim3A_428 = vector.broadcast %broadcast_in_dim3A_427 : i32 to vector<16xi32>
        %select_n3A_429 = arith.select %gt3A_425, %broadcast_in_dim3A_428, %select_n3A_421 : vector<16xi1>, vector<16xi32>
        %broadcast_in_dim3A_430 = arith.constant 40 : i32
        %broadcast_in_dim3A_431 = vector.broadcast %broadcast_in_dim3A_430 : i32 to vector<16xi32>
        %gather3A_432 = tpu.vector_load_idx %arg6[%add3A_96, %broadcast_in_dim3A_431] : memref<512x64xf32, #tpu.memory_space<vmem>>[vector<16xi32>, vector<16xi32>], vector<16xf32>,
        %gt3A_433 = arith.cmpf ogt, %gather3A_432, %select_n3A_426 : vector<16xf32>
        %select_n3A_434 = arith.select %gt3A_433, %gather3A_432, %select_n3A_426 : vector<16xi1>, vector<16xf32>
        %broadcast_in_dim3A_435 = arith.constant 40 : i32
        %broadcast_in_dim3A_436 = vector.broadcast %broadcast_in_dim3A_435 : i32 to vector<16xi32>
        %select_n3A_437 = arith.select %gt3A_433, %broadcast_in_dim3A_436, %select_n3A_429 : vector<16xi1>, vector<16xi32>
        %broadcast_in_dim3A_438 = arith.constant 41 : i32
        %broadcast_in_dim3A_439 = vector.broadcast %broadcast_in_dim3A_438 : i32 to vector<16xi32>
        %gather3A_440 = tpu.vector_load_idx %arg6[%add3A_96, %broadcast_in_dim3A_439] : memref<512x64xf32, #tpu.memory_space<vmem>>[vector<16xi32>, vector<16xi32>], vector<16xf32>,
        %gt3A_441 = arith.cmpf ogt, %gather3A_440, %select_n3A_434 : vector<16xf32>
        %select_n3A_442 = arith.select %gt3A_441, %gather3A_440, %select_n3A_434 : vector<16xi1>, vector<16xf32>
        %broadcast_in_dim3A_443 = arith.constant 41 : i32
        %broadcast_in_dim3A_444 = vector.broadcast %broadcast_in_dim3A_443 : i32 to vector<16xi32>
        %select_n3A_445 = arith.select %gt3A_441, %broadcast_in_dim3A_444, %select_n3A_437 : vector<16xi1>, vector<16xi32>
        %broadcast_in_dim3A_446 = arith.constant 42 : i32
        %broadcast_in_dim3A_447 = vector.broadcast %broadcast_in_dim3A_446 : i32 to vector<16xi32>
        %gather3A_448 = tpu.vector_load_idx %arg6[%add3A_96, %broadcast_in_dim3A_447] : memref<512x64xf32, #tpu.memory_space<vmem>>[vector<16xi32>, vector<16xi32>], vector<16xf32>,
        %gt3A_449 = arith.cmpf ogt, %gather3A_448, %select_n3A_442 : vector<16xf32>
        %select_n3A_450 = arith.select %gt3A_449, %gather3A_448, %select_n3A_442 : vector<16xi1>, vector<16xf32>
        %broadcast_in_dim3A_451 = arith.constant 42 : i32
        %broadcast_in_dim3A_452 = vector.broadcast %broadcast_in_dim3A_451 : i32 to vector<16xi32>
        %select_n3A_453 = arith.select %gt3A_449, %broadcast_in_dim3A_452, %select_n3A_445 : vector<16xi1>, vector<16xi32>
        %broadcast_in_dim3A_454 = arith.constant 43 : i32
        %broadcast_in_dim3A_455 = vector.broadcast %broadcast_in_dim3A_454 : i32 to vector<16xi32>
        %gather3A_456 = tpu.vector_load_idx %arg6[%add3A_96, %broadcast_in_dim3A_455] : memref<512x64xf32, #tpu.memory_space<vmem>>[vector<16xi32>, vector<16xi32>], vector<16xf32>,
        %gt3A_457 = arith.cmpf ogt, %gather3A_456, %select_n3A_450 : vector<16xf32>
        %select_n3A_458 = arith.select %gt3A_457, %gather3A_456, %select_n3A_450 : vector<16xi1>, vector<16xf32>
        %broadcast_in_dim3A_459 = arith.constant 43 : i32
        %broadcast_in_dim3A_460 = vector.broadcast %broadcast_in_dim3A_459 : i32 to vector<16xi32>
        %select_n3A_461 = arith.select %gt3A_457, %broadcast_in_dim3A_460, %select_n3A_453 : vector<16xi1>, vector<16xi32>
        %broadcast_in_dim3A_462 = arith.constant 44 : i32
        %broadcast_in_dim3A_463 = vector.broadcast %broadcast_in_dim3A_462 : i32 to vector<16xi32>
        %gather3A_464 = tpu.vector_load_idx %arg6[%add3A_96, %broadcast_in_dim3A_463] : memref<512x64xf32, #tpu.memory_space<vmem>>[vector<16xi32>, vector<16xi32>], vector<16xf32>,
        %gt3A_465 = arith.cmpf ogt, %gather3A_464, %select_n3A_458 : vector<16xf32>
        %select_n3A_466 = arith.select %gt3A_465, %gather3A_464, %select_n3A_458 : vector<16xi1>, vector<16xf32>
        %broadcast_in_dim3A_467 = arith.constant 44 : i32
        %broadcast_in_dim3A_468 = vector.broadcast %broadcast_in_dim3A_467 : i32 to vector<16xi32>
        %select_n3A_469 = arith.select %gt3A_465, %broadcast_in_dim3A_468, %select_n3A_461 : vector<16xi1>, vector<16xi32>
        %broadcast_in_dim3A_470 = arith.constant 45 : i32
        %broadcast_in_dim3A_471 = vector.broadcast %broadcast_in_dim3A_470 : i32 to vector<16xi32>
        %gather3A_472 = tpu.vector_load_idx %arg6[%add3A_96, %broadcast_in_dim3A_471] : memref<512x64xf32, #tpu.memory_space<vmem>>[vector<16xi32>, vector<16xi32>], vector<16xf32>,
        %gt3A_473 = arith.cmpf ogt, %gather3A_472, %select_n3A_466 : vector<16xf32>
        %select_n3A_474 = arith.select %gt3A_473, %gather3A_472, %select_n3A_466 : vector<16xi1>, vector<16xf32>
        %broadcast_in_dim3A_475 = arith.constant 45 : i32
        %broadcast_in_dim3A_476 = vector.broadcast %broadcast_in_dim3A_475 : i32 to vector<16xi32>
        %select_n3A_477 = arith.select %gt3A_473, %broadcast_in_dim3A_476, %select_n3A_469 : vector<16xi1>, vector<16xi32>
        %broadcast_in_dim3A_478 = arith.constant 46 : i32
        %broadcast_in_dim3A_479 = vector.broadcast %broadcast_in_dim3A_478 : i32 to vector<16xi32>
        %gather3A_480 = tpu.vector_load_idx %arg6[%add3A_96, %broadcast_in_dim3A_479] : memref<512x64xf32, #tpu.memory_space<vmem>>[vector<16xi32>, vector<16xi32>], vector<16xf32>,
        %gt3A_481 = arith.cmpf ogt, %gather3A_480, %select_n3A_474 : vector<16xf32>
        %select_n3A_482 = arith.select %gt3A_481, %gather3A_480, %select_n3A_474 : vector<16xi1>, vector<16xf32>
        %broadcast_in_dim3A_483 = arith.constant 46 : i32
        %broadcast_in_dim3A_484 = vector.broadcast %broadcast_in_dim3A_483 : i32 to vector<16xi32>
        %select_n3A_485 = arith.select %gt3A_481, %broadcast_in_dim3A_484, %select_n3A_477 : vector<16xi1>, vector<16xi32>
        %broadcast_in_dim3A_486 = arith.constant 47 : i32
        %broadcast_in_dim3A_487 = vector.broadcast %broadcast_in_dim3A_486 : i32 to vector<16xi32>
        %gather3A_488 = tpu.vector_load_idx %arg6[%add3A_96, %broadcast_in_dim3A_487] : memref<512x64xf32, #tpu.memory_space<vmem>>[vector<16xi32>, vector<16xi32>], vector<16xf32>,
        %gt3A_489 = arith.cmpf ogt, %gather3A_488, %select_n3A_482 : vector<16xf32>
        %select_n3A_490 = arith.select %gt3A_489, %gather3A_488, %select_n3A_482 : vector<16xi1>, vector<16xf32>
        %broadcast_in_dim3A_491 = arith.constant 47 : i32
        %broadcast_in_dim3A_492 = vector.broadcast %broadcast_in_dim3A_491 : i32 to vector<16xi32>
        %select_n3A_493 = arith.select %gt3A_489, %broadcast_in_dim3A_492, %select_n3A_485 : vector<16xi1>, vector<16xi32>
        %broadcast_in_dim3A_494 = arith.constant 48 : i32
        %broadcast_in_dim3A_495 = vector.broadcast %broadcast_in_dim3A_494 : i32 to vector<16xi32>
        %gather3A_496 = tpu.vector_load_idx %arg6[%add3A_96, %broadcast_in_dim3A_495] : memref<512x64xf32, #tpu.memory_space<vmem>>[vector<16xi32>, vector<16xi32>], vector<16xf32>,
        %gt3A_497 = arith.cmpf ogt, %gather3A_496, %select_n3A_490 : vector<16xf32>
        %select_n3A_498 = arith.select %gt3A_497, %gather3A_496, %select_n3A_490 : vector<16xi1>, vector<16xf32>
        %broadcast_in_dim3A_499 = arith.constant 48 : i32
        %broadcast_in_dim3A_500 = vector.broadcast %broadcast_in_dim3A_499 : i32 to vector<16xi32>
        %select_n3A_501 = arith.select %gt3A_497, %broadcast_in_dim3A_500, %select_n3A_493 : vector<16xi1>, vector<16xi32>
        %broadcast_in_dim3A_502 = arith.constant 49 : i32
        %broadcast_in_dim3A_503 = vector.broadcast %broadcast_in_dim3A_502 : i32 to vector<16xi32>
        %gather3A_504 = tpu.vector_load_idx %arg6[%add3A_96, %broadcast_in_dim3A_503] : memref<512x64xf32, #tpu.memory_space<vmem>>[vector<16xi32>, vector<16xi32>], vector<16xf32>,
        %gt3A_505 = arith.cmpf ogt, %gather3A_504, %select_n3A_498 : vector<16xf32>
        %select_n3A_506 = arith.select %gt3A_505, %gather3A_504, %select_n3A_498 : vector<16xi1>, vector<16xf32>
        %broadcast_in_dim3A_507 = arith.constant 49 : i32
        %broadcast_in_dim3A_508 = vector.broadcast %broadcast_in_dim3A_507 : i32 to vector<16xi32>
        %select_n3A_509 = arith.select %gt3A_505, %broadcast_in_dim3A_508, %select_n3A_501 : vector<16xi1>, vector<16xi32>
        %broadcast_in_dim3A_510 = arith.constant 50 : i32
        %broadcast_in_dim3A_511 = vector.broadcast %broadcast_in_dim3A_510 : i32 to vector<16xi32>
        %gather3A_512 = tpu.vector_load_idx %arg6[%add3A_96, %broadcast_in_dim3A_511] : memref<512x64xf32, #tpu.memory_space<vmem>>[vector<16xi32>, vector<16xi32>], vector<16xf32>,
        %gt3A_513 = arith.cmpf ogt, %gather3A_512, %select_n3A_506 : vector<16xf32>
        %select_n3A_514 = arith.select %gt3A_513, %gather3A_512, %select_n3A_506 : vector<16xi1>, vector<16xf32>
        %broadcast_in_dim3A_515 = arith.constant 50 : i32
        %broadcast_in_dim3A_516 = vector.broadcast %broadcast_in_dim3A_515 : i32 to vector<16xi32>
        %select_n3A_517 = arith.select %gt3A_513, %broadcast_in_dim3A_516, %select_n3A_509 : vector<16xi1>, vector<16xi32>
        %broadcast_in_dim3A_518 = arith.constant 51 : i32
        %broadcast_in_dim3A_519 = vector.broadcast %broadcast_in_dim3A_518 : i32 to vector<16xi32>
        %gather3A_520 = tpu.vector_load_idx %arg6[%add3A_96, %broadcast_in_dim3A_519] : memref<512x64xf32, #tpu.memory_space<vmem>>[vector<16xi32>, vector<16xi32>], vector<16xf32>,
        %gt3A_521 = arith.cmpf ogt, %gather3A_520, %select_n3A_514 : vector<16xf32>
        %select_n3A_522 = arith.select %gt3A_521, %gather3A_520, %select_n3A_514 : vector<16xi1>, vector<16xf32>
        %broadcast_in_dim3A_523 = arith.constant 51 : i32
        %broadcast_in_dim3A_524 = vector.broadcast %broadcast_in_dim3A_523 : i32 to vector<16xi32>
        %select_n3A_525 = arith.select %gt3A_521, %broadcast_in_dim3A_524, %select_n3A_517 : vector<16xi1>, vector<16xi32>
        %broadcast_in_dim3A_526 = arith.constant 52 : i32
        %broadcast_in_dim3A_527 = vector.broadcast %broadcast_in_dim3A_526 : i32 to vector<16xi32>
        %gather3A_528 = tpu.vector_load_idx %arg6[%add3A_96, %broadcast_in_dim3A_527] : memref<512x64xf32, #tpu.memory_space<vmem>>[vector<16xi32>, vector<16xi32>], vector<16xf32>,
        %gt3A_529 = arith.cmpf ogt, %gather3A_528, %select_n3A_522 : vector<16xf32>
        %select_n3A_530 = arith.select %gt3A_529, %gather3A_528, %select_n3A_522 : vector<16xi1>, vector<16xf32>
        %broadcast_in_dim3A_531 = arith.constant 52 : i32
        %broadcast_in_dim3A_532 = vector.broadcast %broadcast_in_dim3A_531 : i32 to vector<16xi32>
        %select_n3A_533 = arith.select %gt3A_529, %broadcast_in_dim3A_532, %select_n3A_525 : vector<16xi1>, vector<16xi32>
        %broadcast_in_dim3A_534 = arith.constant 53 : i32
        %broadcast_in_dim3A_535 = vector.broadcast %broadcast_in_dim3A_534 : i32 to vector<16xi32>
        %gather3A_536 = tpu.vector_load_idx %arg6[%add3A_96, %broadcast_in_dim3A_535] : memref<512x64xf32, #tpu.memory_space<vmem>>[vector<16xi32>, vector<16xi32>], vector<16xf32>,
        %gt3A_537 = arith.cmpf ogt, %gather3A_536, %select_n3A_530 : vector<16xf32>
        %select_n3A_538 = arith.select %gt3A_537, %gather3A_536, %select_n3A_530 : vector<16xi1>, vector<16xf32>
        %broadcast_in_dim3A_539 = arith.constant 53 : i32
        %broadcast_in_dim3A_540 = vector.broadcast %broadcast_in_dim3A_539 : i32 to vector<16xi32>
        %select_n3A_541 = arith.select %gt3A_537, %broadcast_in_dim3A_540, %select_n3A_533 : vector<16xi1>, vector<16xi32>
        %broadcast_in_dim3A_542 = arith.constant 54 : i32
        %broadcast_in_dim3A_543 = vector.broadcast %broadcast_in_dim3A_542 : i32 to vector<16xi32>
        %gather3A_544 = tpu.vector_load_idx %arg6[%add3A_96, %broadcast_in_dim3A_543] : memref<512x64xf32, #tpu.memory_space<vmem>>[vector<16xi32>, vector<16xi32>], vector<16xf32>,
        %gt3A_545 = arith.cmpf ogt, %gather3A_544, %select_n3A_538 : vector<16xf32>
        %select_n3A_546 = arith.select %gt3A_545, %gather3A_544, %select_n3A_538 : vector<16xi1>, vector<16xf32>
        %broadcast_in_dim3A_547 = arith.constant 54 : i32
        %broadcast_in_dim3A_548 = vector.broadcast %broadcast_in_dim3A_547 : i32 to vector<16xi32>
        %select_n3A_549 = arith.select %gt3A_545, %broadcast_in_dim3A_548, %select_n3A_541 : vector<16xi1>, vector<16xi32>
        %broadcast_in_dim3A_550 = arith.constant 55 : i32
        %broadcast_in_dim3A_551 = vector.broadcast %broadcast_in_dim3A_550 : i32 to vector<16xi32>
        %gather3A_552 = tpu.vector_load_idx %arg6[%add3A_96, %broadcast_in_dim3A_551] : memref<512x64xf32, #tpu.memory_space<vmem>>[vector<16xi32>, vector<16xi32>], vector<16xf32>,
        %gt3A_553 = arith.cmpf ogt, %gather3A_552, %select_n3A_546 : vector<16xf32>
        %select_n3A_554 = arith.select %gt3A_553, %gather3A_552, %select_n3A_546 : vector<16xi1>, vector<16xf32>
        %broadcast_in_dim3A_555 = arith.constant 55 : i32
        %broadcast_in_dim3A_556 = vector.broadcast %broadcast_in_dim3A_555 : i32 to vector<16xi32>
        %select_n3A_557 = arith.select %gt3A_553, %broadcast_in_dim3A_556, %select_n3A_549 : vector<16xi1>, vector<16xi32>
        %broadcast_in_dim3A_558 = arith.constant 56 : i32
        %broadcast_in_dim3A_559 = vector.broadcast %broadcast_in_dim3A_558 : i32 to vector<16xi32>
        %gather3A_560 = tpu.vector_load_idx %arg6[%add3A_96, %broadcast_in_dim3A_559] : memref<512x64xf32, #tpu.memory_space<vmem>>[vector<16xi32>, vector<16xi32>], vector<16xf32>,
        %gt3A_561 = arith.cmpf ogt, %gather3A_560, %select_n3A_554 : vector<16xf32>
        %select_n3A_562 = arith.select %gt3A_561, %gather3A_560, %select_n3A_554 : vector<16xi1>, vector<16xf32>
        %broadcast_in_dim3A_563 = arith.constant 56 : i32
        %broadcast_in_dim3A_564 = vector.broadcast %broadcast_in_dim3A_563 : i32 to vector<16xi32>
        %select_n3A_565 = arith.select %gt3A_561, %broadcast_in_dim3A_564, %select_n3A_557 : vector<16xi1>, vector<16xi32>
        %broadcast_in_dim3A_566 = arith.constant 57 : i32
        %broadcast_in_dim3A_567 = vector.broadcast %broadcast_in_dim3A_566 : i32 to vector<16xi32>
        %gather3A_568 = tpu.vector_load_idx %arg6[%add3A_96, %broadcast_in_dim3A_567] : memref<512x64xf32, #tpu.memory_space<vmem>>[vector<16xi32>, vector<16xi32>], vector<16xf32>,
        %gt3A_569 = arith.cmpf ogt, %gather3A_568, %select_n3A_562 : vector<16xf32>
        %select_n3A_570 = arith.select %gt3A_569, %gather3A_568, %select_n3A_562 : vector<16xi1>, vector<16xf32>
        %broadcast_in_dim3A_571 = arith.constant 57 : i32
        %broadcast_in_dim3A_572 = vector.broadcast %broadcast_in_dim3A_571 : i32 to vector<16xi32>
        %select_n3A_573 = arith.select %gt3A_569, %broadcast_in_dim3A_572, %select_n3A_565 : vector<16xi1>, vector<16xi32>
        %broadcast_in_dim3A_574 = arith.constant 58 : i32
        %broadcast_in_dim3A_575 = vector.broadcast %broadcast_in_dim3A_574 : i32 to vector<16xi32>
        %gather3A_576 = tpu.vector_load_idx %arg6[%add3A_96, %broadcast_in_dim3A_575] : memref<512x64xf32, #tpu.memory_space<vmem>>[vector<16xi32>, vector<16xi32>], vector<16xf32>,
        %gt3A_577 = arith.cmpf ogt, %gather3A_576, %select_n3A_570 : vector<16xf32>
        %select_n3A_578 = arith.select %gt3A_577, %gather3A_576, %select_n3A_570 : vector<16xi1>, vector<16xf32>
        %broadcast_in_dim3A_579 = arith.constant 58 : i32
        %broadcast_in_dim3A_580 = vector.broadcast %broadcast_in_dim3A_579 : i32 to vector<16xi32>
        %select_n3A_581 = arith.select %gt3A_577, %broadcast_in_dim3A_580, %select_n3A_573 : vector<16xi1>, vector<16xi32>
        %broadcast_in_dim3A_582 = arith.constant 59 : i32
        %broadcast_in_dim3A_583 = vector.broadcast %broadcast_in_dim3A_582 : i32 to vector<16xi32>
        %gather3A_584 = tpu.vector_load_idx %arg6[%add3A_96, %broadcast_in_dim3A_583] : memref<512x64xf32, #tpu.memory_space<vmem>>[vector<16xi32>, vector<16xi32>], vector<16xf32>,
        %gt3A_585 = arith.cmpf ogt, %gather3A_584, %select_n3A_578 : vector<16xf32>
        %select_n3A_586 = arith.select %gt3A_585, %gather3A_584, %select_n3A_578 : vector<16xi1>, vector<16xf32>
        %broadcast_in_dim3A_587 = arith.constant 59 : i32
        %broadcast_in_dim3A_588 = vector.broadcast %broadcast_in_dim3A_587 : i32 to vector<16xi32>
        %select_n3A_589 = arith.select %gt3A_585, %broadcast_in_dim3A_588, %select_n3A_581 : vector<16xi1>, vector<16xi32>
        %broadcast_in_dim3A_590 = arith.constant 60 : i32
        %broadcast_in_dim3A_591 = vector.broadcast %broadcast_in_dim3A_590 : i32 to vector<16xi32>
        %gather3A_592 = tpu.vector_load_idx %arg6[%add3A_96, %broadcast_in_dim3A_591] : memref<512x64xf32, #tpu.memory_space<vmem>>[vector<16xi32>, vector<16xi32>], vector<16xf32>,
        %gt3A_593 = arith.cmpf ogt, %gather3A_592, %select_n3A_586 : vector<16xf32>
        %select_n3A_594 = arith.select %gt3A_593, %gather3A_592, %select_n3A_586 : vector<16xi1>, vector<16xf32>
        %broadcast_in_dim3A_595 = arith.constant 60 : i32
        %broadcast_in_dim3A_596 = vector.broadcast %broadcast_in_dim3A_595 : i32 to vector<16xi32>
        %select_n3A_597 = arith.select %gt3A_593, %broadcast_in_dim3A_596, %select_n3A_589 : vector<16xi1>, vector<16xi32>
        %broadcast_in_dim3A_598 = arith.constant 61 : i32
        %broadcast_in_dim3A_599 = vector.broadcast %broadcast_in_dim3A_598 : i32 to vector<16xi32>
        %gather3A_600 = tpu.vector_load_idx %arg6[%add3A_96, %broadcast_in_dim3A_599] : memref<512x64xf32, #tpu.memory_space<vmem>>[vector<16xi32>, vector<16xi32>], vector<16xf32>,
        %gt3A_601 = arith.cmpf ogt, %gather3A_600, %select_n3A_594 : vector<16xf32>
        %select_n3A_602 = arith.select %gt3A_601, %gather3A_600, %select_n3A_594 : vector<16xi1>, vector<16xf32>
        %broadcast_in_dim3A_603 = arith.constant 61 : i32
        %broadcast_in_dim3A_604 = vector.broadcast %broadcast_in_dim3A_603 : i32 to vector<16xi32>
        %select_n3A_605 = arith.select %gt3A_601, %broadcast_in_dim3A_604, %select_n3A_597 : vector<16xi1>, vector<16xi32>
        %broadcast_in_dim3A_606 = arith.constant 62 : i32
        %broadcast_in_dim3A_607 = vector.broadcast %broadcast_in_dim3A_606 : i32 to vector<16xi32>
        %gather3A_608 = tpu.vector_load_idx %arg6[%add3A_96, %broadcast_in_dim3A_607] : memref<512x64xf32, #tpu.memory_space<vmem>>[vector<16xi32>, vector<16xi32>], vector<16xf32>,
        %gt3A_609 = arith.cmpf ogt, %gather3A_608, %select_n3A_602 : vector<16xf32>
        %select_n3A_610 = arith.select %gt3A_609, %gather3A_608, %select_n3A_602 : vector<16xi1>, vector<16xf32>
        %broadcast_in_dim3A_611 = arith.constant 62 : i32
        %broadcast_in_dim3A_612 = vector.broadcast %broadcast_in_dim3A_611 : i32 to vector<16xi32>
        %select_n3A_613 = arith.select %gt3A_609, %broadcast_in_dim3A_612, %select_n3A_605 : vector<16xi1>, vector<16xi32>
        %broadcast_in_dim3A_614 = arith.constant 63 : i32
        %broadcast_in_dim3A_615 = vector.broadcast %broadcast_in_dim3A_614 : i32 to vector<16xi32>
        %gather3A_616 = tpu.vector_load_idx %arg6[%add3A_96, %broadcast_in_dim3A_615] : memref<512x64xf32, #tpu.memory_space<vmem>>[vector<16xi32>, vector<16xi32>], vector<16xf32>,
        %gt3A_617 = arith.cmpf ogt, %gather3A_616, %select_n3A_610 : vector<16xf32>
        %select_n3A_618 = arith.select %gt3A_617, %gather3A_616, %select_n3A_610 : vector<16xi1>, vector<16xf32>
        %broadcast_in_dim3A_619 = arith.constant 63 : i32
        %broadcast_in_dim3A_620 = vector.broadcast %broadcast_in_dim3A_619 : i32 to vector<16xi32>
        %select_n3A_621 = arith.select %gt3A_617, %broadcast_in_dim3A_620, %select_n3A_613 : vector<16xi1>, vector<16xi32>
        tpu.vector_store_idx %arg6[%add3A_96, %select_n3A_621], %broadcast_in_dim3A_77 : memref<512x64xf32, #tpu.memory_space<vmem>>[vector<16xi32>, vector<16xi32>], vector<16xf32>,
        tpu.vector_store_idx %arg7[%select_n3A_621], %broadcast_in_dim3A_79 {add = true} : memref<64xi32, #tpu.memory_space<vmem>>[vector<16xi32>], vector<16xi32>,
      }
    }
    %mul3A_90 = arith.constant 64 : i32
    %mul3A_91 = arith.muli %add3A, %mul3A_90 : i32
    "tpu.region"() ({
      %run_scoped3A = tpu.sem_alloc : memref<!tpu.dma_semaphore, #tpu.memory_space<semaphore_mem>>
      %dma_start3A_92 = tpu.memref_slice %arg4[%mul3A_91] : memref<2048xi32, #tpu.memory_space<hbm>> -> memref<64xi32, #tpu.memory_space<hbm>>
      %dma_start3A_93 = tpu.memref_slice %arg4[%mul3A_91] : memref<2048xi32, #tpu.memory_space<hbm>> -> memref<64xi32, #tpu.memory_space<hbm>>
      tpu.enqueue_dma source(%arg7 : memref<64xi32, #tpu.memory_space<vmem>>) target(%dma_start3A_93 : memref<64xi32, #tpu.memory_space<hbm>>) target_semaphore(%run_scoped3A : memref<!tpu.dma_semaphore, #tpu.memory_space<semaphore_mem>>)
      %dma_wait3A_94 = tpu.memref_slice %arg4[%mul3A_91] : memref<2048xi32, #tpu.memory_space<hbm>> -> memref<64xi32, #tpu.memory_space<hbm>>
      %dma_wait3A_95 = tpu.memref_slice %arg4[%mul3A_91] : memref<2048xi32, #tpu.memory_space<hbm>> -> memref<64xi32, #tpu.memory_space<hbm>>
      tpu.wait_dma2 semaphore(%run_scoped3A : memref<!tpu.dma_semaphore, #tpu.memory_space<semaphore_mem>>) src(%arg7 : memref<64xi32, #tpu.memory_space<vmem>>) dst(%dma_wait3A_95 : memref<64xi32, #tpu.memory_space<hbm>>)
      tpu.yield
    }) : () -> ()
    return
  }
}

</mosaic_0001>

<sc_bundles>
// kernel: _sc_call.3.cloned.1.call-start
scs
__scs_entry_jumppad:
0x0: {  	(pc) =	sbr.rel $0x88, $3  }
0x1: {  	(tag) =	ssettag $0x0;
	lr =	simm.s32 $0x1  }
0x2: {  	[smem:$0x3F9F] =	sst lr;
	_ =	strace $0xD0000000  }
0x3: {  	_ = 	snop  }
0x4: {  	_ = 	snop  }
0x5: {  	_ = 	snop  }
0x6: {  	_ = 	snop  }
0x7: {  	_ = 	snop  }
__scs_overlays_trampoline_lowered:
0x8: {  	[smem:$0x3FAE] =	sst s0  }
0x9: {  	[smem:$0x3FAF] =	sst s1  }
0xa: {  	[smem:$0x3FB0] =	sst s2  }
0xb: {  	[smem:$0x3FB1] =	sst s3  }
0xc: {  	[smem:$0x3FB2] =	sst s4  }
0xd: {  	[smem:$0x3FB3] =	sst s5  }
0xe: {  	[smem:$0x3FB4] =	sst s6  }
0xf: {  	[smem:$0x3FB5] =	sst s7  }
0x10: {  	[smem:$0x3FB6] =	sst s8  }
0x11: {  	[smem:$0x3FB7] =	sst s9;
	s0 =	simm.s32 @!p0 $0x0  }
0x12: {  	s1 =	sld [smem:$0x3F9D];
	s0 =	simm.s32 @p0 $0x1  }
0x13: {  	[smem:$0x3FB8] =	sst s0;
	s0 =	simm.s32 @!p1 $0x0  }
0x14: {  	s2 =	sld [smem:$0x3F9C];
	s0 =	simm.s32 @p1 $0x1  }
0x15: {  	[smem:$0x3FB9] =	sst s0;
	s0 =	simm.s32 @!p2 $0x0  }
0x16: {  	s3 =	sld [smem:$0x3FDB];
	s0 =	simm.s32 @p2 $0x1  }
0x17: {  	s4 =	simm.s32 $0x1BF5;
	[smem:$0x3FBB] =	sst s0  }
0x18: {  	s0 =	sld [smem:$0x3F9E];
	_ =	swait.ge [sflag:s4], $0x0  }
0x19: {  	s7 =	sld [smem:$0x3F9F]  }
0x1a: {  	s8 =	sadd.s32 $0xFFFFE003, lr  }
0x1b: {  	s9 =	sadd.s32 $0xFFFFFEF7, lr;
	s5 =	simm.s32 $0xFFFFFFFF;
	p2 =	slt.u32 s8, $0xFFFFF086  }
0x1c: {  	p1 =	slt.u32 s9, $0xF7A;
	s5 =	simm.s32 @!p2 $0x0  }
0x1d: {  	s5 =	simm.s32 @p1 $0x1;
	p0 =	seq.s32 s7, s2  }
0x1e: {  	s7 =	smul.u32 @!p0 $0xF7A, s2;
	p2 =	seq.s32 @!p0 s5, $0x0  }
0x1f: {  	s9 =	smul.u32 $0xF7A, s1;
	s8 =	simm.s32 @!p0 $0x1BF5;
	p2 =	por !p2, p0  }
0x20: {  	[sflag:s8] =	ssyncset.s32 @!p0 $0xFFFFF086;
	s6 =	sadd.s32 @!p0 s3, s7;
	s7 =	simm.s32 @!p0 $0x108  }
0x21: {  	s3 =	sadd.s32 s3, s9;
	s6 =	sadd.s32 @!p0 $0x88, s6;
	s7 =	simm.s32 @p2 $0x1082  }
0x22: {  	[simem:s7], [sflag:s8] =	dma.local @!p0 [hbm:s6], $0xF7A  }
0x23: {  	s9 =	sor.u32 $0xD0000000, s2;
	s6 =	simm.s32 $0x108;
	_ =	swait.ge @!p0 [sflag:s8], $0x0  }
0x24: {  	s3 =	sadd.s32 $0x88, s3;
	s6 =	simm.s32 @!p1 $0x1082;
	[sflag:s4] =	ssyncset.s32 $0xFFFFF086  }
0x25: {  	[simem:s6], [sflag:s4] =	dma.local [hbm:s3], $0xF7A  }
0x26: {  	[smem:$0x3F9F] =	sst s1;
	(tag) =	ssettag s2;
	_ =	strace s9  }
0x27: {  	s1 =	sld [smem:$0x3FAF]  }
0x28: {  	s2 =	sld [smem:$0x3FB0]  }
0x29: {  	s4 =	sld [smem:$0x3FB2]  }
0x2a: {  	p0 =	seq.s32 s5, $0x0;
	s5 =	sld [smem:$0x3FB3]  }
0x2b: {  	s6 =	sld [smem:$0x3FB4]  }
0x2c: {  	s7 =	sld [smem:$0x3FB5]  }
0x2d: {  	s3 =	simm.s32 $0x108;
	s8 =	sld [smem:$0x3FB6]  }
0x2e: {  	s3 =	simm.s32 @!p0 $0x1082;
	s9 =	sld [smem:$0x3FB7]  }
0x2f: {  	lr =	sadd.s32 s0, s3;
	s0 =	sld [smem:$0x3FAE]  }
0x30: {  	s3 =	sld [smem:$0x3FB1]  }
0x31: {  	[smem:$0x3FBA] =	sst s10  }
0x32: {  	s10 =	sld [smem:$0x3FB8];
	_ =	sdelay $0x3  }
0x33: {  	p0 =	seq.s32 s10, $0x1;
	s10 =	sld [smem:$0x3FBA];
	_ =	sdelay $0x3  }
0x34: {  	[smem:$0x3FBA] =	sst s10  }
0x35: {  	s10 =	sld [smem:$0x3FB9];
	_ =	sdelay $0x3  }
0x36: {  	p1 =	seq.s32 s10, $0x1;
	s10 =	sld [smem:$0x3FBA];
	_ =	sdelay $0x3  }
0x37: {  	[smem:$0x3FBA] =	sst s10  }
0x38: {  	s10 =	sld [smem:$0x3FBB]  }
0x39: {  	_ = 	snop;
	(pc) =	sbr.ind lr, $3  }
0x3a: {  	_ = 	snop  }
0x3b: {  	_ = 	snop  }
0x3c: {  	p2 =	seq.s32 s10, $0x1;
	s10 =	sld [smem:$0x3FBA]  }
0x3d: {  	_ =	shalt  }
0x3e: {  	_ =	shalt  }
0x3f: {  	_ =	shalt  }
0x40: {  	_ =	shalt  }
0x41: {  	_ =	shalt  }
0x42: {  	_ =	shalt  }
0x43: {  	_ =	shalt  }
0x44: {  	_ =	shalt  }
0x45: {  	_ =	shalt  }
0x46: {  	_ =	shalt  }
0x47: {  	_ =	shalt  }
0x48: {  	_ =	shalt  }
0x49: {  	_ =	shalt  }
0x4a: {  	_ =	shalt  }
0x4b: {  	_ =	shalt  }
0x4c: {  	_ =	shalt  }
0x4d: {  	_ =	shalt  }
0x4e: {  	_ =	shalt  }
0x4f: {  	_ =	shalt  }
0x50: {  	_ =	shalt  }
0x51: {  	_ =	shalt  }
0x52: {  	_ =	shalt  }
0x53: {  	_ =	shalt  }
0x54: {  	_ =	shalt  }
0x55: {  	_ =	shalt  }
0x56: {  	_ =	shalt  }
0x57: {  	_ =	shalt  }
0x58: {  	_ =	shalt  }
0x59: {  	_ =	shalt  }
0x5a: {  	_ =	shalt  }
0x5b: {  	_ =	shalt  }
0x5c: {  	_ =	shalt  }
0x5d: {  	_ =	shalt  }
0x5e: {  	_ =	shalt  }
0x5f: {  	_ =	shalt  }
0x60: {  	_ =	shalt  }
0x61: {  	_ =	shalt  }
0x62: {  	_ =	shalt  }
0x63: {  	_ =	shalt  }
0x64: {  	_ =	shalt  }
0x65: {  	_ =	shalt  }
0x66: {  	_ =	shalt  }
0x67: {  	_ =	shalt  }
0x68: {  	_ =	shalt  }
0x69: {  	_ =	shalt  }
0x6a: {  	_ =	shalt  }
0x6b: {  	_ =	shalt  }
0x6c: {  	_ =	shalt  }
0x6d: {  	_ =	shalt  }
0x6e: {  	_ =	shalt  }
0x6f: {  	_ =	shalt  }
0x70: {  	_ =	shalt  }
0x71: {  	_ =	shalt  }
0x72: {  	_ =	shalt  }
0x73: {  	_ =	shalt  }
0x74: {  	_ =	shalt  }
0x75: {  	_ =	shalt  }
0x76: {  	_ =	shalt  }
0x77: {  	_ =	shalt  }
0x78: {  	_ =	shalt  }
0x79: {  	_ =	shalt  }
0x7a: {  	_ =	shalt  }
0x7b: {  	_ =	shalt  }
0x7c: {  	_ =	shalt  }
0x7d: {  	_ =	shalt  }
0x7e: {  	_ =	shalt  }
0x7f: {  	_ =	shalt  }
0x80: {  	_ =	shalt  }
0x81: {  	_ =	shalt  }
0x82: {  	_ =	shalt  }
0x83: {  	_ =	shalt  }
0x84: {  	_ =	shalt  }
0x85: {  	_ =	shalt  }
0x86: {  	_ =	shalt  }
0x87: {  	_ =	shalt  }
.Lfunc_end0:
.L_simem_size_0:
called_computation_lowered:
.L_overlay_start_0:
0x88: {  	s2 =	sld [smem:$0x3FD9]  }
0x89: {  	s3 =	sld [smem:$0x3FFE];
	_ =	sdelay $0x1  }
0x8a: {  	s1 =	srdreg.scid  }
0x8b: {  	s0 =	sand.u32 $0x1, s1  }
0x8c: {  	s14 =	sshll.u32 s0, $0xA;
	s2 =	sadd.s32 s3, s2  }
0x8d: {  	s2 =	sadd.s32 s2, s14  }
0x8e: {  	[smem:$0x3FC6] =	sst s2  }
0x8f: {  	_ = 	snop  }
0x90: {  	s2 =	sld [smem:$0x3FD0];
	_ =	sdelay $0x2  }
0x91: {  	s4 =	simm.s32 $0xA;
	s5 =	simm.s32 $0x10;
	s15 =	sld [smem:$0x3FC8]  }
0x92: {  	[smem:s5], [sflag:s4] =	dma.local [hbm:s2], $0x1  }
0x93: {  	_ =	swait.eq [sflag:s4], $0x1  }
0x94: {  	[sflag:s4] =	ssyncset.done $0x0  }
0x95: {  	s16 =	sld [smem:$0x10];
	[sflag:s4] =	ssyncadd.s32 $0xFFFFFFFF  }
0x96: {  	s17 =	sld [smem:$0x11];
	(tm) =	ssettm $0x1  }
0x97: {  	s18 =	sld [smem:$0x3FFB];
	_ =	sdelay $0x3  }
0x98: {  	_ =	strace s18  }
0x99: {  	s5 =	sld [smem:$0x3FFC];
	_ =	sdelay $0x3  }
0x9a: {  	_ =	strace s5  }
0x9b: {  	s5 =	sld [smem:$0x3FFD];
	_ =	sdelay $0x3  }
0x9c: {  	_ =	strace s5  }
0x9d: {  	_ =	strace $0x8FFFFFFF  }
0x9e: {  	s19 =	sld [smem:$0x3FDB];
	_ =	sdelay $0x1  }
0x9f: {  	s6 =	simm.s32 $_scs_section_size  }
0xa0: {  	s7 =	simm.s32 $_size__tile_overlayer_lowered;
	s8 =	simm.s32 $_tile_overlayer_lowered  }
0xa1: {  	s22 =	simm.s32 $0x1BFF;
	s21 =	sshll.u32 s8, $0x1;
	s5 =	sadd.s32 s6, s19  }
0xa2: {  	s9 =	simm.s32 $0x0;
	s20 =	sshll.u32 s7, $0x1;
	s7 =	sadd.s32 s21, s5  }
0xa3: {  	[timem:s9], [sflag:s22] =	dma.local [hbm:s7], s20  }
0xa4: {  	_ =	swait.ge [sflag:s22], s20  }
0xa5: {  	s6 =	ssub.s32 $0x0, s20;
	[sflag:s22] =	ssyncset.done $0x0  }
0xa6: {  	[sflag:s22] =	ssyncadd.s32 s6;
	_ =	sdelay $0x1  }
0xa7: {  	s23 =	simm.s32 $0x1B8B  }
0xa8: {  	_ =	swait.ge [sflag:s23], $0x1  }
0xa9: {  	[sflag:s23] =	ssyncset.done $0x0  }
0xaa: {  	s25 =	simm.s32 $0x1B8E;
	s24 =	sld [smem:$0x3FFE];
	[sflag:s23] =	ssyncadd.s32 $0xFFFFFFFF  }
0xab: {  	s26 =	simm.s32 $execute0_lowered;
	[smem:$0x3FD2] =	sst s25  }
0xac: {  	s7 =	sshll.u32 s26, $0x1;
	_ =	strace $0x80000046;
	[dreg:$0x1] =	wrdreg $0xFFFFFFFF  }
0xad: {  	s28 =	simm.s32 $_size_execute0_lowered;
	s5 =	sadd.s32 s5, s7;
	[dreg:$0x0] =	wrdreg $0x0  }
0xae: {  	s7 =	sshll.u32 s28, $0x1;
	[dreg:$0x2] =	wrdreg s5  }
0xaf: {  	[dreg:$0x3] =	wrdreg s7  }
0xb0: {  	[dreg:$0x4] =	wrdreg $0xC0  }
0xb1: {  	_ =	task [dreg:s9], $0x5FFFF  }
0xb2: {  	[dreg:$0x1] =	wrdreg $0xFFFFFFFF  }
0xb3: {  	[dreg:$0x0] =	wrdreg $0x60  }
0xb4: {  	[dreg:$0x2] =	wrdreg s24  }
0xb5: {  	[dreg:$0x3] =	wrdreg s15  }
0xb6: {  	[dreg:$0x4] =	wrdreg s16  }
0xb7: {  	[dreg:$0x5] =	wrdreg s17  }
0xb8: {  	[dreg:$0x6] =	wrdreg $0x9  }
0xb9: {  	_ =	task.clear_ibuf [dreg:s9], $0x7FFFF;
	_ =	strace $0x90000046  }
0xba: {  	s29 =	simm.s32 $0x9;
	_ =	strace $0x80000048  }
0xbb: {  	_ =	swait.ge [sflag:s29], $0x1  }
0xbc: {  	[sflag:s29] =	ssyncadd.s32 $0xFFFFFFFF  }
0xbd: {  	_ =	strace $0x90000048  }
0xbe: {  	_ =	sfence  }
0xbf: {  	s30 =	sld [smem:$0x0];
	_ =	sdelay $0x2  }
0xc0: {  	s31 =	sshll.u32 s1, $0xD;
	s1 =	sshrl.u32 s1, $0x2  }
0xc1: {  	s3 =	sand.u32 $0x4000, s31;
	s1 =	sadd.s32 s1, s30  }
0xc2: {  	s0 =	sor.u32 s3, s0;
	s1 =	sshll.u32 s1, $0x11  }
0xc3: {  	s0 =	sor.u32 s1, s0  }
0xc4: {  	s0 =	sadd.s32 $0x8F2B, s0  }
0xc5: {  	[sflag:s0] =	ssyncadd.remote.s32 $0x1  }
0xc6: {  	_ =	sfence.sel $0xFFFF  }
0xc7: {  	[dreg:$0x0] =	wrdreg $0xFFFFFFFF;
	(pc) =	sbr.abs _section_cstart, $3  }
0xc8: {  	[dreg:$0x1] =	wrdreg $0xFFFFFFFF  }
0xc9: {  	_ =	task.clear_ibuf [dreg:s9], $0x2FFFF;
	_ =	strace $0x9FFFFFFF  }
0xca: {  	(tm) =	ssettm $0x7FFFFFFF  }
0xcb: {  	_ =	shalt  }
tec
execute0_lowered:
.L_overlay_start_1:
0x0: {  	(tag) =	ssettag $0x1  }
0x1: {  	s3 =	rddreg [dreg:$0x0]  }
0x2: {  	s4 =	rddreg [dreg:$0x1]  }
0x3: {  	s9 =	rddreg [dreg:$0x2]  }
0x4: {  	s5 =	rddreg [dreg:$0x3]  }
0x5: {  	s0 =	rddreg [dreg:$0x4];
	s2 =	simm.s32 $0x0;
	s6 =	srdreg.scid  }
0x6: {  	s1 =	stileid.u32;
	s13 =	simm.s32 $0x3;
	s14 =	simm.s32 $0x1  }
0x7: {  	s15 =	simm.s32 $0x10000;
	s16 =	simm.s32 $0x0;
	[smem:$0x7FF] =	sst s2  }
0x8: {  	s6 =	sand.u32 $0x1, s6;
	s7 =	sshll.u32 s1, $0x1;
	s10 =	sshll.u32 s1, $0xC  }
0x9: {  	_ =	strace $0x80000047;
	s8 =	sor.u32 s6, s7;
	s6 =	ssub.s32 $0x2, s6  }
0xa: {  	s7 =	sshll.u32 s8, $0x9;
	s11 =	sshll.u32 s8, $0xD;
	s12 =	sshrl.u32 s6, $0x1  }
0xb: {  	s31 =	sshll.u32 s8, $0x3;
	s10 =	sor.u32 s10, s7;
	s3 =	sadd.s32 s11, s3  }
0xc: {  	v0 =	vlaneseq.u32;
	s29 =	ssub.s32 s6, s12;
	s4 =	sadd.s32 s4, s7;
	s9 =	sadd.s32 s9, s31  }
0xd: {  	v0 =	vmul.u32 $0x80, v0;
	s11 =	simm.s32 $0x10080;
	s12 =	simm.s32 $0x2;
	s30 =	sand.u32 $0xCE00, s10  }
0xe: {  	s3 =	sadd.s32 $0x600, s3;
	s10 =	smax.u32 s29, $0x1;
	s5 =	sadd.s32 s5, s30  }
0xf: {  	v10 =	vimm.s32 $0x0;
	v7 =	vimm.f32 $-Inf;
	v8 =	vimm.s32 $0x4;
	[tilespmem:$0x1FFF0] =	vst v0;
	s6 =	sadd.s32 $0x1000, s5;
	s7 =	sadd.s32 $0x2000, s5;
	s8 =	sadd.s32 $0x3000, s5  }
.LBB2_1:
0x10: {  	[tilespmem:s2], [sflag:$0x1] =	stream.linear.gather [hbm4b:s3+s2], $0x10000, $0x38;
	[tilespmem:$0x11080] =	vst v63  }
0x11: {  	_ = 	snop  }
0x12: {  	[tilespmem:s11], [sflag:$0x2] =	stream.linear.gather [hbm4b:s4+s2], $0x1000, $0x38;
	[tilespmem:$0x11080] =	vst v63  }
0x13: {  	_ =	swait.ge [sflag:s12], $0x1000  }
0x14: {  	[sflag:s12] =	ssyncset.done $0x0  }
0x15: {  	[sflag:s12] =	ssyncadd.s32 $0xFFFFF000  }
0x16: {  	[hbm4b:s5+s2] =	stream.linear.scatter [tilespmem:s11], [sflag:$0x3], $0x1000, $0x38;
	[tilespmem:$0x11080] =	vst v63  }
0x17: {  	_ =	swait.ge [sflag:s13], $0x1000  }
0x18: {  	[sflag:s13] =	ssyncset.done $0x0  }
0x19: {  	[sflag:s13] =	ssyncadd.s32 $0xFFFFF000  }
0x1a: {  	[hbm4b:s6+s2] =	stream.linear.scatter [tilespmem:s11], [sflag:$0x3], $0x1000, $0x38;
	[tilespmem:$0x11080] =	vst v63  }
0x1b: {  	_ =	swait.ge [sflag:s13], $0x1000  }
0x1c: {  	[sflag:s13] =	ssyncset.done $0x0  }
0x1d: {  	[sflag:s13] =	ssyncadd.s32 $0xFFFFF000  }
0x1e: {  	[hbm4b:s7+s2] =	stream.linear.scatter [tilespmem:s11], [sflag:$0x3], $0x1000, $0x38;
	[tilespmem:$0x11080] =	vst v63  }
0x1f: {  	_ =	swait.ge [sflag:s13], $0x1000  }
0x20: {  	[sflag:s13] =	ssyncset.done $0x0  }
0x21: {  	[sflag:s13] =	ssyncadd.s32 $0xFFFFF000  }
0x22: {  	[hbm4b:s8+s2] =	stream.linear.scatter [tilespmem:s11], [sflag:$0x3], $0x1000, $0x38;
	[tilespmem:$0x11080] =	vst v63  }
0x23: {  	_ =	swait.ge [sflag:s13], $0x1000  }
0x24: {  	[sflag:s13] =	ssyncset.done $0x0  }
0x25: {  	[sflag:s13] =	ssyncadd.s32 $0xFFFFF000  }
0x26: {  	[tilespmem:$0x10000] =	vst v10  }
0x27: {  	[tilespmem:$0x10010] =	vst v10  }
0x28: {  	[tilespmem:$0x10020] =	vst v10  }
0x29: {  	[tilespmem:$0x10030] =	vst v10  }
0x2a: {  	_ =	swait.ge [sflag:s14], $0x10000  }
0x2b: {  	[sflag:s14] =	ssyncset.done $0x0  }
0x2c: {  	s17 =	simm.s32 $0x0;
	[sflag:s14] =	ssyncadd.s32 $0xFFFF0000  }
.LBB2_2:
0x2d: {  	v1 =	vld [tilespmem:$0x1FFF0];
	_ =	sdelay $0x1  }
0x2e: {  	s18 =	sshll.u32 s17, $0x4  }
0x2f: {  	v0 =	vmov s18  }
0x30: {  	v0 =	vshll.u32 v0, $0x7  }
0x31: {  	v4 =	vor.u32 v1, v0;
	_ =	sdelay $0x1  }
0x32: {  	v1 =	vor.u32 $0x1, v4;
	_ =	sdelay $0x1  }
0x33: {  	v2 =	vor.u32 $0x2, v4  }
0x34: {  	v0 =	vld.idx.msk [tilespmem:v4+s2+$0x0], $0xffff  }
0x35: {  	v3 =	vor.u32 $0x3, v4  }
0x36: {  	[tilespmem:$0x1FDA0] =	vst v1;
	v1 =	vld.idx.msk [tilespmem:v1+s2+$0x0], $0xffff  }
0x37: {  	v5 =	vor.u32 $0x4, v4  }
0x38: {  	[tilespmem:$0x1FDB0] =	vst v2;
	v2 =	vld.idx.msk [tilespmem:v2+s2+$0x0], $0xffff  }
0x39: {  	v6 =	vor.u32 $0x5, v4;
	vm0 =	vgt.f32 v0, $-Inf  }
0x3a: {  	[tilespmem:$0x1FDC0] =	vst v3;
	v3 =	vld.idx.msk [tilespmem:v3+s2+$0x0], $0xffff;
	v0 =	vnsel vm0, $0xFF800000, v0  }
0x3b: {  	v9 =	vor.u32 $0x6, v4;
	vm0 =	vgt.f32 v1, v0  }
0x3c: {  	[tilespmem:$0x1FDD0] =	vst v5;
	v5 =	vld.idx.msk [tilespmem:v5+s2+$0x0], $0xffff;
	v0 =	vsel vm0, v1, v0  }
0x3d: {  	v14 =	vor.u32 $0x7, v4;
	vm1 =	vgt.f32 v2, v0  }
0x3e: {  	v1 =	vld.idx.msk [tilespmem:v6+s2+$0x0], $0xffff;
	v0 =	vsel vm1, v2, v0  }
0x3f: {  	[tilespmem:$0x1FDE0] =	vst v6;
	v6 =	vor.u32 $0x8, v4;
	vm2 =	vgt.f32 v3, v0  }
0x40: {  	v2 =	vld.idx.msk [tilespmem:v9+s2+$0x0], $0xffff;
	v0 =	vsel vm2, v3, v0  }
0x41: {  	[tilespmem:$0x1FDF0] =	vst v9;
	v9 =	vor.u32 $0x9, v4;
	vm3 =	vgt.f32 v5, v0  }
0x42: {  	v3 =	vld.idx.msk [tilespmem:v14+s2+$0x0], $0xffff;
	v0 =	vsel vm3, v5, v0  }
0x43: {  	v13 =	vmov v14;
	v14 =	vor.u32 $0xA, v4;
	vm4 =	vgt.f32 v1, v0  }
0x44: {  	v5 =	vld.idx.msk [tilespmem:v6+s2+$0x0], $0xffff;
	v0 =	vsel vm4, v1, v0  }
0x45: {  	v15 =	vor.u32 $0xB, v4;
	vm5 =	vgt.f32 v2, v0  }
0x46: {  	v1 =	vld.idx.msk [tilespmem:v9+s2+$0x0], $0xffff;
	v0 =	vsel vm5, v2, v0  }
0x47: {  	v16 =	vor.u32 $0xC, v4;
	vm6 =	vgt.f32 v3, v0  }
0x48: {  	v2 =	vld.idx.msk [tilespmem:v14+s2+$0x0], $0xffff;
	v0 =	vsel vm6, v3, v0  }
0x49: {  	v17 =	vor.u32 $0xD, v4;
	vm7 =	vgt.f32 v5, v0  }
0x4a: {  	v3 =	vld.idx.msk [tilespmem:v15+s2+$0x0], $0xffff;
	v0 =	vsel vm7, v5, v0  }
0x4b: {  	vm8 =	vgt.f32 v1, v0  }
0x4c: {  	v18 =	vor.u32 $0xE, v4;
	v5 =	vld.idx.msk [tilespmem:v16+s2+$0x0], $0xffff;
	v0 =	vsel vm8, v1, v0  }
0x4d: {  	vm9 =	vgt.f32 v2, v0  }
0x4e: {  	v19 =	vor.u32 $0xF, v4;
	v1 =	vld.idx.msk [tilespmem:v17+s2+$0x0], $0xffff;
	v0 =	vsel vm9, v2, v0  }
0x4f: {  	v2 =	vimm.s32 $0x0;
	vm10 =	vgt.f32 v3, v0  }
0x50: {  	v20 =	vor.u32 $0x10, v4;
	v2 =	vsel vm10, $0xFFFFFFFF, v2;
	v0 =	vsel vm10, v3, v0  }
0x51: {  	v3 =	vimm.s32 $0x0;
	[tilespmem:$0x1FE00] =	vst v2;
	v2 =	vld.idx.msk [tilespmem:v18+s2+$0x0], $0xffff;
	vm10 =	vgt.f32 v5, v0  }
0x52: {  	v3 =	vsel vm10, $0xFFFFFFFF, v3;
	v0 =	vsel vm10, v5, v0  }
0x53: {  	v21 =	vor.u32 $0x11, v4;
	v5 =	vimm.s32 $0x0;
	[tilespmem:$0x1FE10] =	vst v3;
	v3 =	vld.idx.msk [tilespmem:v19+s2+$0x0], $0xffff;
	vm10 =	vgt.f32 v1, v0  }
0x54: {  	v5 =	vsel vm10, $0xFFFFFFFF, v5  }
0x55: {  	v22 =	vor.u32 $0x12, v4;
	v0 =	vsel vm10, v1, v0;
	[tilespmem:$0x1FE20] =	vst v5;
	v5 =	vld.idx.msk [tilespmem:v20+s2+$0x0], $0xffff  }
0x56: {  	v1 =	vimm.s32 $0x0;
	vm10 =	vgt.f32 v2, v0  }
0x57: {  	v23 =	vor.u32 $0x13, v4;
	v1 =	vsel vm10, $0xFFFFFFFF, v1;
	v0 =	vsel vm10, v2, v0  }
0x58: {  	v2 =	vimm.s32 $0x0;
	[tilespmem:$0x1FE30] =	vst v1;
	v1 =	vld.idx.msk [tilespmem:v21+s2+$0x0], $0xffff;
	vm10 =	vgt.f32 v3, v0  }
0x59: {  	v2 =	vsel vm10, $0xFFFFFFFF, v2;
	v0 =	vsel vm10, v3, v0  }
0x5a: {  	v24 =	vor.u32 $0x14, v4;
	v3 =	vimm.s32 $0x0;
	[tilespmem:$0x1FE40] =	vst v2;
	v2 =	vld.idx.msk [tilespmem:v22+s2+$0x0], $0xffff;
	vm10 =	vgt.f32 v5, v0  }
0x5b: {  	v3 =	vsel vm10, $0xFFFFFFFF, v3  }
0x5c: {  	v25 =	vor.u32 $0x15, v4;
	v0 =	vsel vm10, v5, v0;
	[tilespmem:$0x1FE50] =	vst v3;
	v3 =	vld.idx.msk [tilespmem:v23+s2+$0x0], $0xffff  }
0x5d: {  	v5 =	vimm.s32 $0x0;
	vm10 =	vgt.f32 v1, v0  }
0x5e: {  	v26 =	vor.u32 $0x16, v4;
	v5 =	vsel vm10, $0xFFFFFFFF, v5;
	v0 =	vsel vm10, v1, v0  }
0x5f: {  	v1 =	vimm.s32 $0x0;
	[tilespmem:$0x1FE60] =	vst v5;
	v5 =	vld.idx.msk [tilespmem:v24+s2+$0x0], $0xffff;
	vm10 =	vgt.f32 v2, v0  }
0x60: {  	v1 =	vsel vm10, $0xFFFFFFFF, v1;
	v0 =	vsel vm10, v2, v0  }
0x61: {  	v27 =	vor.u32 $0x17, v4;
	v2 =	vimm.s32 $0x0;
	[tilespmem:$0x1FE70] =	vst v1;
	v1 =	vld.idx.msk [tilespmem:v25+s2+$0x0], $0xffff;
	vm10 =	vgt.f32 v3, v0  }
0x62: {  	v2 =	vsel vm10, $0xFFFFFFFF, v2  }
0x63: {  	v28 =	vor.u32 $0x18, v4;
	v0 =	vsel vm10, v3, v0;
	[tilespmem:$0x1FE80] =	vst v2;
	v2 =	vld.idx.msk [tilespmem:v26+s2+$0x0], $0xffff  }
0x64: {  	v3 =	vimm.s32 $0x0;
	vm10 =	vgt.f32 v5, v0  }
0x65: {  	v29 =	vor.u32 $0x19, v4;
	v3 =	vsel vm10, $0xFFFFFFFF, v3;
	v0 =	vsel vm10, v5, v0  }
0x66: {  	v5 =	vimm.s32 $0x0;
	[tilespmem:$0x1FE90] =	vst v3;
	v3 =	vld.idx.msk [tilespmem:v27+s2+$0x0], $0xffff;
	vm10 =	vgt.f32 v1, v0  }
0x67: {  	v5 =	vsel vm10, $0xFFFFFFFF, v5;
	v0 =	vsel vm10, v1, v0  }
0x68: {  	v30 =	vor.u32 $0x1A, v4;
	v1 =	vimm.s32 $0x0;
	[tilespmem:$0x1FEA0] =	vst v5;
	v5 =	vld.idx.msk [tilespmem:v28+s2+$0x0], $0xffff;
	vm10 =	vgt.f32 v2, v0  }
0x69: {  	v1 =	vsel vm10, $0xFFFFFFFF, v1  }
0x6a: {  	v31 =	vor.u32 $0x1B, v4;
	v0 =	vsel vm10, v2, v0;
	[tilespmem:$0x1FEB0] =	vst v1;
	v1 =	vld.idx.msk [tilespmem:v29+s2+$0x0], $0xffff  }
0x6b: {  	v2 =	vimm.s32 $0x0;
	vm10 =	vgt.f32 v3, v0  }
0x6c: {  	v32 =	vor.u32 $0x1C, v4;
	v2 =	vsel vm10, $0xFFFFFFFF, v2;
	v0 =	vsel vm10, v3, v0  }
0x6d: {  	v3 =	vimm.s32 $0x0;
	[tilespmem:$0x1FEC0] =	vst v2;
	v2 =	vld.idx.msk [tilespmem:v30+s2+$0x0], $0xffff;
	vm10 =	vgt.f32 v5, v0  }
0x6e: {  	v3 =	vsel vm10, $0xFFFFFFFF, v3;
	v0 =	vsel vm10, v5, v0  }
0x6f: {  	v33 =	vor.u32 $0x1D, v4;
	v5 =	vimm.s32 $0x0;
	[tilespmem:$0x1FED0] =	vst v3;
	v3 =	vld.idx.msk [tilespmem:v31+s2+$0x0], $0xffff;
	vm10 =	vgt.f32 v1, v0  }
0x70: {  	v5 =	vsel vm10, $0xFFFFFFFF, v5  }
0x71: {  	v34 =	vor.u32 $0x1E, v4;
	v0 =	vsel vm10, v1, v0;
	[tilespmem:$0x1FEE0] =	vst v5;
	v5 =	vld.idx.msk [tilespmem:v32+s2+$0x0], $0xffff  }
0x72: {  	v1 =	vimm.s32 $0x0;
	vm10 =	vgt.f32 v2, v0  }
0x73: {  	v35 =	vor.u32 $0x1F, v4;
	v1 =	vsel vm10, $0xFFFFFFFF, v1;
	v0 =	vsel vm10, v2, v0  }
0x74: {  	v2 =	vimm.s32 $0x0;
	[tilespmem:$0x1FEF0] =	vst v1;
	v1 =	vld.idx.msk [tilespmem:v33+s2+$0x0], $0xffff;
	vm10 =	vgt.f32 v3, v0  }
0x75: {  	v2 =	vsel vm10, $0xFFFFFFFF, v2;
	v0 =	vsel vm10, v3, v0  }
0x76: {  	v36 =	vor.u32 $0x20, v4;
	v3 =	vimm.s32 $0x0;
	[tilespmem:$0x1FF00] =	vst v2;
	v2 =	vld.idx.msk [tilespmem:v34+s2+$0x0], $0xffff;
	vm10 =	vgt.f32 v5, v0  }
0x77: {  	v3 =	vsel vm10, $0xFFFFFFFF, v3  }
0x78: {  	v37 =	vor.u32 $0x21, v4;
	v0 =	vsel vm10, v5, v0;
	[tilespmem:$0x1FF10] =	vst v3;
	v3 =	vld.idx.msk [tilespmem:v35+s2+$0x0], $0xffff  }
0x79: {  	v5 =	vimm.s32 $0x0;
	vm10 =	vgt.f32 v1, v0  }
0x7a: {  	v38 =	vor.u32 $0x22, v4;
	v5 =	vsel vm10, $0xFFFFFFFF, v5;
	v0 =	vsel vm10, v1, v0  }
0x7b: {  	v1 =	vimm.s32 $0x0;
	[tilespmem:$0x1FF20] =	vst v5;
	v5 =	vld.idx.msk [tilespmem:v36+s2+$0x0], $0xffff;
	vm10 =	vgt.f32 v2, v0  }
0x7c: {  	v39 =	vor.u32 $0x23, v4;
	v1 =	vsel vm10, $0xFFFFFFFF, v1;
	v0 =	vsel vm10, v2, v0  }
0x7d: {  	v2 =	vimm.s32 $0x0;
	[tilespmem:$0x1FF30] =	vst v1;
	v1 =	vld.idx.msk [tilespmem:v37+s2+$0x0], $0xffff;
	vm10 =	vgt.f32 v3, v0  }
0x7e: {  	v40 =	vor.u32 $0x24, v4;
	v2 =	vsel vm10, $0xFFFFFFFF, v2  }
0x7f: {  	v0 =	vsel vm10, v3, v0;
	[tilespmem:$0x1FF40] =	vst v2;
	v2 =	vld.idx.msk [tilespmem:v38+s2+$0x0], $0xffff  }
0x80: {  	v41 =	vor.u32 $0x25, v4;
	v3 =	vimm.s32 $0x0;
	vm10 =	vgt.f32 v5, v0  }
0x81: {  	v45 =	vld.idx.msk [tilespmem:v39+s2+$0x0], $0xffff;
	v3 =	vsel vm10, $0xFFFFFFFF, v3;
	v0 =	vsel vm10, v5, v0  }
0x82: {  	[tilespmem:$0x1FF50] =	vst v3;
	v3 =	vsel vm0, $0x1, v10;
	vm14 =	vgt.f32 v1, v0  }
0x83: {  	v5 =	vld.idx.msk [tilespmem:v40+s2+$0x0], $0xffff;
	v3 =	vsel vm1, $0x2, v3;
	v0 =	vsel vm14, v1, v0  }
0x84: {  	v3 =	vsel vm2, $0x3, v3;
	vm13 =	vgt.f32 v2, v0  }
0x85: {  	v42 =	vor.u32 $0x26, v4;
	v1 =	vsel vm3, $0x4, v3;
	v3 =	vld.idx.msk [tilespmem:v41+s2+$0x0], $0xffff;
	v0 =	vsel vm13, v2, v0  }
0x86: {  	vm12 =	vgt.f32 v45, v0  }
0x87: {  	v0 =	vsel vm12, v45, v0  }
0x88: {  	vm11 =	vgt.f32 v5, v0  }
0x89: {  	v0 =	vsel vm11, v5, v0  }
0x8a: {  	v43 =	vor.u32 $0x27, v4;
	v2 =	vld.idx.msk [tilespmem:v42+s2+$0x0], $0xffff;
	vm10 =	vgt.f32 v3, v0  }
0x8b: {  	v1 =	vsel vm4, $0x5, v1;
	v0 =	vsel vm10, v3, v0;
	v3 =	vld [tilespmem:$0x1FE10]  }
0x8c: {  	v1 =	vsel vm5, $0x6, v1  }
0x8d: {  	v1 =	vsel vm6, $0x7, v1  }
0x8e: {  	v44 =	vor.u32 $0x28, v4;
	v1 =	vsel vm7, $0x8, v1;
	v5 =	vld [tilespmem:$0x1FE00]  }
0x8f: {  	v49 =	vld.idx.msk [tilespmem:v43+s2+$0x0], $0xffff;
	v1 =	vsel vm8, $0x9, v1  }
0x90: {  	v1 =	vsel vm9, $0xA, v1;
	vm9 =	vgt.f32 v2, v0;
	vm7 =	vnez.u8 v3;
	v3 =	vld [tilespmem:$0x1FE20]  }
0x91: {  	v0 =	vsel vm9, v2, v0;
	v2 =	vld [tilespmem:$0x1FE30]  }
0x92: {  	v12 =	vmov v6;
	v6 =	vld [tilespmem:$0x1FE50]  }
0x93: {  	v45 =	vor.u32 $0x29, v4;
	vm6 =	vnez.u8 v5;
	v5 =	vld.idx.msk [tilespmem:v44+s2+$0x0], $0xffff  }
0x94: {  	v1 =	vsel vm6, $0xB, v1  }
0x95: {  	v1 =	vsel vm7, $0xC, v1;
	vm8 =	vnez.u8 v3  }
0x96: {  	vm15 =	vnez.u8 v2;
	v2 =	vld [tilespmem:$0x1FE40];
	v1 =	vsel vm8, $0xD, v1;
	vm8 =	vgt.f32 v49, v0  }
0x97: {  	vm5 =	vnez.u8 v6;
	v6 =	vld [tilespmem:$0x1FE60];
	v0 =	vsel vm8, v49, v0  }
0x98: {  	v3 =	vld.idx.msk [tilespmem:v45+s2+$0x0], $0xffff;
	vm7 =	vgt.f32 v5, v0  }
0x99: {  	v0 =	vsel vm7, v5, v0;
	v5 =	vld [tilespmem:$0x1FE70];
	_ =	sdelay $0x1  }
0x9a: {  	v46 =	vor.u32 $0x2A, v4;
	v1 =	vsel vm15, $0xE, v1;
	vm4 =	vnez.u8 v2  }
0x9b: {  	v1 =	vsel vm4, $0xF, v1  }
0x9c: {  	vm6 =	vnez.u8 v6;
	v1 =	vsel vm5, $0x10, v1  }
0x9d: {  	v1 =	vsel vm6, $0x11, v1;
	vm6 =	vgt.f32 v3, v0;
	vm15 =	vnez.u8 v5;
	v5 =	vld [tilespmem:$0x1FE80]  }
0x9e: {  	v0 =	vsel vm6, v3, v0;
	v3 =	vld [tilespmem:$0x1FE90]  }
0x9f: {  	v2 =	vld.idx.msk [tilespmem:v46+s2+$0x0], $0xffff;
	_ =	sdelay $0x2  }
0xa0: {  	v1 =	vsel vm15, $0x12, v1;
	vm4 =	vnez.u8 v5  }
0xa1: {  	v47 =	vor.u32 $0x2B, v4;
	vm5 =	vnez.u8 v3;
	v1 =	vsel vm4, $0x13, v1  }
0xa2: {  	v1 =	vsel vm5, $0x14, v1;
	vm5 =	vgt.f32 v2, v0  }
0xa3: {  	v0 =	vsel vm5, v2, v0;
	v2 =	vld [tilespmem:$0x1FEB0]  }
0xa4: {  	v48 =	vor.u32 $0x2C, v4  }
0xa5: {  	v3 =	vld [tilespmem:$0x1FEA0]  }
0xa6: {  	v53 =	vld.idx.msk [tilespmem:v47+s2+$0x0], $0xffff  }
0xa7: {  	v6 =	vld [tilespmem:$0x1FED0]  }
0xa8: {  	v49 =	vor.u32 $0x2D, v4;
	vm4 =	vnez.u8 v2;
	v2 =	vld [tilespmem:$0x1FEC0]  }
0xa9: {  	v5 =	vld.idx.msk [tilespmem:v48+s2+$0x0], $0xffff  }
0xaa: {  	vm15 =	vnez.u8 v3  }
0xab: {  	v1 =	vsel vm15, $0x15, v1  }
0xac: {  	v1 =	vsel vm4, $0x16, v1;
	vm4 =	vgt.f32 v53, v0  }
0xad: {  	v50 =	vor.u32 $0x2E, v4;
	v3 =	vld.idx.msk [tilespmem:v49+s2+$0x0], $0xffff;
	v0 =	vsel vm4, v53, v0;
	vm15 =	vnez.u8 v2  }
0xae: {  	vm3 =	vgt.f32 v5, v0;
	v1 =	vsel vm15, $0x17, v1;
	vm15 =	vnez.u8 v6;
	v6 =	vld [tilespmem:$0x1FEE0]  }
0xaf: {  	v0 =	vsel vm3, v5, v0;
	v5 =	vld [tilespmem:$0x1FEF0];
	_ =	sdelay $0x3  }
0xb0: {  	v2 =	vld.idx.msk [tilespmem:v50+s2+$0x0], $0xffff;
	v1 =	vsel vm15, $0x18, v1;
	vm15 =	vnez.u8 v6  }
0xb1: {  	vm2 =	vgt.f32 v3, v0;
	v1 =	vsel vm15, $0x19, v1;
	vm15 =	vnez.u8 v5;
	v5 =	vld [tilespmem:$0x1FF00]  }
0xb2: {  	v0 =	vsel vm2, v3, v0;
	v3 =	vld [tilespmem:$0x1FF10];
	_ =	sdelay $0x3  }
0xb3: {  	v51 =	vor.u32 $0x2F, v4;
	v1 =	vsel vm15, $0x1A, v1;
	vm15 =	vnez.u8 v5  }
0xb4: {  	vm1 =	vgt.f32 v2, v0;
	v1 =	vsel vm15, $0x1B, v1;
	vm15 =	vnez.u8 v3;
	v3 =	vld [tilespmem:$0x1FF20]  }
0xb5: {  	v0 =	vsel vm1, v2, v0;
	v2 =	vld [tilespmem:$0x1FF30];
	_ =	sdelay $0x1  }
0xb6: {  	v52 =	vor.u32 $0x30, v4;
	_ =	sdelay $0x1  }
0xb7: {  	v57 =	vld.idx.msk [tilespmem:v51+s2+$0x0], $0xffff;
	v53 =	vor.u32 $0x31, v4;
	v1 =	vsel vm15, $0x1C, v1;
	vm15 =	vnez.u8 v3  }
0xb8: {  	v1 =	vsel vm15, $0x1D, v1;
	vm15 =	vnez.u8 v2;
	v2 =	vld [tilespmem:$0x1FF40]  }
0xb9: {  	v54 =	vor.u32 $0x32, v4;
	v6 =	vld [tilespmem:$0x1FF50]  }
0xba: {  	v5 =	vld.idx.msk [tilespmem:v52+s2+$0x0], $0xffff  }
0xbb: {  	v55 =	vor.u32 $0x33, v4  }
0xbc: {  	v56 =	vor.u32 $0x34, v4;
	v3 =	vld.idx.msk [tilespmem:v53+s2+$0x0], $0xffff  }
0xbd: {  	vm0 =	vgt.f32 v57, v0;
	v1 =	vsel vm15, $0x1E, v1;
	vm15 =	vnez.u8 v2  }
0xbe: {  	v0 =	vsel vm0, v57, v0;
	v2 =	vld.idx.msk [tilespmem:v54+s2+$0x0], $0xffff;
	v1 =	vsel vm15, $0x1F, v1;
	vm15 =	vnez.u8 v6  }
0xbf: {  	v57 =	vor.u32 $0x35, v4;
	v1 =	vsel vm15, $0x20, v1;
	vm15 =	vgt.f32 v5, v0  }
0xc0: {  	v61 =	vld.idx.msk [tilespmem:v55+s2+$0x0], $0xffff;
	v1 =	vsel vm14, $0x21, v1;
	v0 =	vsel vm15, v5, v0  }
0xc1: {  	v58 =	vor.u32 $0x36, v4;
	v1 =	vsel vm13, $0x22, v1;
	vm13 =	vgt.f32 v3, v0  }
0xc2: {  	v62 =	vld.idx.msk [tilespmem:v56+s2+$0x0], $0xffff;
	v1 =	vsel vm12, $0x23, v1;
	v0 =	vsel vm13, v3, v0  }
0xc3: {  	v59 =	vor.u32 $0x37, v4;
	v1 =	vsel vm11, $0x24, v1;
	vm11 =	vgt.f32 v2, v0  }
0xc4: {  	v3 =	vld.idx.msk [tilespmem:v57+s2+$0x0], $0xffff;
	v1 =	vsel vm10, $0x25, v1;
	v0 =	vsel vm11, v2, v0  }
0xc5: {  	v60 =	vor.u32 $0x38, v4;
	v1 =	vsel vm9, $0x26, v1;
	vm9 =	vgt.f32 v61, v0  }
0xc6: {  	v2 =	vld.idx.msk [tilespmem:v58+s2+$0x0], $0xffff;
	v1 =	vsel vm8, $0x27, v1;
	v0 =	vsel vm9, v61, v0  }
0xc7: {  	v1 =	vsel vm7, $0x28, v1;
	vm10 =	vgt.f32 v62, v0  }
0xc8: {  	v5 =	vld.idx.msk [tilespmem:v59+s2+$0x0], $0xffff;
	v1 =	vsel vm6, $0x29, v1;
	v0 =	vsel vm10, v62, v0  }
0xc9: {  	v1 =	vsel vm5, $0x2A, v1;
	vm5 =	vgt.f32 v3, v0  }
0xca: {  	v61 =	vor.u32 $0x39, v4;
	v1 =	vsel vm4, $0x2B, v1;
	v0 =	vsel vm5, v3, v0;
	v3 =	vld.idx.msk [tilespmem:v60+s2+$0x0], $0xffff  }
0xcb: {  	v63 =	vor.u32 $0x3B, v4;
	v1 =	vsel vm3, $0x2C, v1;
	vm12 =	vgt.f32 v2, v0  }
0xcc: {  	v0 =	vsel vm12, v2, v0;
	v1 =	vsel vm2, $0x2D, v1  }
0xcd: {  	v11 =	vmov v9;
	v9 =	vsel vm1, $0x2E, v1;
	vm14 =	vgt.f32 v5, v0  }
0xce: {  	v2 =	vsel vm14, v5, v0;
	v0 =	vsel vm0, $0x2F, v9  }
0xcf: {  	v6 =	vld.idx.msk [tilespmem:v61+s2+$0x0], $0xffff;
	v5 =	vsel vm15, $0x30, v0;
	vm15 =	vgt.f32 v3, v2  }
0xd0: {  	v3 =	vsel vm15, v3, v2;
	v2 =	vsel vm13, $0x31, v5;
	v5 =	vld.idx.msk [tilespmem:v63+s2+$0x0], $0xffff;
	_ =	sdelay $0x1  }
0xd1: {  	v62 =	vor.u32 $0x3A, v4  }
0xd2: {  	v2 =	vsel vm11, $0x32, v2  }
0xd3: {  	vm8 =	vgt.f32 v6, v3;
	[tilespmem:$0x1FF60] =	vst v2  }
0xd4: {  	[tilespmem:$0x1FF80] =	vst v5;
	v5 =	vsel vm8, v6, v3;
	v3 =	vld [tilespmem:$0x1FF60];
	_ =	sdelay $0x1  }
0xd5: {  	v1 =	vor.u32 $0x3C, v4;
	v9 =	vld.idx.msk [tilespmem:v62+s2+$0x0], $0xffff;
	_ =	sdelay $0x2  }
0xd6: {  	v3 =	vsel vm9, $0x33, v3  }
0xd7: {  	v3 =	vsel vm10, $0x34, v3  }
0xd8: {  	v6 =	vld.idx.msk [tilespmem:v1+s2+$0x0], $0xffff;
	vm10 =	vgt.f32 v9, v5;
	[tilespmem:$0x1FF70] =	vst v3  }
0xd9: {  	v5 =	vsel vm10, v9, v5;
	v9 =	vld [tilespmem:$0x1FF70];
	_ =	sdelay $0x4  }
0xda: {  	[tilespmem:$0x1FFA0] =	vst v6;
	v6 =	vsel vm5, $0x35, v9  }
0xdb: {  	v10 =	vsel vm12, $0x36, v6  }
0xdc: {  	[tilespmem:$0x1FF90] =	vst v10;
	v10 =	vld [tilespmem:$0x1FF80];
	_ =	sdelay $0x4  }
0xdd: {  	vm11 =	vgt.f32 v10, v5  }
0xde: {  	v5 =	vsel vm11, v10, v5;
	v10 =	vld [tilespmem:$0x1FF90];
	_ =	sdelay $0x4  }
0xdf: {  	v6 =	vsel vm14, $0x37, v10  }
0xe0: {  	v6 =	vsel vm15, $0x38, v6  }
0xe1: {  	[tilespmem:$0x1FFB0] =	vst v6;
	v6 =	vld [tilespmem:$0x1FFA0];
	_ =	sdelay $0x4  }
0xe2: {  	vm12 =	vgt.f32 v6, v5  }
0xe3: {  	v5 =	vsel vm12, v6, v5;
	v6 =	vld [tilespmem:$0x1FFB0]  }
0xe4: {  	v3 =	vor.u32 $0x3F, v4;
	_ =	sdelay $0x3  }
0xe5: {  	v6 =	vsel vm8, $0x39, v6  }
0xe6: {  	[tilespmem:$0x1FFC0] =	vst v6;
	v6 =	vld.idx.msk [tilespmem:v3+s2+$0x0], $0xffff  }
0xe7: {  	v0 =	vor.u32 $0x3D, v4;
	_ =	sdelay $0x3  }
0xe8: {  	[tilespmem:$0x1FFE0] =	vst v6;
	v6 =	vld [tilespmem:$0x1FFC0]  }
0xe9: {  	v9 =	vld.idx.msk [tilespmem:v0+s2+$0x0], $0xffff;
	_ =	sdelay $0x1  }
0xea: {  	v2 =	vor.u32 $0x3E, v4;
	_ =	sdelay $0x1  }
0xeb: {  	v6 =	vsel vm10, $0x3A, v6  }
0xec: {  	vm13 =	vgt.f32 v9, v5;
	[tilespmem:$0x1FFD0] =	vst v6  }
0xed: {  	v9 =	vsel vm13, v9, v5;
	v5 =	vld [tilespmem:$0x1FFD0]  }
0xee: {  	v10 =	vld.idx.msk [tilespmem:v2+s2+$0x0], $0xffff;
	_ =	sdelay $0x3  }
0xef: {  	v5 =	vsel vm11, $0x3B, v5  }
0xf0: {  	vm14 =	vgt.f32 v10, v9;
	v6 =	vsel vm12, $0x3C, v5  }
0xf1: {  	v5 =	vsel vm14, v10, v9;
	v9 =	vsel vm13, $0x3D, v6;
	v6 =	vld [tilespmem:$0x1FFE0];
	_ =	sdelay $0x4  }
0xf2: {  	vm15 =	vgt.f32 v6, v5;
	v5 =	vsel vm14, $0x3E, v9  }
0xf3: {  	v5 =	vsel vm15, $0x3F, v5  }
0xf4: {  	v6 =	vor.u32 v4, v5;
	_ =	sdelay $0x4  }
0xf5: {  	s18 =	simm.s32 $0x7;
	[tilespmem:v6+s2+$0x0] =	vst.idx.msk $0xffff, v7  }
.LBB2_3:
0xf6: {  	v6 =	vld [tilespmem:$0x1FDA0];
	_ =	sdelay $0x1  }
0xf7: {  	v7 =	vld [tilespmem:$0x1FDB0];
	_ =	sdelay $0x2  }
0xf8: {  	[tilespmem:v5+s15+$0x0] =	vst.idx.add.s32.msk $0xffff, v8  }
0xf9: {  	v5 =	vld.idx.msk [tilespmem:v4+s2+$0x0], $0xffff;
	_ =	sdelay $0x1  }
0xfa: {  	v6 =	vld.idx.msk [tilespmem:v6+s2+$0x0], $0xffff  }
0xfb: {  	v8 =	vld [tilespmem:$0x1FDC0]  }
0xfc: {  	v7 =	vld.idx.msk [tilespmem:v7+s2+$0x0], $0xffff  }
0xfd: {  	vm0 =	vgt.f32 v5, $-Inf  }
0xfe: {  	v9 =	vld [tilespmem:$0x1FDD0];
	v5 =	vnsel vm0, $0xFF800000, v5  }
0xff: {  	vm0 =	vgt.f32 v6, v5  }
0x100: {  	v5 =	vsel vm0, v6, v5;
	v6 =	vld [tilespmem:$0x1FDE0]  }
0x101: {  	vm1 =	vgt.f32 v7, v5  }
0x102: {  	v5 =	vsel vm1, v7, v5;
	v7 =	vld [tilespmem:$0x1FDF0];
	_ =	sdelay $0x1  }
0x103: {  	v8 =	vld.idx.msk [tilespmem:v8+s2+$0x0], $0xffff;
	_ =	sdelay $0x1  }
0x104: {  	v9 =	vld.idx.msk [tilespmem:v9+s2+$0x0], $0xffff;
	_ =	sdelay $0x1  }
0x105: {  	v6 =	vld.idx.msk [tilespmem:v6+s2+$0x0], $0xffff  }
0x106: {  	vm2 =	vgt.f32 v8, v5  }
0x107: {  	v5 =	vsel vm2, v8, v5;
	v7 =	vld.idx.msk [tilespmem:v7+s2+$0x0], $0xffff  }
0x108: {  	vm3 =	vgt.f32 v9, v5  }
0x109: {  	v8 =	vld.idx.msk [tilespmem:v13+s2+$0x0], $0xffff;
	v5 =	vsel vm3, v9, v5  }
0x10a: {  	vm4 =	vgt.f32 v6, v5  }
0x10b: {  	v9 =	vld.idx.msk [tilespmem:v12+s2+$0x0], $0xffff;
	v5 =	vsel vm4, v6, v5  }
0x10c: {  	vm5 =	vgt.f32 v7, v5  }
0x10d: {  	v6 =	vld.idx.msk [tilespmem:v11+s2+$0x0], $0xffff;
	v5 =	vsel vm5, v7, v5  }
0x10e: {  	vm6 =	vgt.f32 v8, v5  }
0x10f: {  	v7 =	vld.idx.msk [tilespmem:v14+s2+$0x0], $0xffff;
	v5 =	vsel vm6, v8, v5  }
0x110: {  	vm7 =	vgt.f32 v9, v5  }
0x111: {  	v8 =	vld.idx.msk [tilespmem:v15+s2+$0x0], $0xffff;
	v5 =	vsel vm7, v9, v5  }
0x112: {  	vm8 =	vgt.f32 v6, v5  }
0x113: {  	v5 =	vsel vm8, v6, v5  }
0x114: {  	v9 =	vld.idx.msk [tilespmem:v16+s2+$0x0], $0xffff;
	vm9 =	vgt.f32 v7, v5  }
0x115: {  	v5 =	vsel vm9, v7, v5  }
0x116: {  	v6 =	vld.idx.msk [tilespmem:v17+s2+$0x0], $0xffff;
	v7 =	vimm.s32 $0x0;
	vm10 =	vgt.f32 v8, v5  }
0x117: {  	v7 =	vsel vm10, $0xFFFFFFFF, v7  }
0x118: {  	v5 =	vsel vm10, v8, v5;
	[tilespmem:$0x1FC30] =	vst v7;
	v7 =	vld.idx.msk [tilespmem:v18+s2+$0x0], $0xffff  }
0x119: {  	v8 =	vimm.s32 $0x0;
	vm10 =	vgt.f32 v9, v5  }
0x11a: {  	v8 =	vsel vm10, $0xFFFFFFFF, v8;
	v5 =	vsel vm10, v9, v5  }
0x11b: {  	v9 =	vimm.s32 $0x0;
	[tilespmem:$0x1FC40] =	vst v8;
	v8 =	vld.idx.msk [tilespmem:v19+s2+$0x0], $0xffff;
	vm10 =	vgt.f32 v6, v5  }
0x11c: {  	v9 =	vsel vm10, $0xFFFFFFFF, v9;
	v5 =	vsel vm10, v6, v5  }
0x11d: {  	v6 =	vimm.s32 $0x0;
	[tilespmem:$0x1FC50] =	vst v9;
	v9 =	vld.idx.msk [tilespmem:v20+s2+$0x0], $0xffff;
	vm10 =	vgt.f32 v7, v5  }
0x11e: {  	v6 =	vsel vm10, $0xFFFFFFFF, v6  }
0x11f: {  	v5 =	vsel vm10, v7, v5;
	[tilespmem:$0x1FC60] =	vst v6;
	v6 =	vld.idx.msk [tilespmem:v21+s2+$0x0], $0xffff  }
0x120: {  	v7 =	vimm.s32 $0x0;
	vm10 =	vgt.f32 v8, v5  }
0x121: {  	v7 =	vsel vm10, $0xFFFFFFFF, v7;
	v5 =	vsel vm10, v8, v5  }
0x122: {  	v8 =	vimm.s32 $0x0;
	[tilespmem:$0x1FC70] =	vst v7;
	v7 =	vld.idx.msk [tilespmem:v22+s2+$0x0], $0xffff;
	vm10 =	vgt.f32 v9, v5  }
0x123: {  	v8 =	vsel vm10, $0xFFFFFFFF, v8;
	v5 =	vsel vm10, v9, v5  }
0x124: {  	v9 =	vimm.s32 $0x0;
	[tilespmem:$0x1FC80] =	vst v8;
	v8 =	vld.idx.msk [tilespmem:v23+s2+$0x0], $0xffff;
	vm10 =	vgt.f32 v6, v5  }
0x125: {  	v9 =	vsel vm10, $0xFFFFFFFF, v9  }
0x126: {  	v5 =	vsel vm10, v6, v5;
	[tilespmem:$0x1FC90] =	vst v9;
	v9 =	vld.idx.msk [tilespmem:v24+s2+$0x0], $0xffff  }
0x127: {  	v6 =	vimm.s32 $0x0;
	vm10 =	vgt.f32 v7, v5  }
0x128: {  	v6 =	vsel vm10, $0xFFFFFFFF, v6;
	v5 =	vsel vm10, v7, v5  }
0x129: {  	v7 =	vimm.s32 $0x0;
	[tilespmem:$0x1FCA0] =	vst v6;
	v6 =	vld.idx.msk [tilespmem:v25+s2+$0x0], $0xffff;
	vm10 =	vgt.f32 v8, v5  }
0x12a: {  	v7 =	vsel vm10, $0xFFFFFFFF, v7;
	v5 =	vsel vm10, v8, v5  }
0x12b: {  	v8 =	vimm.s32 $0x0;
	[tilespmem:$0x1FCB0] =	vst v7;
	v7 =	vld.idx.msk [tilespmem:v26+s2+$0x0], $0xffff;
	vm10 =	vgt.f32 v9, v5  }
0x12c: {  	v8 =	vsel vm10, $0xFFFFFFFF, v8  }
0x12d: {  	v5 =	vsel vm10, v9, v5;
	[tilespmem:$0x1FCC0] =	vst v8;
	v8 =	vld.idx.msk [tilespmem:v27+s2+$0x0], $0xffff  }
0x12e: {  	v9 =	vimm.s32 $0x0;
	vm10 =	vgt.f32 v6, v5  }
0x12f: {  	v9 =	vsel vm10, $0xFFFFFFFF, v9;
	v5 =	vsel vm10, v6, v5  }
0x130: {  	v6 =	vimm.s32 $0x0;
	[tilespmem:$0x1FCD0] =	vst v9;
	v9 =	vld.idx.msk [tilespmem:v28+s2+$0x0], $0xffff;
	vm10 =	vgt.f32 v7, v5  }
0x131: {  	v6 =	vsel vm10, $0xFFFFFFFF, v6;
	v5 =	vsel vm10, v7, v5  }
0x132: {  	v7 =	vimm.s32 $0x0;
	[tilespmem:$0x1FCE0] =	vst v6;
	v6 =	vld.idx.msk [tilespmem:v29+s2+$0x0], $0xffff;
	vm10 =	vgt.f32 v8, v5  }
0x133: {  	v7 =	vsel vm10, $0xFFFFFFFF, v7  }
0x134: {  	v5 =	vsel vm10, v8, v5;
	[tilespmem:$0x1FCF0] =	vst v7;
	v7 =	vld.idx.msk [tilespmem:v30+s2+$0x0], $0xffff  }
0x135: {  	v8 =	vimm.s32 $0x0;
	vm10 =	vgt.f32 v9, v5  }
0x136: {  	v8 =	vsel vm10, $0xFFFFFFFF, v8;
	v5 =	vsel vm10, v9, v5  }
0x137: {  	v9 =	vimm.s32 $0x0;
	[tilespmem:$0x1FD00] =	vst v8;
	v8 =	vld.idx.msk [tilespmem:v31+s2+$0x0], $0xffff;
	vm10 =	vgt.f32 v6, v5  }
0x138: {  	v9 =	vsel vm10, $0xFFFFFFFF, v9;
	v5 =	vsel vm10, v6, v5  }
0x139: {  	v6 =	vimm.s32 $0x0;
	[tilespmem:$0x1FD10] =	vst v9;
	v9 =	vld.idx.msk [tilespmem:v32+s2+$0x0], $0xffff;
	vm10 =	vgt.f32 v7, v5  }
0x13a: {  	v6 =	vsel vm10, $0xFFFFFFFF, v6  }
0x13b: {  	v5 =	vsel vm10, v7, v5;
	[tilespmem:$0x1FD20] =	vst v6;
	v6 =	vld.idx.msk [tilespmem:v33+s2+$0x0], $0xffff  }
0x13c: {  	v7 =	vimm.s32 $0x0;
	vm10 =	vgt.f32 v8, v5  }
0x13d: {  	v7 =	vsel vm10, $0xFFFFFFFF, v7;
	v5 =	vsel vm10, v8, v5  }
0x13e: {  	v8 =	vimm.s32 $0x0;
	[tilespmem:$0x1FD30] =	vst v7;
	v7 =	vld.idx.msk [tilespmem:v34+s2+$0x0], $0xffff;
	vm10 =	vgt.f32 v9, v5  }
0x13f: {  	v8 =	vsel vm10, $0xFFFFFFFF, v8;
	v5 =	vsel vm10, v9, v5  }
0x140: {  	v9 =	vimm.s32 $0x0;
	[tilespmem:$0x1FD40] =	vst v8;
	v8 =	vld.idx.msk [tilespmem:v35+s2+$0x0], $0xffff;
	vm10 =	vgt.f32 v6, v5  }
0x141: {  	v9 =	vsel vm10, $0xFFFFFFFF, v9  }
0x142: {  	v5 =	vsel vm10, v6, v5;
	[tilespmem:$0x1FD50] =	vst v9;
	v9 =	vld.idx.msk [tilespmem:v36+s2+$0x0], $0xffff  }
0x143: {  	v6 =	vimm.s32 $0x0;
	vm10 =	vgt.f32 v7, v5  }
0x144: {  	v6 =	vsel vm10, $0xFFFFFFFF, v6;
	v5 =	vsel vm10, v7, v5  }
0x145: {  	v7 =	vimm.s32 $0x0;
	[tilespmem:$0x1FD60] =	vst v6;
	v6 =	vld.idx.msk [tilespmem:v37+s2+$0x0], $0xffff;
	vm10 =	vgt.f32 v8, v5  }
0x146: {  	v7 =	vsel vm10, $0xFFFFFFFF, v7;
	v5 =	vsel vm10, v8, v5  }
0x147: {  	v8 =	vimm.s32 $0x0;
	[tilespmem:$0x1FD80] =	vst v7;
	v7 =	vld.idx.msk [tilespmem:v38+s2+$0x0], $0xffff;
	vm10 =	vgt.f32 v9, v5  }
0x148: {  	v8 =	vsel vm10, $0xFFFFFFFF, v8  }
0x149: {  	v10 =	vimm.s32 $0x0;
	v5 =	vsel vm10, v9, v5;
	[tilespmem:$0x1FD90] =	vst v8;
	v8 =	vld.idx.msk [tilespmem:v39+s2+$0x0], $0xffff  }
0x14a: {  	v10 =	vsel vm0, $0x1, v10;
	vm14 =	vgt.f32 v6, v5  }
0x14b: {  	v9 =	vsel vm1, $0x2, v10;
	v10 =	vld.idx.msk [tilespmem:v40+s2+$0x0], $0xffff;
	v5 =	vsel vm14, v6, v5  }
0x14c: {  	vm13 =	vgt.f32 v7, v5  }
0x14d: {  	v9 =	vsel vm2, $0x3, v9;
	v5 =	vsel vm13, v7, v5  }
0x14e: {  	v6 =	vsel vm3, $0x4, v9;
	v9 =	vld.idx.msk [tilespmem:v41+s2+$0x0], $0xffff;
	vm12 =	vgt.f32 v8, v5  }
0x14f: {  	v7 =	vld.idx.msk [tilespmem:v42+s2+$0x0], $0xffff;
	v5 =	vsel vm12, v8, v5  }
0x150: {  	v8 =	vld.idx.msk [tilespmem:v43+s2+$0x0], $0xffff;
	vm11 =	vgt.f32 v10, v5  }
0x151: {  	v5 =	vsel vm11, v10, v5;
	v10 =	vld.idx.msk [tilespmem:v44+s2+$0x0], $0xffff;
	[tilespmem:$0x1FD70] =	vst v0  }
0x152: {  	v0 =	vld [tilespmem:$0x1FC30];
	_ =	sdelay $0x2  }
0x153: {  	v6 =	vsel vm4, $0x5, v6  }
0x154: {  	v6 =	vsel vm5, $0x6, v6  }
0x155: {  	v6 =	vsel vm6, $0x7, v6;
	vm10 =	vgt.f32 v9, v5;
	vm6 =	vnez.u8 v0;
	v0 =	vld [tilespmem:$0x1FD70]  }
0x156: {  	v5 =	vsel vm10, v9, v5;
	v9 =	vld [tilespmem:$0x1FC40];
	_ =	sdelay $0x4  }
0x157: {  	v6 =	vsel vm7, $0x8, v6;
	vm7 =	vnez.u8 v9;
	v9 =	vld.idx.msk [tilespmem:v45+s2+$0x0], $0xffff;
	[tilespmem:$0x1FD70] =	vst v0  }
0x158: {  	v0 =	vld [tilespmem:$0x1FC50];
	_ =	sdelay $0x3  }
0x159: {  	v6 =	vsel vm8, $0x9, v6  }
0x15a: {  	v6 =	vsel vm9, $0xA, v6;
	vm9 =	vgt.f32 v7, v5;
	vm8 =	vnez.u8 v0;
	v0 =	vld [tilespmem:$0x1FD70]  }
0x15b: {  	v5 =	vsel vm9, v7, v5;
	v7 =	vld [tilespmem:$0x1FC60];
	_ =	sdelay $0x4  }
0x15c: {  	vm15 =	vnez.u8 v7;
	v7 =	vld.idx.msk [tilespmem:v46+s2+$0x0], $0xffff;
	[tilespmem:$0x1FD70] =	vst v0  }
0x15d: {  	v0 =	vld [tilespmem:$0x1FC70];
	_ =	sdelay $0x2  }
0x15e: {  	v6 =	vsel vm6, $0xB, v6  }
0x15f: {  	v6 =	vsel vm7, $0xC, v6  }
0x160: {  	v6 =	vsel vm8, $0xD, v6;
	vm8 =	vgt.f32 v8, v5;
	vm4 =	vnez.u8 v0;
	v0 =	vld [tilespmem:$0x1FD70]  }
0x161: {  	v5 =	vsel vm8, v8, v5;
	v8 =	vld [tilespmem:$0x1FC80];
	_ =	sdelay $0x4  }
0x162: {  	vm5 =	vnez.u8 v8;
	v8 =	vld.idx.msk [tilespmem:v47+s2+$0x0], $0xffff;
	[tilespmem:$0x1FD70] =	vst v0  }
0x163: {  	v0 =	vld [tilespmem:$0x1FC90];
	_ =	sdelay $0x4  }
0x164: {  	vm7 =	vgt.f32 v10, v5;
	vm6 =	vnez.u8 v0;
	v0 =	vld [tilespmem:$0x1FD70]  }
0x165: {  	v5 =	vsel vm7, v10, v5;
	v10 =	vld [tilespmem:$0x1FCA0];
	_ =	sdelay $0x4  }
0x166: {  	v6 =	vsel vm15, $0xE, v6;
	vm15 =	vnez.u8 v10;
	v10 =	vld.idx.msk [tilespmem:v48+s2+$0x0], $0xffff;
	[tilespmem:$0x1FD70] =	vst v0  }
0x167: {  	v0 =	vld [tilespmem:$0x1FCB0];
	_ =	sdelay $0x2  }
0x168: {  	v6 =	vsel vm4, $0xF, v6  }
0x169: {  	v6 =	vsel vm5, $0x10, v6  }
0x16a: {  	v6 =	vsel vm6, $0x11, v6;
	vm6 =	vgt.f32 v9, v5;
	vm4 =	vnez.u8 v0;
	v0 =	vld [tilespmem:$0x1FD70]  }
0x16b: {  	v5 =	vsel vm6, v9, v5;
	v9 =	vld [tilespmem:$0x1FCC0];
	_ =	sdelay $0x4  }
0x16c: {  	vm5 =	vnez.u8 v9;
	v9 =	vld.idx.msk [tilespmem:v49+s2+$0x0], $0xffff;
	[tilespmem:$0x1FD70] =	vst v0  }
0x16d: {  	v0 =	vld [tilespmem:$0x1FCD0];
	_ =	sdelay $0x2  }
0x16e: {  	v6 =	vsel vm15, $0x12, v6  }
0x16f: {  	v6 =	vsel vm4, $0x13, v6  }
0x170: {  	v6 =	vsel vm5, $0x14, v6;
	vm5 =	vgt.f32 v7, v5;
	vm15 =	vnez.u8 v0;
	v0 =	vld [tilespmem:$0x1FD70]  }
0x171: {  	v5 =	vsel vm5, v7, v5;
	v7 =	vld [tilespmem:$0x1FCE0];
	_ =	sdelay $0x4  }
0x172: {  	vm4 =	vnez.u8 v7;
	v7 =	vld.idx.msk [tilespmem:v50+s2+$0x0], $0xffff;
	[tilespmem:$0x1FD70] =	vst v0  }
0x173: {  	v0 =	vld [tilespmem:$0x1FCF0];
	_ =	sdelay $0x3  }
0x174: {  	v6 =	vsel vm15, $0x15, v6  }
0x175: {  	v6 =	vsel vm4, $0x16, v6;
	vm4 =	vgt.f32 v8, v5;
	vm15 =	vnez.u8 v0;
	v0 =	vld [tilespmem:$0x1FD70]  }
0x176: {  	v5 =	vsel vm4, v8, v5;
	v8 =	vld [tilespmem:$0x1FD00];
	_ =	sdelay $0x4  }
0x177: {  	v6 =	vsel vm15, $0x17, v6;
	vm15 =	vnez.u8 v8;
	v8 =	vld.idx.msk [tilespmem:v51+s2+$0x0], $0xffff;
	[tilespmem:$0x1FD70] =	vst v0  }
0x178: {  	v0 =	vld [tilespmem:$0x1FD10];
	_ =	sdelay $0x4  }
0x179: {  	vm3 =	vgt.f32 v10, v5;
	v6 =	vsel vm15, $0x18, v6;
	vm15 =	vnez.u8 v0;
	v0 =	vld [tilespmem:$0x1FD70]  }
0x17a: {  	v5 =	vsel vm3, v10, v5;
	v10 =	vld [tilespmem:$0x1FD20];
	_ =	sdelay $0x4  }
0x17b: {  	v6 =	vsel vm15, $0x19, v6;
	vm15 =	vnez.u8 v10;
	v10 =	vld.idx.msk [tilespmem:v52+s2+$0x0], $0xffff;
	[tilespmem:$0x1FD70] =	vst v0  }
0x17c: {  	v0 =	vld [tilespmem:$0x1FD30];
	_ =	sdelay $0x4  }
0x17d: {  	vm2 =	vgt.f32 v9, v5;
	v6 =	vsel vm15, $0x1A, v6;
	vm15 =	vnez.u8 v0;
	v0 =	vld [tilespmem:$0x1FD70]  }
0x17e: {  	v5 =	vsel vm2, v9, v5;
	v9 =	vld [tilespmem:$0x1FD40];
	_ =	sdelay $0x4  }
0x17f: {  	v6 =	vsel vm15, $0x1B, v6;
	vm15 =	vnez.u8 v9;
	v9 =	vld.idx.msk [tilespmem:v53+s2+$0x0], $0xffff;
	[tilespmem:$0x1FD70] =	vst v0  }
0x180: {  	v0 =	vld [tilespmem:$0x1FD50];
	_ =	sdelay $0x4  }
0x181: {  	vm1 =	vgt.f32 v7, v5;
	v6 =	vsel vm15, $0x1C, v6;
	vm15 =	vnez.u8 v0;
	v0 =	vld [tilespmem:$0x1FD70]  }
0x182: {  	v5 =	vsel vm1, v7, v5;
	v7 =	vld [tilespmem:$0x1FD60];
	_ =	sdelay $0x4  }
0x183: {  	v6 =	vsel vm15, $0x1D, v6;
	vm15 =	vnez.u8 v7;
	v7 =	vld.idx.msk [tilespmem:v54+s2+$0x0], $0xffff;
	[tilespmem:$0x1FD70] =	vst v0  }
0x184: {  	v0 =	vld [tilespmem:$0x1FD80];
	_ =	sdelay $0x4  }
0x185: {  	vm0 =	vgt.f32 v8, v5;
	v6 =	vsel vm15, $0x1E, v6;
	vm15 =	vnez.u8 v0;
	v0 =	vld [tilespmem:$0x1FD70]  }
0x186: {  	v5 =	vsel vm0, v8, v5;
	v8 =	vld [tilespmem:$0x1FD90];
	_ =	sdelay $0x4  }
0x187: {  	v6 =	vsel vm15, $0x1F, v6;
	vm15 =	vnez.u8 v8  }
0x188: {  	v6 =	vsel vm15, $0x20, v6;
	vm15 =	vgt.f32 v10, v5  }
0x189: {  	v8 =	vld.idx.msk [tilespmem:v55+s2+$0x0], $0xffff;
	v6 =	vsel vm14, $0x21, v6;
	v5 =	vsel vm15, v10, v5  }
0x18a: {  	v6 =	vsel vm13, $0x22, v6;
	vm13 =	vgt.f32 v9, v5  }
0x18b: {  	v10 =	vld.idx.msk [tilespmem:v56+s2+$0x0], $0xffff;
	v6 =	vsel vm12, $0x23, v6;
	v5 =	vsel vm13, v9, v5  }
0x18c: {  	v6 =	vsel vm11, $0x24, v6;
	vm11 =	vgt.f32 v7, v5  }
0x18d: {  	v9 =	vld.idx.msk [tilespmem:v57+s2+$0x0], $0xffff;
	v6 =	vsel vm10, $0x25, v6;
	v5 =	vsel vm11, v7, v5  }
0x18e: {  	v6 =	vsel vm9, $0x26, v6;
	vm9 =	vgt.f32 v8, v5  }
0x18f: {  	v7 =	vld.idx.msk [tilespmem:v58+s2+$0x0], $0xffff;
	v6 =	vsel vm8, $0x27, v6;
	v5 =	vsel vm9, v8, v5  }
0x190: {  	v6 =	vsel vm7, $0x28, v6;
	vm10 =	vgt.f32 v10, v5  }
0x191: {  	v8 =	vld.idx.msk [tilespmem:v59+s2+$0x0], $0xffff;
	v6 =	vsel vm6, $0x29, v6;
	v5 =	vsel vm10, v10, v5  }
0x192: {  	v6 =	vsel vm5, $0x2A, v6;
	vm5 =	vgt.f32 v9, v5  }
0x193: {  	v10 =	vld.idx.msk [tilespmem:v60+s2+$0x0], $0xffff;
	v6 =	vsel vm4, $0x2B, v6;
	v5 =	vsel vm5, v9, v5  }
0x194: {  	v6 =	vsel vm3, $0x2C, v6;
	vm12 =	vgt.f32 v7, v5  }
0x195: {  	v9 =	vld.idx.msk [tilespmem:v61+s2+$0x0], $0xffff;
	v6 =	vsel vm2, $0x2D, v6;
	v5 =	vsel vm12, v7, v5  }
0x196: {  	v6 =	vsel vm1, $0x2E, v6;
	vm14 =	vgt.f32 v8, v5  }
0x197: {  	v7 =	vld.idx.msk [tilespmem:v62+s2+$0x0], $0xffff;
	v6 =	vsel vm0, $0x2F, v6;
	v5 =	vsel vm14, v8, v5  }
0x198: {  	v6 =	vsel vm15, $0x30, v6;
	vm15 =	vgt.f32 v10, v5  }
0x199: {  	v8 =	vld.idx.msk [tilespmem:v63+s2+$0x0], $0xffff;
	v6 =	vsel vm13, $0x31, v6;
	v5 =	vsel vm15, v10, v5  }
0x19a: {  	v6 =	vsel vm11, $0x32, v6;
	vm8 =	vgt.f32 v9, v5  }
0x19b: {  	v10 =	vld.idx.msk [tilespmem:v1+s2+$0x0], $0xffff;
	v6 =	vsel vm9, $0x33, v6;
	v5 =	vsel vm8, v9, v5  }
0x19c: {  	v6 =	vsel vm10, $0x34, v6;
	vm10 =	vgt.f32 v7, v5  }
0x19d: {  	v9 =	vld.idx.msk [tilespmem:v0+s2+$0x0], $0xffff;
	v6 =	vsel vm5, $0x35, v6;
	v5 =	vsel vm10, v7, v5  }
0x19e: {  	v6 =	vsel vm12, $0x36, v6;
	vm11 =	vgt.f32 v8, v5  }
0x19f: {  	v7 =	vld.idx.msk [tilespmem:v2+s2+$0x0], $0xffff;
	v6 =	vsel vm14, $0x37, v6;
	v5 =	vsel vm11, v8, v5  }
0x1a0: {  	v6 =	vsel vm15, $0x38, v6;
	vm12 =	vgt.f32 v10, v5  }
0x1a1: {  	v8 =	vld.idx.msk [tilespmem:v3+s2+$0x0], $0xffff;
	v6 =	vsel vm8, $0x39, v6;
	v5 =	vsel vm12, v10, v5  }
0x1a2: {  	v6 =	vsel vm10, $0x3A, v6;
	vm13 =	vgt.f32 v9, v5  }
0x1a3: {  	v6 =	vsel vm11, $0x3B, v6;
	v5 =	vsel vm13, v9, v5  }
0x1a4: {  	v6 =	vsel vm12, $0x3C, v6;
	vm14 =	vgt.f32 v7, v5  }
0x1a5: {  	v6 =	vsel vm13, $0x3D, v6;
	v5 =	vsel vm14, v7, v5  }
0x1a6: {  	v6 =	vsel vm14, $0x3E, v6;
	vm15 =	vgt.f32 v8, v5  }
0x1a7: {  	v5 =	vsel vm15, $0x3F, v6  }
0x1a8: {  	p0 =	sne.s32 s18, $0x1;
	v6 =	vor.u32 v4, v5  }
.Ltmp0:
0x1a9: {  	_ = 	snop;
	(pc) =	sbr.rel @p0 .LBB2_3-.Ltmp0, $3  }
0x1aa: {  	_ =	sdelay $0x1  }
0x1ab: {  	v7 =	vimm.f32 $-Inf  }
0x1ac: {  	s18 =	sadd.s32 $0xFFFFFFFF, s18;
	v10 =	vimm.s32 $0x0;
	v8 =	vimm.s32 $0x4;
	[tilespmem:v6+s2+$0x0] =	vst.idx.msk $0xffff, v7  }
0x1ad: {  	s17 =	sadd.s32 $0x1, s17  }
0x1ae: {  	p0 =	sne.s32 s17, $0x20  }
.Ltmp1:
0x1af: {  	_ = 	snop;
	(pc) =	sbr.rel @p0 .LBB2_2-.Ltmp1, $2  }
0x1b0: {  	_ =	sdelay $0x2  }
0x1b1: {  	[tilespmem:v5+s15+$0x0] =	vst.idx.add.s32.msk $0xffff, v8  }
0x1b2: {  	s16 =	sadd.s32 $0x1, s16  }
0x1b3: {  	p0 =	sne.s32 s16, s10  }
.Ltmp2:
0x1b4: {  	_ = 	snop;
	(pc) =	sbr.rel @p0 .LBB2_1-.Ltmp2, $4  }
0x1b5: {  	[hbm4b:s9+s2] =	stream.linear.scatter [tilespmem:s15], [sflag:$0x3], $0x40, $0x38;
	[tilespmem:$0x11080] =	vst v63  }
0x1b6: {  	_ =	swait.ge [sflag:s13], $0x40  }
0x1b7: {  	[sflag:s13] =	ssyncset.done $0x0  }
0x1b8: {  	[sflag:s13] =	ssyncadd.s32 $0xFFFFFFC0  }
0x1b9: {  	_ =	sfence.sel $0x180000  }
0x1ba: {  	[bflag:$0x0] =	sbarrier.arrive $0xFFFF  }
0x1bb: {  	p0 =	sne.s32 s1, $0x0;
	_ =	strace $0x90000047  }
0x1bc: {  	s0 =	sadd.s32 @!p0 $0x100000, s0;
	[bflag:$0x2] =	sbarrier.arrive $0xFFFF  }
0x1bd: {  	[sflag:s0] =	ssyncadd.tile.s32 @!p0 $0x1;
	_ =	shalt  }
.Lfunc_end2:
_tile_overlayer_lowered:
.L_overlay_start_2:
0x1be: {  	(tag) =	ssettag $0x2  }
0x1bf: {  	s0 =	rddreg [dreg:$0x0];
	s2 =	stileid.u32  }
0x1c0: {  	s1 =	rddreg [dreg:$0x1];
	p0 =	sne.s32 s2, $0x0  }
0x1c1: {  	s3 =	rddreg [dreg:$0x2];
	[bflag:$0x3] =	sbarrier.arrive $0xFFFF;
	s2 =	simm.s32 @!p0 $0x1C03  }
0x1c2: {  	[timem:s3], [sflag:s2] =	dma.local @!p0 [hbm:s0], s1  }
0x1c3: {  	s0 =	simm.s32 @!p0 $0x3  }
0x1c4: {  	_ =	swait.ge @!p0 [sflag:s0], s1  }
0x1c5: {  	s1 =	ssub.s32 @!p0 $0x0, s1;
	[sflag:s0] =	ssyncset.done @!p0 $0x0  }
0x1c6: {  	[sflag:s0] =	ssyncadd.s32 @!p0 s1  }
0x1c7: {  	[bflag:$0x3] =	sbarrier.arrive $0xFFFF  }
0x1c8: {  	_ =	shalt  }

</sc_bundles>
